<compile_context>
chip_gen: v7x
topology: tpu7x:2x2x1
jax: 0.10.2.dev20260603
libtpu: 0.0.44.dev20260713+nightly
codegen_flags: <defaults>
</compile_context>

<pallas_src>
import functools

import jax
import jax.numpy as jnp
from jax import lax
from jax.experimental import pallas as pl
from jax.experimental.pallas import tpu as pltpu
from jax.experimental.pallas import tpu_sc as plsc

N_ROWS = 2097152
NC = 2
NS = 16
NW = NC * NS
COLS_PER_W = N_ROWS // NW
COLS_CHUNK = 2048
N_CHUNKS = COLS_PER_W // COLS_CHUNK
GROUPS = COLS_CHUNK // 16

MAGIC = 12582912.0


def _quantize_group(xs):
    f_ = [(xs[c] + MAGIC) - MAGIC for c in range(8)]
    d_ = [xs[c] - f_[c] for c in range(8)]
    a_ = [jnp.abs(d_[c]) for c in range(8)]
    neg = [d_[c] < 0.0 for c in range(8)]
    sgn = [jnp.where(neg[c], -1.0, 1.0) for c in range(8)]

    def tree(op, vs):
        t0 = op(vs[0], vs[1]); t1 = op(vs[2], vs[3])
        t2 = op(vs[4], vs[5]); t3 = op(vs[6], vs[7])
        return op(op(t0, t1), op(t2, t3))

    m_a = tree(jnp.maximum, a_)
    m_n = tree(jnp.minimum, a_)
    sum_f = tree(jnp.add, f_)
    sum_a = tree(jnp.add, a_)

    u_a = lax.bitcast_convert_type(sum_f + MAGIC, jnp.int32)
    odd_a = (u_a & 1) == 1
    odd_b = odd_a ^ tree(jnp.logical_xor, neg)

    adj_a = jnp.where(odd_a, 1.0 - 2.0 * m_a, 0.0)
    adj_b = jnp.where(odd_b, 2.0 * m_n, 0.0)
    win_b = ((2.0 - sum_a) + adj_b) - adj_a < 0.0

    m_w = jnp.where(win_b, m_n, m_a)
    k_w = jnp.zeros((16,), jnp.int32)
    s_w = jnp.zeros((16,), jnp.float32)
    for c in range(7, -1, -1):
        ck = a_[c] == m_w
        k_w = jnp.where(ck, c, k_w)
        s_w = jnp.where(ck, sgn[c], s_w)
    fix_w = jnp.where(win_b, -s_w, s_w)
    odd_w = jnp.where(win_b, odd_b, odd_a)
    val_w = jnp.where(odd_w, fix_w, 0.0)
    halfwin = jnp.where(win_b, 0.5, 0.0)

    ys = [f_[c] + halfwin * sgn[c] for c in range(8)]
    return ys, k_w, val_w


def _compute_chunk(buf_in, buf_out):
    iota = lax.iota(jnp.int32, 16)

    def group_body(g, c2):
        for u in range(4):
            o = g * 64 + u * 16
            xs = [buf_in[c, pl.ds(o, 16)] for c in range(8)]
            ys, k_w, val_w = _quantize_group(xs)
            for c in range(8):
                buf_out[c, pl.ds(o, 16)] = ys[c]
            plsc.addupdate_scatter(buf_out, [k_w, iota + o], val_w)
        return c2

    lax.fori_loop(0, GROUPS // 4, group_body, 0)


def _sc_body(xt_hbm, out_hbm, in0, in1, ou0, ou1, si0, si1, so0, so1):
    cid = lax.axis_index("c")
    sid = lax.axis_index("s")
    wid = sid * NC + cid
    base_col = wid * COLS_PER_W
    ins, outs = (in0, in1), (ou0, ou1)
    sin, son = (si0, si1), (so0, so1)

    def src(i):
        return xt_hbm.at[:, pl.ds(base_col + i * COLS_CHUNK, COLS_CHUNK)]

    def dst(i):
        return out_hbm.at[:, pl.ds(base_col + i * COLS_CHUNK, COLS_CHUNK)]

    pltpu.async_copy(src(0), ins[0], sin[0])

    def pair_body(j, carry):
        for b in (0, 1):
            i = 2 * j + b
            nb = 1 - b

            @pl.when(i + 1 < N_CHUNKS)
            def _():
                pltpu.async_copy(src(i + 1), ins[nb], sin[nb])

            pltpu.make_async_copy(src(i), ins[b], sin[b]).wait()

            @pl.when(i >= 2)
            def _():
                pltpu.make_async_copy(outs[b], dst(i - 2), son[b]).wait()

            _compute_chunk(ins[b], outs[b])
            pltpu.async_copy(outs[b], dst(i), son[b])
        return carry

    lax.fori_loop(0, N_CHUNKS // 2, pair_body, 0)
    pltpu.make_async_copy(outs[0], dst(N_CHUNKS - 2), son[0]).wait()
    pltpu.make_async_copy(outs[1], dst(N_CHUNKS - 1), son[1]).wait()


@jax.jit
def _e8_quantize_t(xt):
    run = functools.partial(
        pl.kernel,
        out_type=jax.ShapeDtypeStruct((8, N_ROWS), jnp.float32),
        mesh=plsc.VectorSubcoreMesh(core_axis_name="c", subcore_axis_name="s"),
        scratch_types=[
            pltpu.VMEM((8, COLS_CHUNK), jnp.float32),
            pltpu.VMEM((8, COLS_CHUNK), jnp.float32),
            pltpu.VMEM((8, COLS_CHUNK), jnp.float32),
            pltpu.VMEM((8, COLS_CHUNK), jnp.float32),
            pltpu.SemaphoreType.DMA,
            pltpu.SemaphoreType.DMA,
            pltpu.SemaphoreType.DMA,
            pltpu.SemaphoreType.DMA,
        ],
        compiler_params=pltpu.CompilerParams(
            needs_layout_passes=False, use_tc_tiling_on_sc=True),
    )
    return run(_sc_body)(xt)


def kernel(x):
    return _e8_quantize_t(x.T).T

# --- scband reference (transcript-rebuilt; emitter-appended) ---
"""Pipeline reference for scband-e8-quantizer-59785944760424 (READ-ONLY COPY).

The authoritative reference and input builder live on the scoring server;
editing this copy changes nothing except your own understanding.
"""

import jax, jax.numpy as jnp
import numpy as np


def _d8_quantize(x):
    # f(x): round to nearest integer point (round-half-to-even, matching torch.round)
    f_x = jnp.round(x)
    delta = x - f_x
    delta_abs = jnp.abs(delta)
    # coordinate with largest rounding error
    k = jnp.argmax(delta_abs, axis=1)
    dk = jnp.take_along_axis(delta, k[:, None], axis=1)[:, 0]
    fix = jnp.where(dk < 0, -1.0, 1.0).astype(x.dtype)
    rows = jnp.arange(x.shape[0])
    # g(x): flip the worst coordinate by +/-1 (scatter-add of a single element per row)
    g_x = f_x.at[rows, k].add(fix)
    g_comp_sum = jnp.sum(g_x, axis=1)
    idx_g_even = (jnp.mod(g_comp_sum, 2.0) == 0)
    # wherever g has even coordinate sum, use g; else keep f
    return jnp.where(idx_g_even[:, None], g_x, f_x)


def _e8_forward(x):
    # E8 = D8 union (D8 + 1/2)
    y1 = _d8_quantize(x)
    y2 = _d8_quantize(x - 0.5) + 0.5
    codebooks = jnp.stack((y1, y2), axis=1)  # [N, 2, 8]
    s1 = jnp.linalg.norm(x - y1, axis=1)
    s2 = jnp.linalg.norm(x - y2, axis=1)
    scores = jnp.stack((s1, s2), axis=1)  # [N, 2]
    idx = jnp.argmin(scores, axis=1)
    rows = jnp.arange(codebooks.shape[0])
    y = codebooks[rows, idx, :]  # gather selected coset per row
    return y


def setup_inputs(seed: int = 0) -> dict:
    key = jax.random.key(seed)
    x = jax.random.normal(key, (2097152, 8), dtype=jnp.float32)
    return {"x": x}


def reference(x):
    return _e8_forward(x)

if __name__ == "__main__":
    import jax
    _d = setup_inputs()
    print(jax.jit(kernel)(*tuple(_d.values())))

</pallas_src>

<mosaic_0001>
#map = affine_map<(d0, d1) -> (0, 0)>
module attributes {stable_mosaic.version = 14 : i64} {
  func.func @_sc_body(%arg0: i32, %arg1: i32, %arg2: memref<8x2097152xf32, #tpu.memory_space<hbm>>, %arg3: memref<8x2097152xf32, #tpu.memory_space<hbm>>, %arg4: memref<8x2048xf32, #tpu.memory_space<vmem>>, %arg5: memref<8x2048xf32, #tpu.memory_space<vmem>>, %arg6: memref<8x2048xf32, #tpu.memory_space<vmem>>, %arg7: memref<8x2048xf32, #tpu.memory_space<vmem>>, %arg8: memref<!tpu.dma_semaphore, #tpu.memory_space<semaphore_mem>>, %arg9: memref<!tpu.dma_semaphore, #tpu.memory_space<semaphore_mem>>, %arg10: memref<!tpu.dma_semaphore, #tpu.memory_space<semaphore_mem>>, %arg11: memref<!tpu.dma_semaphore, #tpu.memory_space<semaphore_mem>>) attributes {dimension_semantics = [#tpu.dimension_semantics<core_parallel>, #tpu.dimension_semantics<subcore_parallel>], iteration_bounds = array<i64: 2, 16>, scalar_prefetch = 0 : i64, scratch_operands = 8 : i64, tpu.core_type = #tpu.core_type<sc_vector_subcore>, window_params = [{transform_indices = #map}, {transform_indices = #map}]} {
    %mul3A = arith.constant 2 : i32
    %mul3A_0 = arith.muli %arg1, %mul3A : i32
    %add3A = arith.addi %mul3A_0, %arg0 : i32
    %mul3A_1 = arith.constant 65536 : i32
    %mul3A_2 = arith.muli %add3A, %mul3A_1 : i32
    %add3A_3 = arith.constant 0 : i32
    %add3A_4 = arith.addi %mul3A_2, %add3A_3 : i32
    %dma_start3A = arith.constant 0 : i32
    %dma_start3A_5 = tpu.memref_slice %arg2[%dma_start3A, %add3A_4] : memref<8x2097152xf32, #tpu.memory_space<hbm>> -> memref<8x2048xf32, #tpu.memory_space<hbm>>
    %dma_start3A_6 = arith.constant 0 : i32
    %dma_start3A_7 = tpu.memref_slice %arg2[%dma_start3A_6, %add3A_4] : memref<8x2097152xf32, #tpu.memory_space<hbm>> -> memref<8x2048xf32, #tpu.memory_space<hbm>>
    tpu.enqueue_dma source(%dma_start3A_7 : memref<8x2048xf32, #tpu.memory_space<hbm>>) target(%arg4 : memref<8x2048xf32, #tpu.memory_space<vmem>>) target_semaphore(%arg8 : memref<!tpu.dma_semaphore, #tpu.memory_space<semaphore_mem>>)
    %scan3A = arith.constant 0 : i32
    %scan3A_8 = arith.constant 0 : i32
    %scan3A_9 = arith.constant 16 : i32
    %scan3A_10 = arith.addi %scan3A_8, %scan3A_9 : i32
    %scan3A_11 = arith.constant 1 : i32
    scf.for %scan3A_24 = %scan3A_8 to %scan3A_10 step %scan3A_11  : i32 {
      %mul3A_25 = arith.constant 2 : i32
      %mul3A_26 = arith.muli %mul3A_25, %scan3A_24 : i32
      %add3A_27 = arith.constant 0 : i32
      %add3A_28 = arith.addi %mul3A_26, %add3A_27 : i32
      %add3A_29 = arith.constant 1 : i32
      %add3A_30 = arith.addi %add3A_28, %add3A_29 : i32
      %lt3A = arith.constant 32 : i32
      %lt3A_31 = arith.cmpi slt, %add3A_30, %lt3A : i32
      %convert_element_type3A = arith.extui %lt3A_31 : i1 to i32
      %cond3A = arith.constant 0 : i32
      %cond3A_32 = arith.cmpi ne, %convert_element_type3A, %cond3A : i32
      scf.if %cond3A_32 {
        %add3A_94 = arith.constant 1 : i32
        %add3A_95 = arith.addi %add3A_28, %add3A_94 : i32
        %mul3A_96 = arith.constant 2048 : i32
        %mul3A_97 = arith.muli %add3A_95, %mul3A_96 : i32
        %add3A_98 = arith.addi %mul3A_2, %mul3A_97 : i32
        %dma_start3A_99 = arith.constant 0 : i32
        %dma_start3A_100 = tpu.memref_slice %arg2[%dma_start3A_99, %add3A_98] : memref<8x2097152xf32, #tpu.memory_space<hbm>> -> memref<8x2048xf32, #tpu.memory_space<hbm>>
        %dma_start3A_101 = arith.constant 0 : i32
        %dma_start3A_102 = tpu.memref_slice %arg2[%dma_start3A_101, %add3A_98] : memref<8x2097152xf32, #tpu.memory_space<hbm>> -> memref<8x2048xf32, #tpu.memory_space<hbm>>
        tpu.enqueue_dma source(%dma_start3A_102 : memref<8x2048xf32, #tpu.memory_space<hbm>>) target(%arg5 : memref<8x2048xf32, #tpu.memory_space<vmem>>) target_semaphore(%arg9 : memref<!tpu.dma_semaphore, #tpu.memory_space<semaphore_mem>>)
      } else {
      }
      %mul3A_33 = arith.constant 2048 : i32
      %mul3A_34 = arith.muli %add3A_28, %mul3A_33 : i32
      %add3A_35 = arith.addi %mul3A_2, %mul3A_34 : i32
      %dma_wait3A_36 = arith.constant 0 : i32
      %dma_wait3A_37 = tpu.memref_slice %arg2[%dma_wait3A_36, %add3A_35] : memref<8x2097152xf32, #tpu.memory_space<hbm>> -> memref<8x2048xf32, #tpu.memory_space<hbm>>
      %dma_wait3A_38 = arith.constant 0 : i32
      %dma_wait3A_39 = tpu.memref_slice %arg2[%dma_wait3A_38, %add3A_35] : memref<8x2097152xf32, #tpu.memory_space<hbm>> -> memref<8x2048xf32, #tpu.memory_space<hbm>>
      tpu.wait_dma2 semaphore(%arg8 : memref<!tpu.dma_semaphore, #tpu.memory_space<semaphore_mem>>) src(%dma_wait3A_39 : memref<8x2048xf32, #tpu.memory_space<hbm>>) dst(%arg4 : memref<8x2048xf32, #tpu.memory_space<vmem>>)
      %ge3A = arith.constant 2 : i32
      %ge3A_40 = arith.cmpi sge, %add3A_28, %ge3A : i32
      %convert_element_type3A_41 = arith.extui %ge3A_40 : i1 to i32
      %cond3A_42 = arith.constant 0 : i32
      %cond3A_43 = arith.cmpi ne, %convert_element_type3A_41, %cond3A_42 : i32
      scf.if %cond3A_43 {
        %sub3A = arith.constant 2 : i32
        %sub3A_94 = arith.subi %add3A_28, %sub3A : i32
        %mul3A_95 = arith.constant 2048 : i32
        %mul3A_96 = arith.muli %sub3A_94, %mul3A_95 : i32
        %add3A_97 = arith.addi %mul3A_2, %mul3A_96 : i32
        %dma_wait3A_98 = arith.constant 0 : i32
        %dma_wait3A_99 = tpu.memref_slice %arg3[%dma_wait3A_98, %add3A_97] : memref<8x2097152xf32, #tpu.memory_space<hbm>> -> memref<8x2048xf32, #tpu.memory_space<hbm>>
        %dma_wait3A_100 = arith.constant 0 : i32
        %dma_wait3A_101 = tpu.memref_slice %arg3[%dma_wait3A_100, %add3A_97] : memref<8x2097152xf32, #tpu.memory_space<hbm>> -> memref<8x2048xf32, #tpu.memory_space<hbm>>
        tpu.wait_dma2 semaphore(%arg10 : memref<!tpu.dma_semaphore, #tpu.memory_space<semaphore_mem>>) src(%arg6 : memref<8x2048xf32, #tpu.memory_space<vmem>>) dst(%dma_wait3A_101 : memref<8x2048xf32, #tpu.memory_space<hbm>>)
      } else {
      }
      %iota3A = tpu.iota {dimensions = array<i32: 0>} : vector<16xi32>
      %scan3A_44 = arith.constant 0 : i32
      %scan3A_45 = arith.constant 0 : i32
      %scan3A_46 = arith.constant 32 : i32
      %scan3A_47 = arith.addi %scan3A_45, %scan3A_46 : i32
      %scan3A_48 = arith.constant 1 : i32
      scf.for %scan3A_94 = %scan3A_45 to %scan3A_47 step %scan3A_48  : i32 {
        %mul3A_95 = arith.constant 64 : i32
        %mul3A_96 = arith.muli %scan3A_94, %mul3A_95 : i32
        %add3A_97 = arith.constant 0 : i32
        %add3A_98 = arith.addi %mul3A_96, %add3A_97 : i32
        %get3A = arith.constant 0 : i32
        %get3A_99 = arith.index_cast %get3A : i32 to index
        %get3A_100 = arith.index_cast %add3A_98 : i32 to index
        %get3A_101 = tpu.vector_load %arg4[%get3A_99, %get3A_100] {strides = array<i32>} : memref<8x2048xf32, #tpu.memory_space<vmem>>, vector<16xf32>,
        %get3A_102 = arith.constant 1 : i32
        %get3A_103 = arith.index_cast %get3A_102 : i32 to index
        %get3A_104 = arith.index_cast %add3A_98 : i32 to index
        %get3A_105 = tpu.vector_load %arg4[%get3A_103, %get3A_104] {strides = array<i32>} : memref<8x2048xf32, #tpu.memory_space<vmem>>, vector<16xf32>,
        %get3A_106 = arith.constant 2 : i32
        %get3A_107 = arith.index_cast %get3A_106 : i32 to index
        %get3A_108 = arith.index_cast %add3A_98 : i32 to index
        %get3A_109 = tpu.vector_load %arg4[%get3A_107, %get3A_108] {strides = array<i32>} : memref<8x2048xf32, #tpu.memory_space<vmem>>, vector<16xf32>,
        %get3A_110 = arith.constant 3 : i32
        %get3A_111 = arith.index_cast %get3A_110 : i32 to index
        %get3A_112 = arith.index_cast %add3A_98 : i32 to index
        %get3A_113 = tpu.vector_load %arg4[%get3A_111, %get3A_112] {strides = array<i32>} : memref<8x2048xf32, #tpu.memory_space<vmem>>, vector<16xf32>,
        %get3A_114 = arith.constant 4 : i32
        %get3A_115 = arith.index_cast %get3A_114 : i32 to index
        %get3A_116 = arith.index_cast %add3A_98 : i32 to index
        %get3A_117 = tpu.vector_load %arg4[%get3A_115, %get3A_116] {strides = array<i32>} : memref<8x2048xf32, #tpu.memory_space<vmem>>, vector<16xf32>,
        %get3A_118 = arith.constant 5 : i32
        %get3A_119 = arith.index_cast %get3A_118 : i32 to index
        %get3A_120 = arith.index_cast %add3A_98 : i32 to index
        %get3A_121 = tpu.vector_load %arg4[%get3A_119, %get3A_120] {strides = array<i32>} : memref<8x2048xf32, #tpu.memory_space<vmem>>, vector<16xf32>,
        %get3A_122 = arith.constant 6 : i32
        %get3A_123 = arith.index_cast %get3A_122 : i32 to index
        %get3A_124 = arith.index_cast %add3A_98 : i32 to index
        %get3A_125 = tpu.vector_load %arg4[%get3A_123, %get3A_124] {strides = array<i32>} : memref<8x2048xf32, #tpu.memory_space<vmem>>, vector<16xf32>,
        %get3A_126 = arith.constant 7 : i32
        %get3A_127 = arith.index_cast %get3A_126 : i32 to index
        %get3A_128 = arith.index_cast %add3A_98 : i32 to index
        %get3A_129 = tpu.vector_load %arg4[%get3A_127, %get3A_128] {strides = array<i32>} : memref<8x2048xf32, #tpu.memory_space<vmem>>, vector<16xf32>,
        %add3A_130 = arith.constant 0x4B400000 : f32
        %add3A_131 = vector.broadcast %add3A_130 : f32 to vector<16xf32>
        %add3A_132 = arith.addf %get3A_101, %add3A_131 : vector<16xf32>
        %sub3A = arith.constant 0x4B400000 : f32
        %sub3A_133 = vector.broadcast %sub3A : f32 to vector<16xf32>
        %sub3A_134 = arith.subf %add3A_132, %sub3A_133 : vector<16xf32>
        %add3A_135 = arith.constant 0x4B400000 : f32
        %add3A_136 = vector.broadcast %add3A_135 : f32 to vector<16xf32>
        %add3A_137 = arith.addf %get3A_105, %add3A_136 : vector<16xf32>
        %sub3A_138 = arith.constant 0x4B400000 : f32
        %sub3A_139 = vector.broadcast %sub3A_138 : f32 to vector<16xf32>
        %sub3A_140 = arith.subf %add3A_137, %sub3A_139 : vector<16xf32>
        %add3A_141 = arith.constant 0x4B400000 : f32
        %add3A_142 = vector.broadcast %add3A_141 : f32 to vector<16xf32>
        %add3A_143 = arith.addf %get3A_109, %add3A_142 : vector<16xf32>
        %sub3A_144 = arith.constant 0x4B400000 : f32
        %sub3A_145 = vector.broadcast %sub3A_144 : f32 to vector<16xf32>
        %sub3A_146 = arith.subf %add3A_143, %sub3A_145 : vector<16xf32>
        %add3A_147 = arith.constant 0x4B400000 : f32
        %add3A_148 = vector.broadcast %add3A_147 : f32 to vector<16xf32>
        %add3A_149 = arith.addf %get3A_113, %add3A_148 : vector<16xf32>
        %sub3A_150 = arith.constant 0x4B400000 : f32
        %sub3A_151 = vector.broadcast %sub3A_150 : f32 to vector<16xf32>
        %sub3A_152 = arith.subf %add3A_149, %sub3A_151 : vector<16xf32>
        %add3A_153 = arith.constant 0x4B400000 : f32
        %add3A_154 = vector.broadcast %add3A_153 : f32 to vector<16xf32>
        %add3A_155 = arith.addf %get3A_117, %add3A_154 : vector<16xf32>
        %sub3A_156 = arith.constant 0x4B400000 : f32
        %sub3A_157 = vector.broadcast %sub3A_156 : f32 to vector<16xf32>
        %sub3A_158 = arith.subf %add3A_155, %sub3A_157 : vector<16xf32>
        %add3A_159 = arith.constant 0x4B400000 : f32
        %add3A_160 = vector.broadcast %add3A_159 : f32 to vector<16xf32>
        %add3A_161 = arith.addf %get3A_121, %add3A_160 : vector<16xf32>
        %sub3A_162 = arith.constant 0x4B400000 : f32
        %sub3A_163 = vector.broadcast %sub3A_162 : f32 to vector<16xf32>
        %sub3A_164 = arith.subf %add3A_161, %sub3A_163 : vector<16xf32>
        %add3A_165 = arith.constant 0x4B400000 : f32
        %add3A_166 = vector.broadcast %add3A_165 : f32 to vector<16xf32>
        %add3A_167 = arith.addf %get3A_125, %add3A_166 : vector<16xf32>
        %sub3A_168 = arith.constant 0x4B400000 : f32
        %sub3A_169 = vector.broadcast %sub3A_168 : f32 to vector<16xf32>
        %sub3A_170 = arith.subf %add3A_167, %sub3A_169 : vector<16xf32>
        %add3A_171 = arith.constant 0x4B400000 : f32
        %add3A_172 = vector.broadcast %add3A_171 : f32 to vector<16xf32>
        %add3A_173 = arith.addf %get3A_129, %add3A_172 : vector<16xf32>
        %sub3A_174 = arith.constant 0x4B400000 : f32
        %sub3A_175 = vector.broadcast %sub3A_174 : f32 to vector<16xf32>
        %sub3A_176 = arith.subf %add3A_173, %sub3A_175 : vector<16xf32>
        %sub3A_177 = arith.subf %get3A_101, %sub3A_134 : vector<16xf32>
        %sub3A_178 = arith.subf %get3A_105, %sub3A_140 : vector<16xf32>
        %sub3A_179 = arith.subf %get3A_109, %sub3A_146 : vector<16xf32>
        %sub3A_180 = arith.subf %get3A_113, %sub3A_152 : vector<16xf32>
        %sub3A_181 = arith.subf %get3A_117, %sub3A_158 : vector<16xf32>
        %sub3A_182 = arith.subf %get3A_121, %sub3A_164 : vector<16xf32>
        %sub3A_183 = arith.subf %get3A_125, %sub3A_170 : vector<16xf32>
        %sub3A_184 = arith.subf %get3A_129, %sub3A_176 : vector<16xf32>
        %abs3A = math.absf %sub3A_177 : vector<16xf32>
        %abs3A_185 = math.absf %sub3A_178 : vector<16xf32>
        %abs3A_186 = math.absf %sub3A_179 : vector<16xf32>
        %abs3A_187 = math.absf %sub3A_180 : vector<16xf32>
        %abs3A_188 = math.absf %sub3A_181 : vector<16xf32>
        %abs3A_189 = math.absf %sub3A_182 : vector<16xf32>
        %abs3A_190 = math.absf %sub3A_183 : vector<16xf32>
        %abs3A_191 = math.absf %sub3A_184 : vector<16xf32>
        %lt3A_192 = arith.constant 0.000000e+00 : f32
        %lt3A_193 = vector.broadcast %lt3A_192 : f32 to vector<16xf32>
        %lt3A_194 = arith.cmpf olt, %sub3A_177, %lt3A_193 : vector<16xf32>
        %lt3A_195 = arith.constant 0.000000e+00 : f32
        %lt3A_196 = vector.broadcast %lt3A_195 : f32 to vector<16xf32>
        %lt3A_197 = arith.cmpf olt, %sub3A_178, %lt3A_196 : vector<16xf32>
        %lt3A_198 = arith.constant 0.000000e+00 : f32
        %lt3A_199 = vector.broadcast %lt3A_198 : f32 to vector<16xf32>
        %lt3A_200 = arith.cmpf olt, %sub3A_179, %lt3A_199 : vector<16xf32>
        %lt3A_201 = arith.constant 0.000000e+00 : f32
        %lt3A_202 = vector.broadcast %lt3A_201 : f32 to vector<16xf32>
        %lt3A_203 = arith.cmpf olt, %sub3A_180, %lt3A_202 : vector<16xf32>
        %lt3A_204 = arith.constant 0.000000e+00 : f32
        %lt3A_205 = vector.broadcast %lt3A_204 : f32 to vector<16xf32>
        %lt3A_206 = arith.cmpf olt, %sub3A_181, %lt3A_205 : vector<16xf32>
        %lt3A_207 = arith.constant 0.000000e+00 : f32
        %lt3A_208 = vector.broadcast %lt3A_207 : f32 to vector<16xf32>
        %lt3A_209 = arith.cmpf olt, %sub3A_182, %lt3A_208 : vector<16xf32>
        %lt3A_210 = arith.constant 0.000000e+00 : f32
        %lt3A_211 = vector.broadcast %lt3A_210 : f32 to vector<16xf32>
        %lt3A_212 = arith.cmpf olt, %sub3A_183, %lt3A_211 : vector<16xf32>
        %lt3A_213 = arith.constant 0.000000e+00 : f32
        %lt3A_214 = vector.broadcast %lt3A_213 : f32 to vector<16xf32>
        %lt3A_215 = arith.cmpf olt, %sub3A_184, %lt3A_214 : vector<16xf32>
        %jit3A = arith.constant -1.000000e+00 : f32
        %jit3A_216 = arith.constant 1.000000e+00 : f32
        %broadcast_in_dim3A = vector.broadcast %jit3A : f32 to vector<16xf32>
        %broadcast_in_dim3A_217 = vector.broadcast %jit3A_216 : f32 to vector<16xf32>
        %select_n3A = arith.select %lt3A_194, %broadcast_in_dim3A, %broadcast_in_dim3A_217 : vector<16xi1>, vector<16xf32>
        %jit3A_218 = arith.constant -1.000000e+00 : f32
        %jit3A_219 = arith.constant 1.000000e+00 : f32
        %broadcast_in_dim3A_220 = vector.broadcast %jit3A_218 : f32 to vector<16xf32>
        %broadcast_in_dim3A_221 = vector.broadcast %jit3A_219 : f32 to vector<16xf32>
        %select_n3A_222 = arith.select %lt3A_197, %broadcast_in_dim3A_220, %broadcast_in_dim3A_221 : vector<16xi1>, vector<16xf32>
        %jit3A_223 = arith.constant -1.000000e+00 : f32
        %jit3A_224 = arith.constant 1.000000e+00 : f32
        %broadcast_in_dim3A_225 = vector.broadcast %jit3A_223 : f32 to vector<16xf32>
        %broadcast_in_dim3A_226 = vector.broadcast %jit3A_224 : f32 to vector<16xf32>
        %select_n3A_227 = arith.select %lt3A_200, %broadcast_in_dim3A_225, %broadcast_in_dim3A_226 : vector<16xi1>, vector<16xf32>
        %jit3A_228 = arith.constant -1.000000e+00 : f32
        %jit3A_229 = arith.constant 1.000000e+00 : f32
        %broadcast_in_dim3A_230 = vector.broadcast %jit3A_228 : f32 to vector<16xf32>
        %broadcast_in_dim3A_231 = vector.broadcast %jit3A_229 : f32 to vector<16xf32>
        %select_n3A_232 = arith.select %lt3A_203, %broadcast_in_dim3A_230, %broadcast_in_dim3A_231 : vector<16xi1>, vector<16xf32>
        %jit3A_233 = arith.constant -1.000000e+00 : f32
        %jit3A_234 = arith.constant 1.000000e+00 : f32
        %broadcast_in_dim3A_235 = vector.broadcast %jit3A_233 : f32 to vector<16xf32>
        %broadcast_in_dim3A_236 = vector.broadcast %jit3A_234 : f32 to vector<16xf32>
        %select_n3A_237 = arith.select %lt3A_206, %broadcast_in_dim3A_235, %broadcast_in_dim3A_236 : vector<16xi1>, vector<16xf32>
        %jit3A_238 = arith.constant -1.000000e+00 : f32
        %jit3A_239 = arith.constant 1.000000e+00 : f32
        %broadcast_in_dim3A_240 = vector.broadcast %jit3A_238 : f32 to vector<16xf32>
        %broadcast_in_dim3A_241 = vector.broadcast %jit3A_239 : f32 to vector<16xf32>
        %select_n3A_242 = arith.select %lt3A_209, %broadcast_in_dim3A_240, %broadcast_in_dim3A_241 : vector<16xi1>, vector<16xf32>
        %jit3A_243 = arith.constant -1.000000e+00 : f32
        %jit3A_244 = arith.constant 1.000000e+00 : f32
        %broadcast_in_dim3A_245 = vector.broadcast %jit3A_243 : f32 to vector<16xf32>
        %broadcast_in_dim3A_246 = vector.broadcast %jit3A_244 : f32 to vector<16xf32>
        %select_n3A_247 = arith.select %lt3A_212, %broadcast_in_dim3A_245, %broadcast_in_dim3A_246 : vector<16xi1>, vector<16xf32>
        %jit3A_248 = arith.constant -1.000000e+00 : f32
        %jit3A_249 = arith.constant 1.000000e+00 : f32
        %broadcast_in_dim3A_250 = vector.broadcast %jit3A_248 : f32 to vector<16xf32>
        %broadcast_in_dim3A_251 = vector.broadcast %jit3A_249 : f32 to vector<16xf32>
        %select_n3A_252 = arith.select %lt3A_215, %broadcast_in_dim3A_250, %broadcast_in_dim3A_251 : vector<16xi1>, vector<16xf32>
        %max3A = arith.maximumf %abs3A, %abs3A_185 : vector<16xf32>
        %max3A_253 = arith.maximumf %abs3A_186, %abs3A_187 : vector<16xf32>
        %max3A_254 = arith.maximumf %abs3A_188, %abs3A_189 : vector<16xf32>
        %max3A_255 = arith.maximumf %abs3A_190, %abs3A_191 : vector<16xf32>
        %max3A_256 = arith.maximumf %max3A, %max3A_253 : vector<16xf32>
        %max3A_257 = arith.maximumf %max3A_254, %max3A_255 : vector<16xf32>
        %max3A_258 = arith.maximumf %max3A_256, %max3A_257 : vector<16xf32>
        %min3A = arith.minimumf %abs3A, %abs3A_185 : vector<16xf32>
        %min3A_259 = arith.minimumf %abs3A_186, %abs3A_187 : vector<16xf32>
        %min3A_260 = arith.minimumf %abs3A_188, %abs3A_189 : vector<16xf32>
        %min3A_261 = arith.minimumf %abs3A_190, %abs3A_191 : vector<16xf32>
        %min3A_262 = arith.minimumf %min3A, %min3A_259 : vector<16xf32>
        %min3A_263 = arith.minimumf %min3A_260, %min3A_261 : vector<16xf32>
        %min3A_264 = arith.minimumf %min3A_262, %min3A_263 : vector<16xf32>
        %add3A_265 = arith.addf %sub3A_134, %sub3A_140 : vector<16xf32>
        %add3A_266 = arith.addf %sub3A_146, %sub3A_152 : vector<16xf32>
        %add3A_267 = arith.addf %sub3A_158, %sub3A_164 : vector<16xf32>
        %add3A_268 = arith.addf %sub3A_170, %sub3A_176 : vector<16xf32>
        %add3A_269 = arith.addf %add3A_265, %add3A_266 : vector<16xf32>
        %add3A_270 = arith.addf %add3A_267, %add3A_268 : vector<16xf32>
        %add3A_271 = arith.addf %add3A_269, %add3A_270 : vector<16xf32>
        %add3A_272 = arith.addf %abs3A, %abs3A_185 : vector<16xf32>
        %add3A_273 = arith.addf %abs3A_186, %abs3A_187 : vector<16xf32>
        %add3A_274 = arith.addf %abs3A_188, %abs3A_189 : vector<16xf32>
        %add3A_275 = arith.addf %abs3A_190, %abs3A_191 : vector<16xf32>
        %add3A_276 = arith.addf %add3A_272, %add3A_273 : vector<16xf32>
        %add3A_277 = arith.addf %add3A_274, %add3A_275 : vector<16xf32>
        %add3A_278 = arith.addf %add3A_276, %add3A_277 : vector<16xf32>
        %add3A_279 = arith.constant 0x4B400000 : f32
        %add3A_280 = vector.broadcast %add3A_279 : f32 to vector<16xf32>
        %add3A_281 = arith.addf %add3A_271, %add3A_280 : vector<16xf32>
        %bitcast_convert_type3A = tpu.bitcast %add3A_281 : vector<16xf32> -> vector<16xi32>
        %and3A = arith.constant 1 : i32
        %and3A_282 = vector.broadcast %and3A : i32 to vector<16xi32>
        %and3A_283 = arith.andi %bitcast_convert_type3A, %and3A_282 : vector<16xi32>
        %eq3A = arith.constant 1 : i32
        %eq3A_284 = vector.broadcast %eq3A : i32 to vector<16xi32>
        %eq3A_285 = arith.cmpi eq, %and3A_283, %eq3A_284 : vector<16xi32>
        %xor3A = arith.xori %lt3A_194, %lt3A_197 : vector<16xi1>
        %xor3A_286 = arith.xori %lt3A_200, %lt3A_203 : vector<16xi1>
        %xor3A_287 = arith.xori %lt3A_206, %lt3A_209 : vector<16xi1>
        %xor3A_288 = arith.xori %lt3A_212, %lt3A_215 : vector<16xi1>
        %xor3A_289 = arith.xori %xor3A, %xor3A_286 : vector<16xi1>
        %xor3A_290 = arith.xori %xor3A_287, %xor3A_288 : vector<16xi1>
        %xor3A_291 = arith.xori %xor3A_289, %xor3A_290 : vector<16xi1>
        %xor3A_292 = arith.xori %eq3A_285, %xor3A_291 : vector<16xi1>
        %mul3A_293 = arith.constant 2.000000e+00 : f32
        %mul3A_294 = vector.broadcast %mul3A_293 : f32 to vector<16xf32>
        %mul3A_295 = arith.mulf %mul3A_294, %max3A_258 : vector<16xf32>
        %sub3A_296 = arith.constant 1.000000e+00 : f32
        %sub3A_297 = vector.broadcast %sub3A_296 : f32 to vector<16xf32>
        %sub3A_298 = arith.subf %sub3A_297, %mul3A_295 : vector<16xf32>
        %jit3A_299 = arith.constant 0.000000e+00 : f32
        %broadcast_in_dim3A_300 = vector.broadcast %jit3A_299 : f32 to vector<16xf32>
        %select_n3A_301 = arith.select %eq3A_285, %sub3A_298, %broadcast_in_dim3A_300 : vector<16xi1>, vector<16xf32>
        %mul3A_302 = arith.constant 2.000000e+00 : f32
        %mul3A_303 = vector.broadcast %mul3A_302 : f32 to vector<16xf32>
        %mul3A_304 = arith.mulf %mul3A_303, %min3A_264 : vector<16xf32>
        %jit3A_305 = arith.constant 0.000000e+00 : f32
        %broadcast_in_dim3A_306 = vector.broadcast %jit3A_305 : f32 to vector<16xf32>
        %select_n3A_307 = arith.select %xor3A_292, %mul3A_304, %broadcast_in_dim3A_306 : vector<16xi1>, vector<16xf32>
        %sub3A_308 = arith.constant 2.000000e+00 : f32
        %sub3A_309 = vector.broadcast %sub3A_308 : f32 to vector<16xf32>
        %sub3A_310 = arith.subf %sub3A_309, %add3A_278 : vector<16xf32>
        %add3A_311 = arith.addf %sub3A_310, %select_n3A_307 : vector<16xf32>
        %sub3A_312 = arith.subf %add3A_311, %select_n3A_301 : vector<16xf32>
        %lt3A_313 = arith.constant 0.000000e+00 : f32
        %lt3A_314 = vector.broadcast %lt3A_313 : f32 to vector<16xf32>
        %lt3A_315 = arith.cmpf olt, %sub3A_312, %lt3A_314 : vector<16xf32>
        %select_n3A_316 = arith.select %lt3A_315, %min3A_264, %max3A_258 : vector<16xi1>, vector<16xf32>
        %broadcast_in_dim3A_317 = arith.constant 0 : i32
        %broadcast_in_dim3A_318 = vector.broadcast %broadcast_in_dim3A_317 : i32 to vector<16xi32>
        %broadcast_in_dim3A_319 = arith.constant 0.000000e+00 : f32
        %broadcast_in_dim3A_320 = vector.broadcast %broadcast_in_dim3A_319 : f32 to vector<16xf32>
        %eq3A_321 = arith.cmpf oeq, %abs3A_191, %select_n3A_316 : vector<16xf32>
        %jit3A_322 = arith.constant 7 : i32
        %broadcast_in_dim3A_323 = vector.broadcast %jit3A_322 : i32 to vector<16xi32>
        %select_n3A_324 = arith.select %eq3A_321, %broadcast_in_dim3A_323, %broadcast_in_dim3A_318 : vector<16xi1>, vector<16xi32>
        %select_n3A_325 = arith.select %eq3A_321, %select_n3A_252, %broadcast_in_dim3A_320 : vector<16xi1>, vector<16xf32>
        %eq3A_326 = arith.cmpf oeq, %abs3A_190, %select_n3A_316 : vector<16xf32>
        %jit3A_327 = arith.constant 6 : i32
        %broadcast_in_dim3A_328 = vector.broadcast %jit3A_327 : i32 to vector<16xi32>
        %select_n3A_329 = arith.select %eq3A_326, %broadcast_in_dim3A_328, %select_n3A_324 : vector<16xi1>, vector<16xi32>
        %select_n3A_330 = arith.select %eq3A_326, %select_n3A_247, %select_n3A_325 : vector<16xi1>, vector<16xf32>
        %eq3A_331 = arith.cmpf oeq, %abs3A_189, %select_n3A_316 : vector<16xf32>
        %jit3A_332 = arith.constant 5 : i32
        %broadcast_in_dim3A_333 = vector.broadcast %jit3A_332 : i32 to vector<16xi32>
        %select_n3A_334 = arith.select %eq3A_331, %broadcast_in_dim3A_333, %select_n3A_329 : vector<16xi1>, vector<16xi32>
        %select_n3A_335 = arith.select %eq3A_331, %select_n3A_242, %select_n3A_330 : vector<16xi1>, vector<16xf32>
        %eq3A_336 = arith.cmpf oeq, %abs3A_188, %select_n3A_316 : vector<16xf32>
        %jit3A_337 = arith.constant 4 : i32
        %broadcast_in_dim3A_338 = vector.broadcast %jit3A_337 : i32 to vector<16xi32>
        %select_n3A_339 = arith.select %eq3A_336, %broadcast_in_dim3A_338, %select_n3A_334 : vector<16xi1>, vector<16xi32>
        %select_n3A_340 = arith.select %eq3A_336, %select_n3A_237, %select_n3A_335 : vector<16xi1>, vector<16xf32>
        %eq3A_341 = arith.cmpf oeq, %abs3A_187, %select_n3A_316 : vector<16xf32>
        %jit3A_342 = arith.constant 3 : i32
        %broadcast_in_dim3A_343 = vector.broadcast %jit3A_342 : i32 to vector<16xi32>
        %select_n3A_344 = arith.select %eq3A_341, %broadcast_in_dim3A_343, %select_n3A_339 : vector<16xi1>, vector<16xi32>
        %select_n3A_345 = arith.select %eq3A_341, %select_n3A_232, %select_n3A_340 : vector<16xi1>, vector<16xf32>
        %eq3A_346 = arith.cmpf oeq, %abs3A_186, %select_n3A_316 : vector<16xf32>
        %jit3A_347 = arith.constant 2 : i32
        %broadcast_in_dim3A_348 = vector.broadcast %jit3A_347 : i32 to vector<16xi32>
        %select_n3A_349 = arith.select %eq3A_346, %broadcast_in_dim3A_348, %select_n3A_344 : vector<16xi1>, vector<16xi32>
        %select_n3A_350 = arith.select %eq3A_346, %select_n3A_227, %select_n3A_345 : vector<16xi1>, vector<16xf32>
        %eq3A_351 = arith.cmpf oeq, %abs3A_185, %select_n3A_316 : vector<16xf32>
        %jit3A_352 = arith.constant 1 : i32
        %broadcast_in_dim3A_353 = vector.broadcast %jit3A_352 : i32 to vector<16xi32>
        %select_n3A_354 = arith.select %eq3A_351, %broadcast_in_dim3A_353, %select_n3A_349 : vector<16xi1>, vector<16xi32>
        %select_n3A_355 = arith.select %eq3A_351, %select_n3A_222, %select_n3A_350 : vector<16xi1>, vector<16xf32>
        %eq3A_356 = arith.cmpf oeq, %abs3A, %select_n3A_316 : vector<16xf32>
        %jit3A_357 = arith.constant 0 : i32
        %broadcast_in_dim3A_358 = vector.broadcast %jit3A_357 : i32 to vector<16xi32>
        %select_n3A_359 = arith.select %eq3A_356, %broadcast_in_dim3A_358, %select_n3A_354 : vector<16xi1>, vector<16xi32>
        %select_n3A_360 = arith.select %eq3A_356, %select_n3A, %select_n3A_355 : vector<16xi1>, vector<16xf32>
        %neg3A = arith.constant 0.000000e+00 : f32
        %neg3A_361 = vector.broadcast %neg3A : f32 to vector<16xf32>
        %neg3A_362 = arith.subf %neg3A_361, %select_n3A_360 : vector<16xf32>
        %select_n3A_363 = arith.select %lt3A_315, %neg3A_362, %select_n3A_360 : vector<16xi1>, vector<16xf32>
        %select_n3A_364 = arith.select %lt3A_315, %xor3A_292, %eq3A_285 : vector<16xi1>, vector<16xi1>
        %jit3A_365 = arith.constant 0.000000e+00 : f32
        %broadcast_in_dim3A_366 = vector.broadcast %jit3A_365 : f32 to vector<16xf32>
        %select_n3A_367 = arith.select %select_n3A_364, %select_n3A_363, %broadcast_in_dim3A_366 : vector<16xi1>, vector<16xf32>
        %jit3A_368 = arith.constant 5.000000e-01 : f32
        %jit3A_369 = arith.constant 0.000000e+00 : f32
        %broadcast_in_dim3A_370 = vector.broadcast %jit3A_368 : f32 to vector<16xf32>
        %broadcast_in_dim3A_371 = vector.broadcast %jit3A_369 : f32 to vector<16xf32>
        %select_n3A_372 = arith.select %lt3A_315, %broadcast_in_dim3A_370, %broadcast_in_dim3A_371 : vector<16xi1>, vector<16xf32>
        %mul3A_373 = arith.mulf %select_n3A_372, %select_n3A : vector<16xf32>
        %add3A_374 = arith.addf %sub3A_134, %mul3A_373 : vector<16xf32>
        %mul3A_375 = arith.mulf %select_n3A_372, %select_n3A_222 : vector<16xf32>
        %add3A_376 = arith.addf %sub3A_140, %mul3A_375 : vector<16xf32>
        %mul3A_377 = arith.mulf %select_n3A_372, %select_n3A_227 : vector<16xf32>
        %add3A_378 = arith.addf %sub3A_146, %mul3A_377 : vector<16xf32>
        %mul3A_379 = arith.mulf %select_n3A_372, %select_n3A_232 : vector<16xf32>
        %add3A_380 = arith.addf %sub3A_152, %mul3A_379 : vector<16xf32>
        %mul3A_381 = arith.mulf %select_n3A_372, %select_n3A_237 : vector<16xf32>
        %add3A_382 = arith.addf %sub3A_158, %mul3A_381 : vector<16xf32>
        %mul3A_383 = arith.mulf %select_n3A_372, %select_n3A_242 : vector<16xf32>
        %add3A_384 = arith.addf %sub3A_164, %mul3A_383 : vector<16xf32>
        %mul3A_385 = arith.mulf %select_n3A_372, %select_n3A_247 : vector<16xf32>
        %add3A_386 = arith.addf %sub3A_170, %mul3A_385 : vector<16xf32>
        %mul3A_387 = arith.mulf %select_n3A_372, %select_n3A_252 : vector<16xf32>
        %add3A_388 = arith.addf %sub3A_176, %mul3A_387 : vector<16xf32>
        %swap3A = arith.constant 0 : i32
        %swap3A_389 = arith.index_cast %swap3A : i32 to index
        %swap3A_390 = arith.index_cast %add3A_98 : i32 to index
        %swap3A_391 = tpu.vector_load %arg6[%swap3A_389, %swap3A_390] {strides = array<i32>} : memref<8x2048xf32, #tpu.memory_space<vmem>>, vector<16xf32>,
        tpu.vector_store %arg6[%swap3A_389, %swap3A_390], %add3A_374 {strides = array<i32>} : memref<8x2048xf32, #tpu.memory_space<vmem>>, vector<16xf32>,
        %swap3A_392 = arith.constant 1 : i32
        %swap3A_393 = arith.index_cast %swap3A_392 : i32 to index
        %swap3A_394 = arith.index_cast %add3A_98 : i32 to index
        %swap3A_395 = tpu.vector_load %arg6[%swap3A_393, %swap3A_394] {strides = array<i32>} : memref<8x2048xf32, #tpu.memory_space<vmem>>, vector<16xf32>,
        tpu.vector_store %arg6[%swap3A_393, %swap3A_394], %add3A_376 {strides = array<i32>} : memref<8x2048xf32, #tpu.memory_space<vmem>>, vector<16xf32>,
        %swap3A_396 = arith.constant 2 : i32
        %swap3A_397 = arith.index_cast %swap3A_396 : i32 to index
        %swap3A_398 = arith.index_cast %add3A_98 : i32 to index
        %swap3A_399 = tpu.vector_load %arg6[%swap3A_397, %swap3A_398] {strides = array<i32>} : memref<8x2048xf32, #tpu.memory_space<vmem>>, vector<16xf32>,
        tpu.vector_store %arg6[%swap3A_397, %swap3A_398], %add3A_378 {strides = array<i32>} : memref<8x2048xf32, #tpu.memory_space<vmem>>, vector<16xf32>,
        %swap3A_400 = arith.constant 3 : i32
        %swap3A_401 = arith.index_cast %swap3A_400 : i32 to index
        %swap3A_402 = arith.index_cast %add3A_98 : i32 to index
        %swap3A_403 = tpu.vector_load %arg6[%swap3A_401, %swap3A_402] {strides = array<i32>} : memref<8x2048xf32, #tpu.memory_space<vmem>>, vector<16xf32>,
        tpu.vector_store %arg6[%swap3A_401, %swap3A_402], %add3A_380 {strides = array<i32>} : memref<8x2048xf32, #tpu.memory_space<vmem>>, vector<16xf32>,
        %swap3A_404 = arith.constant 4 : i32
        %swap3A_405 = arith.index_cast %swap3A_404 : i32 to index
        %swap3A_406 = arith.index_cast %add3A_98 : i32 to index
        %swap3A_407 = tpu.vector_load %arg6[%swap3A_405, %swap3A_406] {strides = array<i32>} : memref<8x2048xf32, #tpu.memory_space<vmem>>, vector<16xf32>,
        tpu.vector_store %arg6[%swap3A_405, %swap3A_406], %add3A_382 {strides = array<i32>} : memref<8x2048xf32, #tpu.memory_space<vmem>>, vector<16xf32>,
        %swap3A_408 = arith.constant 5 : i32
        %swap3A_409 = arith.index_cast %swap3A_408 : i32 to index
        %swap3A_410 = arith.index_cast %add3A_98 : i32 to index
        %swap3A_411 = tpu.vector_load %arg6[%swap3A_409, %swap3A_410] {strides = array<i32>} : memref<8x2048xf32, #tpu.memory_space<vmem>>, vector<16xf32>,
        tpu.vector_store %arg6[%swap3A_409, %swap3A_410], %add3A_384 {strides = array<i32>} : memref<8x2048xf32, #tpu.memory_space<vmem>>, vector<16xf32>,
        %swap3A_412 = arith.constant 6 : i32
        %swap3A_413 = arith.index_cast %swap3A_412 : i32 to index
        %swap3A_414 = arith.index_cast %add3A_98 : i32 to index
        %swap3A_415 = tpu.vector_load %arg6[%swap3A_413, %swap3A_414] {strides = array<i32>} : memref<8x2048xf32, #tpu.memory_space<vmem>>, vector<16xf32>,
        tpu.vector_store %arg6[%swap3A_413, %swap3A_414], %add3A_386 {strides = array<i32>} : memref<8x2048xf32, #tpu.memory_space<vmem>>, vector<16xf32>,
        %swap3A_416 = arith.constant 7 : i32
        %swap3A_417 = arith.index_cast %swap3A_416 : i32 to index
        %swap3A_418 = arith.index_cast %add3A_98 : i32 to index
        %swap3A_419 = tpu.vector_load %arg6[%swap3A_417, %swap3A_418] {strides = array<i32>} : memref<8x2048xf32, #tpu.memory_space<vmem>>, vector<16xf32>,
        tpu.vector_store %arg6[%swap3A_417, %swap3A_418], %add3A_388 {strides = array<i32>} : memref<8x2048xf32, #tpu.memory_space<vmem>>, vector<16xf32>,
        %add3A_420 = vector.broadcast %add3A_98 : i32 to vector<16xi32>
        %add3A_421 = arith.addi %iota3A, %add3A_420 : vector<16xi32>
        tpu.vector_store_idx %arg6[%select_n3A_359, %add3A_421], %select_n3A_367 {add = true} : memref<8x2048xf32, #tpu.memory_space<vmem>>[vector<16xi32>, vector<16xi32>], vector<16xf32>,
        %mul3A_422 = arith.constant 64 : i32
        %mul3A_423 = arith.muli %scan3A_94, %mul3A_422 : i32
        %add3A_424 = arith.constant 16 : i32
        %add3A_425 = arith.addi %mul3A_423, %add3A_424 : i32
        %get3A_426 = arith.constant 0 : i32
        %get3A_427 = arith.index_cast %get3A_426 : i32 to index
        %get3A_428 = arith.index_cast %add3A_425 : i32 to index
        %get3A_429 = tpu.vector_load %arg4[%get3A_427, %get3A_428] {strides = array<i32>} : memref<8x2048xf32, #tpu.memory_space<vmem>>, vector<16xf32>,
        %get3A_430 = arith.constant 1 : i32
        %get3A_431 = arith.index_cast %get3A_430 : i32 to index
        %get3A_432 = arith.index_cast %add3A_425 : i32 to index
        %get3A_433 = tpu.vector_load %arg4[%get3A_431, %get3A_432] {strides = array<i32>} : memref<8x2048xf32, #tpu.memory_space<vmem>>, vector<16xf32>,
        %get3A_434 = arith.constant 2 : i32
        %get3A_435 = arith.index_cast %get3A_434 : i32 to index
        %get3A_436 = arith.index_cast %add3A_425 : i32 to index
        %get3A_437 = tpu.vector_load %arg4[%get3A_435, %get3A_436] {strides = array<i32>} : memref<8x2048xf32, #tpu.memory_space<vmem>>, vector<16xf32>,
        %get3A_438 = arith.constant 3 : i32
        %get3A_439 = arith.index_cast %get3A_438 : i32 to index
        %get3A_440 = arith.index_cast %add3A_425 : i32 to index
        %get3A_441 = tpu.vector_load %arg4[%get3A_439, %get3A_440] {strides = array<i32>} : memref<8x2048xf32, #tpu.memory_space<vmem>>, vector<16xf32>,
        %get3A_442 = arith.constant 4 : i32
        %get3A_443 = arith.index_cast %get3A_442 : i32 to index
        %get3A_444 = arith.index_cast %add3A_425 : i32 to index
        %get3A_445 = tpu.vector_load %arg4[%get3A_443, %get3A_444] {strides = array<i32>} : memref<8x2048xf32, #tpu.memory_space<vmem>>, vector<16xf32>,
        %get3A_446 = arith.constant 5 : i32
        %get3A_447 = arith.index_cast %get3A_446 : i32 to index
        %get3A_448 = arith.index_cast %add3A_425 : i32 to index
        %get3A_449 = tpu.vector_load %arg4[%get3A_447, %get3A_448] {strides = array<i32>} : memref<8x2048xf32, #tpu.memory_space<vmem>>, vector<16xf32>,
        %get3A_450 = arith.constant 6 : i32
        %get3A_451 = arith.index_cast %get3A_450 : i32 to index
        %get3A_452 = arith.index_cast %add3A_425 : i32 to index
        %get3A_453 = tpu.vector_load %arg4[%get3A_451, %get3A_452] {strides = array<i32>} : memref<8x2048xf32, #tpu.memory_space<vmem>>, vector<16xf32>,
        %get3A_454 = arith.constant 7 : i32
        %get3A_455 = arith.index_cast %get3A_454 : i32 to index
        %get3A_456 = arith.index_cast %add3A_425 : i32 to index
        %get3A_457 = tpu.vector_load %arg4[%get3A_455, %get3A_456] {strides = array<i32>} : memref<8x2048xf32, #tpu.memory_space<vmem>>, vector<16xf32>,
        %add3A_458 = arith.constant 0x4B400000 : f32
        %add3A_459 = vector.broadcast %add3A_458 : f32 to vector<16xf32>
        %add3A_460 = arith.addf %get3A_429, %add3A_459 : vector<16xf32>
        %sub3A_461 = arith.constant 0x4B400000 : f32
        %sub3A_462 = vector.broadcast %sub3A_461 : f32 to vector<16xf32>
        %sub3A_463 = arith.subf %add3A_460, %sub3A_462 : vector<16xf32>
        %add3A_464 = arith.constant 0x4B400000 : f32
        %add3A_465 = vector.broadcast %add3A_464 : f32 to vector<16xf32>
        %add3A_466 = arith.addf %get3A_433, %add3A_465 : vector<16xf32>
        %sub3A_467 = arith.constant 0x4B400000 : f32
        %sub3A_468 = vector.broadcast %sub3A_467 : f32 to vector<16xf32>
        %sub3A_469 = arith.subf %add3A_466, %sub3A_468 : vector<16xf32>
        %add3A_470 = arith.constant 0x4B400000 : f32
        %add3A_471 = vector.broadcast %add3A_470 : f32 to vector<16xf32>
        %add3A_472 = arith.addf %get3A_437, %add3A_471 : vector<16xf32>
        %sub3A_473 = arith.constant 0x4B400000 : f32
        %sub3A_474 = vector.broadcast %sub3A_473 : f32 to vector<16xf32>
        %sub3A_475 = arith.subf %add3A_472, %sub3A_474 : vector<16xf32>
        %add3A_476 = arith.constant 0x4B400000 : f32
        %add3A_477 = vector.broadcast %add3A_476 : f32 to vector<16xf32>
        %add3A_478 = arith.addf %get3A_441, %add3A_477 : vector<16xf32>
        %sub3A_479 = arith.constant 0x4B400000 : f32
        %sub3A_480 = vector.broadcast %sub3A_479 : f32 to vector<16xf32>
        %sub3A_481 = arith.subf %add3A_478, %sub3A_480 : vector<16xf32>
        %add3A_482 = arith.constant 0x4B400000 : f32
        %add3A_483 = vector.broadcast %add3A_482 : f32 to vector<16xf32>
        %add3A_484 = arith.addf %get3A_445, %add3A_483 : vector<16xf32>
        %sub3A_485 = arith.constant 0x4B400000 : f32
        %sub3A_486 = vector.broadcast %sub3A_485 : f32 to vector<16xf32>
        %sub3A_487 = arith.subf %add3A_484, %sub3A_486 : vector<16xf32>
        %add3A_488 = arith.constant 0x4B400000 : f32
        %add3A_489 = vector.broadcast %add3A_488 : f32 to vector<16xf32>
        %add3A_490 = arith.addf %get3A_449, %add3A_489 : vector<16xf32>
        %sub3A_491 = arith.constant 0x4B400000 : f32
        %sub3A_492 = vector.broadcast %sub3A_491 : f32 to vector<16xf32>
        %sub3A_493 = arith.subf %add3A_490, %sub3A_492 : vector<16xf32>
        %add3A_494 = arith.constant 0x4B400000 : f32
        %add3A_495 = vector.broadcast %add3A_494 : f32 to vector<16xf32>
        %add3A_496 = arith.addf %get3A_453, %add3A_495 : vector<16xf32>
        %sub3A_497 = arith.constant 0x4B400000 : f32
        %sub3A_498 = vector.broadcast %sub3A_497 : f32 to vector<16xf32>
        %sub3A_499 = arith.subf %add3A_496, %sub3A_498 : vector<16xf32>
        %add3A_500 = arith.constant 0x4B400000 : f32
        %add3A_501 = vector.broadcast %add3A_500 : f32 to vector<16xf32>
        %add3A_502 = arith.addf %get3A_457, %add3A_501 : vector<16xf32>
        %sub3A_503 = arith.constant 0x4B400000 : f32
        %sub3A_504 = vector.broadcast %sub3A_503 : f32 to vector<16xf32>
        %sub3A_505 = arith.subf %add3A_502, %sub3A_504 : vector<16xf32>
        %sub3A_506 = arith.subf %get3A_429, %sub3A_463 : vector<16xf32>
        %sub3A_507 = arith.subf %get3A_433, %sub3A_469 : vector<16xf32>
        %sub3A_508 = arith.subf %get3A_437, %sub3A_475 : vector<16xf32>
        %sub3A_509 = arith.subf %get3A_441, %sub3A_481 : vector<16xf32>
        %sub3A_510 = arith.subf %get3A_445, %sub3A_487 : vector<16xf32>
        %sub3A_511 = arith.subf %get3A_449, %sub3A_493 : vector<16xf32>
        %sub3A_512 = arith.subf %get3A_453, %sub3A_499 : vector<16xf32>
        %sub3A_513 = arith.subf %get3A_457, %sub3A_505 : vector<16xf32>
        %abs3A_514 = math.absf %sub3A_506 : vector<16xf32>
        %abs3A_515 = math.absf %sub3A_507 : vector<16xf32>
        %abs3A_516 = math.absf %sub3A_508 : vector<16xf32>
        %abs3A_517 = math.absf %sub3A_509 : vector<16xf32>
        %abs3A_518 = math.absf %sub3A_510 : vector<16xf32>
        %abs3A_519 = math.absf %sub3A_511 : vector<16xf32>
        %abs3A_520 = math.absf %sub3A_512 : vector<16xf32>
        %abs3A_521 = math.absf %sub3A_513 : vector<16xf32>
        %lt3A_522 = arith.constant 0.000000e+00 : f32
        %lt3A_523 = vector.broadcast %lt3A_522 : f32 to vector<16xf32>
        %lt3A_524 = arith.cmpf olt, %sub3A_506, %lt3A_523 : vector<16xf32>
        %lt3A_525 = arith.constant 0.000000e+00 : f32
        %lt3A_526 = vector.broadcast %lt3A_525 : f32 to vector<16xf32>
        %lt3A_527 = arith.cmpf olt, %sub3A_507, %lt3A_526 : vector<16xf32>
        %lt3A_528 = arith.constant 0.000000e+00 : f32
        %lt3A_529 = vector.broadcast %lt3A_528 : f32 to vector<16xf32>
        %lt3A_530 = arith.cmpf olt, %sub3A_508, %lt3A_529 : vector<16xf32>
        %lt3A_531 = arith.constant 0.000000e+00 : f32
        %lt3A_532 = vector.broadcast %lt3A_531 : f32 to vector<16xf32>
        %lt3A_533 = arith.cmpf olt, %sub3A_509, %lt3A_532 : vector<16xf32>
        %lt3A_534 = arith.constant 0.000000e+00 : f32
        %lt3A_535 = vector.broadcast %lt3A_534 : f32 to vector<16xf32>
        %lt3A_536 = arith.cmpf olt, %sub3A_510, %lt3A_535 : vector<16xf32>
        %lt3A_537 = arith.constant 0.000000e+00 : f32
        %lt3A_538 = vector.broadcast %lt3A_537 : f32 to vector<16xf32>
        %lt3A_539 = arith.cmpf olt, %sub3A_511, %lt3A_538 : vector<16xf32>
        %lt3A_540 = arith.constant 0.000000e+00 : f32
        %lt3A_541 = vector.broadcast %lt3A_540 : f32 to vector<16xf32>
        %lt3A_542 = arith.cmpf olt, %sub3A_512, %lt3A_541 : vector<16xf32>
        %lt3A_543 = arith.constant 0.000000e+00 : f32
        %lt3A_544 = vector.broadcast %lt3A_543 : f32 to vector<16xf32>
        %lt3A_545 = arith.cmpf olt, %sub3A_513, %lt3A_544 : vector<16xf32>
        %jit3A_546 = arith.constant -1.000000e+00 : f32
        %jit3A_547 = arith.constant 1.000000e+00 : f32
        %broadcast_in_dim3A_548 = vector.broadcast %jit3A_546 : f32 to vector<16xf32>
        %broadcast_in_dim3A_549 = vector.broadcast %jit3A_547 : f32 to vector<16xf32>
        %select_n3A_550 = arith.select %lt3A_524, %broadcast_in_dim3A_548, %broadcast_in_dim3A_549 : vector<16xi1>, vector<16xf32>
        %jit3A_551 = arith.constant -1.000000e+00 : f32
        %jit3A_552 = arith.constant 1.000000e+00 : f32
        %broadcast_in_dim3A_553 = vector.broadcast %jit3A_551 : f32 to vector<16xf32>
        %broadcast_in_dim3A_554 = vector.broadcast %jit3A_552 : f32 to vector<16xf32>
        %select_n3A_555 = arith.select %lt3A_527, %broadcast_in_dim3A_553, %broadcast_in_dim3A_554 : vector<16xi1>, vector<16xf32>
        %jit3A_556 = arith.constant -1.000000e+00 : f32
        %jit3A_557 = arith.constant 1.000000e+00 : f32
        %broadcast_in_dim3A_558 = vector.broadcast %jit3A_556 : f32 to vector<16xf32>
        %broadcast_in_dim3A_559 = vector.broadcast %jit3A_557 : f32 to vector<16xf32>
        %select_n3A_560 = arith.select %lt3A_530, %broadcast_in_dim3A_558, %broadcast_in_dim3A_559 : vector<16xi1>, vector<16xf32>
        %jit3A_561 = arith.constant -1.000000e+00 : f32
        %jit3A_562 = arith.constant 1.000000e+00 : f32
        %broadcast_in_dim3A_563 = vector.broadcast %jit3A_561 : f32 to vector<16xf32>
        %broadcast_in_dim3A_564 = vector.broadcast %jit3A_562 : f32 to vector<16xf32>
        %select_n3A_565 = arith.select %lt3A_533, %broadcast_in_dim3A_563, %broadcast_in_dim3A_564 : vector<16xi1>, vector<16xf32>
        %jit3A_566 = arith.constant -1.000000e+00 : f32
        %jit3A_567 = arith.constant 1.000000e+00 : f32
        %broadcast_in_dim3A_568 = vector.broadcast %jit3A_566 : f32 to vector<16xf32>
        %broadcast_in_dim3A_569 = vector.broadcast %jit3A_567 : f32 to vector<16xf32>
        %select_n3A_570 = arith.select %lt3A_536, %broadcast_in_dim3A_568, %broadcast_in_dim3A_569 : vector<16xi1>, vector<16xf32>
        %jit3A_571 = arith.constant -1.000000e+00 : f32
        %jit3A_572 = arith.constant 1.000000e+00 : f32
        %broadcast_in_dim3A_573 = vector.broadcast %jit3A_571 : f32 to vector<16xf32>
        %broadcast_in_dim3A_574 = vector.broadcast %jit3A_572 : f32 to vector<16xf32>
        %select_n3A_575 = arith.select %lt3A_539, %broadcast_in_dim3A_573, %broadcast_in_dim3A_574 : vector<16xi1>, vector<16xf32>
        %jit3A_576 = arith.constant -1.000000e+00 : f32
        %jit3A_577 = arith.constant 1.000000e+00 : f32
        %broadcast_in_dim3A_578 = vector.broadcast %jit3A_576 : f32 to vector<16xf32>
        %broadcast_in_dim3A_579 = vector.broadcast %jit3A_577 : f32 to vector<16xf32>
        %select_n3A_580 = arith.select %lt3A_542, %broadcast_in_dim3A_578, %broadcast_in_dim3A_579 : vector<16xi1>, vector<16xf32>
        %jit3A_581 = arith.constant -1.000000e+00 : f32
        %jit3A_582 = arith.constant 1.000000e+00 : f32
        %broadcast_in_dim3A_583 = vector.broadcast %jit3A_581 : f32 to vector<16xf32>
        %broadcast_in_dim3A_584 = vector.broadcast %jit3A_582 : f32 to vector<16xf32>
        %select_n3A_585 = arith.select %lt3A_545, %broadcast_in_dim3A_583, %broadcast_in_dim3A_584 : vector<16xi1>, vector<16xf32>
        %max3A_586 = arith.maximumf %abs3A_514, %abs3A_515 : vector<16xf32>
        %max3A_587 = arith.maximumf %abs3A_516, %abs3A_517 : vector<16xf32>
        %max3A_588 = arith.maximumf %abs3A_518, %abs3A_519 : vector<16xf32>
        %max3A_589 = arith.maximumf %abs3A_520, %abs3A_521 : vector<16xf32>
        %max3A_590 = arith.maximumf %max3A_586, %max3A_587 : vector<16xf32>
        %max3A_591 = arith.maximumf %max3A_588, %max3A_589 : vector<16xf32>
        %max3A_592 = arith.maximumf %max3A_590, %max3A_591 : vector<16xf32>
        %min3A_593 = arith.minimumf %abs3A_514, %abs3A_515 : vector<16xf32>
        %min3A_594 = arith.minimumf %abs3A_516, %abs3A_517 : vector<16xf32>
        %min3A_595 = arith.minimumf %abs3A_518, %abs3A_519 : vector<16xf32>
        %min3A_596 = arith.minimumf %abs3A_520, %abs3A_521 : vector<16xf32>
        %min3A_597 = arith.minimumf %min3A_593, %min3A_594 : vector<16xf32>
        %min3A_598 = arith.minimumf %min3A_595, %min3A_596 : vector<16xf32>
        %min3A_599 = arith.minimumf %min3A_597, %min3A_598 : vector<16xf32>
        %add3A_600 = arith.addf %sub3A_463, %sub3A_469 : vector<16xf32>
        %add3A_601 = arith.addf %sub3A_475, %sub3A_481 : vector<16xf32>
        %add3A_602 = arith.addf %sub3A_487, %sub3A_493 : vector<16xf32>
        %add3A_603 = arith.addf %sub3A_499, %sub3A_505 : vector<16xf32>
        %add3A_604 = arith.addf %add3A_600, %add3A_601 : vector<16xf32>
        %add3A_605 = arith.addf %add3A_602, %add3A_603 : vector<16xf32>
        %add3A_606 = arith.addf %add3A_604, %add3A_605 : vector<16xf32>
        %add3A_607 = arith.addf %abs3A_514, %abs3A_515 : vector<16xf32>
        %add3A_608 = arith.addf %abs3A_516, %abs3A_517 : vector<16xf32>
        %add3A_609 = arith.addf %abs3A_518, %abs3A_519 : vector<16xf32>
        %add3A_610 = arith.addf %abs3A_520, %abs3A_521 : vector<16xf32>
        %add3A_611 = arith.addf %add3A_607, %add3A_608 : vector<16xf32>
        %add3A_612 = arith.addf %add3A_609, %add3A_610 : vector<16xf32>
        %add3A_613 = arith.addf %add3A_611, %add3A_612 : vector<16xf32>
        %add3A_614 = arith.constant 0x4B400000 : f32
        %add3A_615 = vector.broadcast %add3A_614 : f32 to vector<16xf32>
        %add3A_616 = arith.addf %add3A_606, %add3A_615 : vector<16xf32>
        %bitcast_convert_type3A_617 = tpu.bitcast %add3A_616 : vector<16xf32> -> vector<16xi32>
        %and3A_618 = arith.constant 1 : i32
        %and3A_619 = vector.broadcast %and3A_618 : i32 to vector<16xi32>
        %and3A_620 = arith.andi %bitcast_convert_type3A_617, %and3A_619 : vector<16xi32>
        %eq3A_621 = arith.constant 1 : i32
        %eq3A_622 = vector.broadcast %eq3A_621 : i32 to vector<16xi32>
        %eq3A_623 = arith.cmpi eq, %and3A_620, %eq3A_622 : vector<16xi32>
        %xor3A_624 = arith.xori %lt3A_524, %lt3A_527 : vector<16xi1>
        %xor3A_625 = arith.xori %lt3A_530, %lt3A_533 : vector<16xi1>
        %xor3A_626 = arith.xori %lt3A_536, %lt3A_539 : vector<16xi1>
        %xor3A_627 = arith.xori %lt3A_542, %lt3A_545 : vector<16xi1>
        %xor3A_628 = arith.xori %xor3A_624, %xor3A_625 : vector<16xi1>
        %xor3A_629 = arith.xori %xor3A_626, %xor3A_627 : vector<16xi1>
        %xor3A_630 = arith.xori %xor3A_628, %xor3A_629 : vector<16xi1>
        %xor3A_631 = arith.xori %eq3A_623, %xor3A_630 : vector<16xi1>
        %mul3A_632 = arith.constant 2.000000e+00 : f32
        %mul3A_633 = vector.broadcast %mul3A_632 : f32 to vector<16xf32>
        %mul3A_634 = arith.mulf %mul3A_633, %max3A_592 : vector<16xf32>
        %sub3A_635 = arith.constant 1.000000e+00 : f32
        %sub3A_636 = vector.broadcast %sub3A_635 : f32 to vector<16xf32>
        %sub3A_637 = arith.subf %sub3A_636, %mul3A_634 : vector<16xf32>
        %jit3A_638 = arith.constant 0.000000e+00 : f32
        %broadcast_in_dim3A_639 = vector.broadcast %jit3A_638 : f32 to vector<16xf32>
        %select_n3A_640 = arith.select %eq3A_623, %sub3A_637, %broadcast_in_dim3A_639 : vector<16xi1>, vector<16xf32>
        %mul3A_641 = arith.constant 2.000000e+00 : f32
        %mul3A_642 = vector.broadcast %mul3A_641 : f32 to vector<16xf32>
        %mul3A_643 = arith.mulf %mul3A_642, %min3A_599 : vector<16xf32>
        %jit3A_644 = arith.constant 0.000000e+00 : f32
        %broadcast_in_dim3A_645 = vector.broadcast %jit3A_644 : f32 to vector<16xf32>
        %select_n3A_646 = arith.select %xor3A_631, %mul3A_643, %broadcast_in_dim3A_645 : vector<16xi1>, vector<16xf32>
        %sub3A_647 = arith.constant 2.000000e+00 : f32
        %sub3A_648 = vector.broadcast %sub3A_647 : f32 to vector<16xf32>
        %sub3A_649 = arith.subf %sub3A_648, %add3A_613 : vector<16xf32>
        %add3A_650 = arith.addf %sub3A_649, %select_n3A_646 : vector<16xf32>
        %sub3A_651 = arith.subf %add3A_650, %select_n3A_640 : vector<16xf32>
        %lt3A_652 = arith.constant 0.000000e+00 : f32
        %lt3A_653 = vector.broadcast %lt3A_652 : f32 to vector<16xf32>
        %lt3A_654 = arith.cmpf olt, %sub3A_651, %lt3A_653 : vector<16xf32>
        %select_n3A_655 = arith.select %lt3A_654, %min3A_599, %max3A_592 : vector<16xi1>, vector<16xf32>
        %broadcast_in_dim3A_656 = arith.constant 0 : i32
        %broadcast_in_dim3A_657 = vector.broadcast %broadcast_in_dim3A_656 : i32 to vector<16xi32>
        %broadcast_in_dim3A_658 = arith.constant 0.000000e+00 : f32
        %broadcast_in_dim3A_659 = vector.broadcast %broadcast_in_dim3A_658 : f32 to vector<16xf32>
        %eq3A_660 = arith.cmpf oeq, %abs3A_521, %select_n3A_655 : vector<16xf32>
        %jit3A_661 = arith.constant 7 : i32
        %broadcast_in_dim3A_662 = vector.broadcast %jit3A_661 : i32 to vector<16xi32>
        %select_n3A_663 = arith.select %eq3A_660, %broadcast_in_dim3A_662, %broadcast_in_dim3A_657 : vector<16xi1>, vector<16xi32>
        %select_n3A_664 = arith.select %eq3A_660, %select_n3A_585, %broadcast_in_dim3A_659 : vector<16xi1>, vector<16xf32>
        %eq3A_665 = arith.cmpf oeq, %abs3A_520, %select_n3A_655 : vector<16xf32>
        %jit3A_666 = arith.constant 6 : i32
        %broadcast_in_dim3A_667 = vector.broadcast %jit3A_666 : i32 to vector<16xi32>
        %select_n3A_668 = arith.select %eq3A_665, %broadcast_in_dim3A_667, %select_n3A_663 : vector<16xi1>, vector<16xi32>
        %select_n3A_669 = arith.select %eq3A_665, %select_n3A_580, %select_n3A_664 : vector<16xi1>, vector<16xf32>
        %eq3A_670 = arith.cmpf oeq, %abs3A_519, %select_n3A_655 : vector<16xf32>
        %jit3A_671 = arith.constant 5 : i32
        %broadcast_in_dim3A_672 = vector.broadcast %jit3A_671 : i32 to vector<16xi32>
        %select_n3A_673 = arith.select %eq3A_670, %broadcast_in_dim3A_672, %select_n3A_668 : vector<16xi1>, vector<16xi32>
        %select_n3A_674 = arith.select %eq3A_670, %select_n3A_575, %select_n3A_669 : vector<16xi1>, vector<16xf32>
        %eq3A_675 = arith.cmpf oeq, %abs3A_518, %select_n3A_655 : vector<16xf32>
        %jit3A_676 = arith.constant 4 : i32
        %broadcast_in_dim3A_677 = vector.broadcast %jit3A_676 : i32 to vector<16xi32>
        %select_n3A_678 = arith.select %eq3A_675, %broadcast_in_dim3A_677, %select_n3A_673 : vector<16xi1>, vector<16xi32>
        %select_n3A_679 = arith.select %eq3A_675, %select_n3A_570, %select_n3A_674 : vector<16xi1>, vector<16xf32>
        %eq3A_680 = arith.cmpf oeq, %abs3A_517, %select_n3A_655 : vector<16xf32>
        %jit3A_681 = arith.constant 3 : i32
        %broadcast_in_dim3A_682 = vector.broadcast %jit3A_681 : i32 to vector<16xi32>
        %select_n3A_683 = arith.select %eq3A_680, %broadcast_in_dim3A_682, %select_n3A_678 : vector<16xi1>, vector<16xi32>
        %select_n3A_684 = arith.select %eq3A_680, %select_n3A_565, %select_n3A_679 : vector<16xi1>, vector<16xf32>
        %eq3A_685 = arith.cmpf oeq, %abs3A_516, %select_n3A_655 : vector<16xf32>
        %jit3A_686 = arith.constant 2 : i32
        %broadcast_in_dim3A_687 = vector.broadcast %jit3A_686 : i32 to vector<16xi32>
        %select_n3A_688 = arith.select %eq3A_685, %broadcast_in_dim3A_687, %select_n3A_683 : vector<16xi1>, vector<16xi32>
        %select_n3A_689 = arith.select %eq3A_685, %select_n3A_560, %select_n3A_684 : vector<16xi1>, vector<16xf32>
        %eq3A_690 = arith.cmpf oeq, %abs3A_515, %select_n3A_655 : vector<16xf32>
        %jit3A_691 = arith.constant 1 : i32
        %broadcast_in_dim3A_692 = vector.broadcast %jit3A_691 : i32 to vector<16xi32>
        %select_n3A_693 = arith.select %eq3A_690, %broadcast_in_dim3A_692, %select_n3A_688 : vector<16xi1>, vector<16xi32>
        %select_n3A_694 = arith.select %eq3A_690, %select_n3A_555, %select_n3A_689 : vector<16xi1>, vector<16xf32>
        %eq3A_695 = arith.cmpf oeq, %abs3A_514, %select_n3A_655 : vector<16xf32>
        %jit3A_696 = arith.constant 0 : i32
        %broadcast_in_dim3A_697 = vector.broadcast %jit3A_696 : i32 to vector<16xi32>
        %select_n3A_698 = arith.select %eq3A_695, %broadcast_in_dim3A_697, %select_n3A_693 : vector<16xi1>, vector<16xi32>
        %select_n3A_699 = arith.select %eq3A_695, %select_n3A_550, %select_n3A_694 : vector<16xi1>, vector<16xf32>
        %neg3A_700 = arith.constant 0.000000e+00 : f32
        %neg3A_701 = vector.broadcast %neg3A_700 : f32 to vector<16xf32>
        %neg3A_702 = arith.subf %neg3A_701, %select_n3A_699 : vector<16xf32>
        %select_n3A_703 = arith.select %lt3A_654, %neg3A_702, %select_n3A_699 : vector<16xi1>, vector<16xf32>
        %select_n3A_704 = arith.select %lt3A_654, %xor3A_631, %eq3A_623 : vector<16xi1>, vector<16xi1>
        %jit3A_705 = arith.constant 0.000000e+00 : f32
        %broadcast_in_dim3A_706 = vector.broadcast %jit3A_705 : f32 to vector<16xf32>
        %select_n3A_707 = arith.select %select_n3A_704, %select_n3A_703, %broadcast_in_dim3A_706 : vector<16xi1>, vector<16xf32>
        %jit3A_708 = arith.constant 5.000000e-01 : f32
        %jit3A_709 = arith.constant 0.000000e+00 : f32
        %broadcast_in_dim3A_710 = vector.broadcast %jit3A_708 : f32 to vector<16xf32>
        %broadcast_in_dim3A_711 = vector.broadcast %jit3A_709 : f32 to vector<16xf32>
        %select_n3A_712 = arith.select %lt3A_654, %broadcast_in_dim3A_710, %broadcast_in_dim3A_711 : vector<16xi1>, vector<16xf32>
        %mul3A_713 = arith.mulf %select_n3A_712, %select_n3A_550 : vector<16xf32>
        %add3A_714 = arith.addf %sub3A_463, %mul3A_713 : vector<16xf32>
        %mul3A_715 = arith.mulf %select_n3A_712, %select_n3A_555 : vector<16xf32>
        %add3A_716 = arith.addf %sub3A_469, %mul3A_715 : vector<16xf32>
        %mul3A_717 = arith.mulf %select_n3A_712, %select_n3A_560 : vector<16xf32>
        %add3A_718 = arith.addf %sub3A_475, %mul3A_717 : vector<16xf32>
        %mul3A_719 = arith.mulf %select_n3A_712, %select_n3A_565 : vector<16xf32>
        %add3A_720 = arith.addf %sub3A_481, %mul3A_719 : vector<16xf32>
        %mul3A_721 = arith.mulf %select_n3A_712, %select_n3A_570 : vector<16xf32>
        %add3A_722 = arith.addf %sub3A_487, %mul3A_721 : vector<16xf32>
        %mul3A_723 = arith.mulf %select_n3A_712, %select_n3A_575 : vector<16xf32>
        %add3A_724 = arith.addf %sub3A_493, %mul3A_723 : vector<16xf32>
        %mul3A_725 = arith.mulf %select_n3A_712, %select_n3A_580 : vector<16xf32>
        %add3A_726 = arith.addf %sub3A_499, %mul3A_725 : vector<16xf32>
        %mul3A_727 = arith.mulf %select_n3A_712, %select_n3A_585 : vector<16xf32>
        %add3A_728 = arith.addf %sub3A_505, %mul3A_727 : vector<16xf32>
        %swap3A_729 = arith.constant 0 : i32
        %swap3A_730 = arith.index_cast %swap3A_729 : i32 to index
        %swap3A_731 = arith.index_cast %add3A_425 : i32 to index
        %swap3A_732 = tpu.vector_load %arg6[%swap3A_730, %swap3A_731] {strides = array<i32>} : memref<8x2048xf32, #tpu.memory_space<vmem>>, vector<16xf32>,
        tpu.vector_store %arg6[%swap3A_730, %swap3A_731], %add3A_714 {strides = array<i32>} : memref<8x2048xf32, #tpu.memory_space<vmem>>, vector<16xf32>,
        %swap3A_733 = arith.constant 1 : i32
        %swap3A_734 = arith.index_cast %swap3A_733 : i32 to index
        %swap3A_735 = arith.index_cast %add3A_425 : i32 to index
        %swap3A_736 = tpu.vector_load %arg6[%swap3A_734, %swap3A_735] {strides = array<i32>} : memref<8x2048xf32, #tpu.memory_space<vmem>>, vector<16xf32>,
        tpu.vector_store %arg6[%swap3A_734, %swap3A_735], %add3A_716 {strides = array<i32>} : memref<8x2048xf32, #tpu.memory_space<vmem>>, vector<16xf32>,
        %swap3A_737 = arith.constant 2 : i32
        %swap3A_738 = arith.index_cast %swap3A_737 : i32 to index
        %swap3A_739 = arith.index_cast %add3A_425 : i32 to index
        %swap3A_740 = tpu.vector_load %arg6[%swap3A_738, %swap3A_739] {strides = array<i32>} : memref<8x2048xf32, #tpu.memory_space<vmem>>, vector<16xf32>,
        tpu.vector_store %arg6[%swap3A_738, %swap3A_739], %add3A_718 {strides = array<i32>} : memref<8x2048xf32, #tpu.memory_space<vmem>>, vector<16xf32>,
        %swap3A_741 = arith.constant 3 : i32
        %swap3A_742 = arith.index_cast %swap3A_741 : i32 to index
        %swap3A_743 = arith.index_cast %add3A_425 : i32 to index
        %swap3A_744 = tpu.vector_load %arg6[%swap3A_742, %swap3A_743] {strides = array<i32>} : memref<8x2048xf32, #tpu.memory_space<vmem>>, vector<16xf32>,
        tpu.vector_store %arg6[%swap3A_742, %swap3A_743], %add3A_720 {strides = array<i32>} : memref<8x2048xf32, #tpu.memory_space<vmem>>, vector<16xf32>,
        %swap3A_745 = arith.constant 4 : i32
        %swap3A_746 = arith.index_cast %swap3A_745 : i32 to index
        %swap3A_747 = arith.index_cast %add3A_425 : i32 to index
        %swap3A_748 = tpu.vector_load %arg6[%swap3A_746, %swap3A_747] {strides = array<i32>} : memref<8x2048xf32, #tpu.memory_space<vmem>>, vector<16xf32>,
        tpu.vector_store %arg6[%swap3A_746, %swap3A_747], %add3A_722 {strides = array<i32>} : memref<8x2048xf32, #tpu.memory_space<vmem>>, vector<16xf32>,
        %swap3A_749 = arith.constant 5 : i32
        %swap3A_750 = arith.index_cast %swap3A_749 : i32 to index
        %swap3A_751 = arith.index_cast %add3A_425 : i32 to index
        %swap3A_752 = tpu.vector_load %arg6[%swap3A_750, %swap3A_751] {strides = array<i32>} : memref<8x2048xf32, #tpu.memory_space<vmem>>, vector<16xf32>,
        tpu.vector_store %arg6[%swap3A_750, %swap3A_751], %add3A_724 {strides = array<i32>} : memref<8x2048xf32, #tpu.memory_space<vmem>>, vector<16xf32>,
        %swap3A_753 = arith.constant 6 : i32
        %swap3A_754 = arith.index_cast %swap3A_753 : i32 to index
        %swap3A_755 = arith.index_cast %add3A_425 : i32 to index
        %swap3A_756 = tpu.vector_load %arg6[%swap3A_754, %swap3A_755] {strides = array<i32>} : memref<8x2048xf32, #tpu.memory_space<vmem>>, vector<16xf32>,
        tpu.vector_store %arg6[%swap3A_754, %swap3A_755], %add3A_726 {strides = array<i32>} : memref<8x2048xf32, #tpu.memory_space<vmem>>, vector<16xf32>,
        %swap3A_757 = arith.constant 7 : i32
        %swap3A_758 = arith.index_cast %swap3A_757 : i32 to index
        %swap3A_759 = arith.index_cast %add3A_425 : i32 to index
        %swap3A_760 = tpu.vector_load %arg6[%swap3A_758, %swap3A_759] {strides = array<i32>} : memref<8x2048xf32, #tpu.memory_space<vmem>>, vector<16xf32>,
        tpu.vector_store %arg6[%swap3A_758, %swap3A_759], %add3A_728 {strides = array<i32>} : memref<8x2048xf32, #tpu.memory_space<vmem>>, vector<16xf32>,
        %add3A_761 = vector.broadcast %add3A_425 : i32 to vector<16xi32>
        %add3A_762 = arith.addi %iota3A, %add3A_761 : vector<16xi32>
        tpu.vector_store_idx %arg6[%select_n3A_698, %add3A_762], %select_n3A_707 {add = true} : memref<8x2048xf32, #tpu.memory_space<vmem>>[vector<16xi32>, vector<16xi32>], vector<16xf32>,
        %mul3A_763 = arith.constant 64 : i32
        %mul3A_764 = arith.muli %scan3A_94, %mul3A_763 : i32
        %add3A_765 = arith.constant 32 : i32
        %add3A_766 = arith.addi %mul3A_764, %add3A_765 : i32
        %get3A_767 = arith.constant 0 : i32
        %get3A_768 = arith.index_cast %get3A_767 : i32 to index
        %get3A_769 = arith.index_cast %add3A_766 : i32 to index
        %get3A_770 = tpu.vector_load %arg4[%get3A_768, %get3A_769] {strides = array<i32>} : memref<8x2048xf32, #tpu.memory_space<vmem>>, vector<16xf32>,
        %get3A_771 = arith.constant 1 : i32
        %get3A_772 = arith.index_cast %get3A_771 : i32 to index
        %get3A_773 = arith.index_cast %add3A_766 : i32 to index
        %get3A_774 = tpu.vector_load %arg4[%get3A_772, %get3A_773] {strides = array<i32>} : memref<8x2048xf32, #tpu.memory_space<vmem>>, vector<16xf32>,
        %get3A_775 = arith.constant 2 : i32
        %get3A_776 = arith.index_cast %get3A_775 : i32 to index
        %get3A_777 = arith.index_cast %add3A_766 : i32 to index
        %get3A_778 = tpu.vector_load %arg4[%get3A_776, %get3A_777] {strides = array<i32>} : memref<8x2048xf32, #tpu.memory_space<vmem>>, vector<16xf32>,
        %get3A_779 = arith.constant 3 : i32
        %get3A_780 = arith.index_cast %get3A_779 : i32 to index
        %get3A_781 = arith.index_cast %add3A_766 : i32 to index
        %get3A_782 = tpu.vector_load %arg4[%get3A_780, %get3A_781] {strides = array<i32>} : memref<8x2048xf32, #tpu.memory_space<vmem>>, vector<16xf32>,
        %get3A_783 = arith.constant 4 : i32
        %get3A_784 = arith.index_cast %get3A_783 : i32 to index
        %get3A_785 = arith.index_cast %add3A_766 : i32 to index
        %get3A_786 = tpu.vector_load %arg4[%get3A_784, %get3A_785] {strides = array<i32>} : memref<8x2048xf32, #tpu.memory_space<vmem>>, vector<16xf32>,
        %get3A_787 = arith.constant 5 : i32
        %get3A_788 = arith.index_cast %get3A_787 : i32 to index
        %get3A_789 = arith.index_cast %add3A_766 : i32 to index
        %get3A_790 = tpu.vector_load %arg4[%get3A_788, %get3A_789] {strides = array<i32>} : memref<8x2048xf32, #tpu.memory_space<vmem>>, vector<16xf32>,
        %get3A_791 = arith.constant 6 : i32
        %get3A_792 = arith.index_cast %get3A_791 : i32 to index
        %get3A_793 = arith.index_cast %add3A_766 : i32 to index
        %get3A_794 = tpu.vector_load %arg4[%get3A_792, %get3A_793] {strides = array<i32>} : memref<8x2048xf32, #tpu.memory_space<vmem>>, vector<16xf32>,
        %get3A_795 = arith.constant 7 : i32
        %get3A_796 = arith.index_cast %get3A_795 : i32 to index
        %get3A_797 = arith.index_cast %add3A_766 : i32 to index
        %get3A_798 = tpu.vector_load %arg4[%get3A_796, %get3A_797] {strides = array<i32>} : memref<8x2048xf32, #tpu.memory_space<vmem>>, vector<16xf32>,
        %add3A_799 = arith.constant 0x4B400000 : f32
        %add3A_800 = vector.broadcast %add3A_799 : f32 to vector<16xf32>
        %add3A_801 = arith.addf %get3A_770, %add3A_800 : vector<16xf32>
        %sub3A_802 = arith.constant 0x4B400000 : f32
        %sub3A_803 = vector.broadcast %sub3A_802 : f32 to vector<16xf32>
        %sub3A_804 = arith.subf %add3A_801, %sub3A_803 : vector<16xf32>
        %add3A_805 = arith.constant 0x4B400000 : f32
        %add3A_806 = vector.broadcast %add3A_805 : f32 to vector<16xf32>
        %add3A_807 = arith.addf %get3A_774, %add3A_806 : vector<16xf32>
        %sub3A_808 = arith.constant 0x4B400000 : f32
        %sub3A_809 = vector.broadcast %sub3A_808 : f32 to vector<16xf32>
        %sub3A_810 = arith.subf %add3A_807, %sub3A_809 : vector<16xf32>
        %add3A_811 = arith.constant 0x4B400000 : f32
        %add3A_812 = vector.broadcast %add3A_811 : f32 to vector<16xf32>
        %add3A_813 = arith.addf %get3A_778, %add3A_812 : vector<16xf32>
        %sub3A_814 = arith.constant 0x4B400000 : f32
        %sub3A_815 = vector.broadcast %sub3A_814 : f32 to vector<16xf32>
        %sub3A_816 = arith.subf %add3A_813, %sub3A_815 : vector<16xf32>
        %add3A_817 = arith.constant 0x4B400000 : f32
        %add3A_818 = vector.broadcast %add3A_817 : f32 to vector<16xf32>
        %add3A_819 = arith.addf %get3A_782, %add3A_818 : vector<16xf32>
        %sub3A_820 = arith.constant 0x4B400000 : f32
        %sub3A_821 = vector.broadcast %sub3A_820 : f32 to vector<16xf32>
        %sub3A_822 = arith.subf %add3A_819, %sub3A_821 : vector<16xf32>
        %add3A_823 = arith.constant 0x4B400000 : f32
        %add3A_824 = vector.broadcast %add3A_823 : f32 to vector<16xf32>
        %add3A_825 = arith.addf %get3A_786, %add3A_824 : vector<16xf32>
        %sub3A_826 = arith.constant 0x4B400000 : f32
        %sub3A_827 = vector.broadcast %sub3A_826 : f32 to vector<16xf32>
        %sub3A_828 = arith.subf %add3A_825, %sub3A_827 : vector<16xf32>
        %add3A_829 = arith.constant 0x4B400000 : f32
        %add3A_830 = vector.broadcast %add3A_829 : f32 to vector<16xf32>
        %add3A_831 = arith.addf %get3A_790, %add3A_830 : vector<16xf32>
        %sub3A_832 = arith.constant 0x4B400000 : f32
        %sub3A_833 = vector.broadcast %sub3A_832 : f32 to vector<16xf32>
        %sub3A_834 = arith.subf %add3A_831, %sub3A_833 : vector<16xf32>
        %add3A_835 = arith.constant 0x4B400000 : f32
        %add3A_836 = vector.broadcast %add3A_835 : f32 to vector<16xf32>
        %add3A_837 = arith.addf %get3A_794, %add3A_836 : vector<16xf32>
        %sub3A_838 = arith.constant 0x4B400000 : f32
        %sub3A_839 = vector.broadcast %sub3A_838 : f32 to vector<16xf32>
        %sub3A_840 = arith.subf %add3A_837, %sub3A_839 : vector<16xf32>
        %add3A_841 = arith.constant 0x4B400000 : f32
        %add3A_842 = vector.broadcast %add3A_841 : f32 to vector<16xf32>
        %add3A_843 = arith.addf %get3A_798, %add3A_842 : vector<16xf32>
        %sub3A_844 = arith.constant 0x4B400000 : f32
        %sub3A_845 = vector.broadcast %sub3A_844 : f32 to vector<16xf32>
        %sub3A_846 = arith.subf %add3A_843, %sub3A_845 : vector<16xf32>
        %sub3A_847 = arith.subf %get3A_770, %sub3A_804 : vector<16xf32>
        %sub3A_848 = arith.subf %get3A_774, %sub3A_810 : vector<16xf32>
        %sub3A_849 = arith.subf %get3A_778, %sub3A_816 : vector<16xf32>
        %sub3A_850 = arith.subf %get3A_782, %sub3A_822 : vector<16xf32>
        %sub3A_851 = arith.subf %get3A_786, %sub3A_828 : vector<16xf32>
        %sub3A_852 = arith.subf %get3A_790, %sub3A_834 : vector<16xf32>
        %sub3A_853 = arith.subf %get3A_794, %sub3A_840 : vector<16xf32>
        %sub3A_854 = arith.subf %get3A_798, %sub3A_846 : vector<16xf32>
        %abs3A_855 = math.absf %sub3A_847 : vector<16xf32>
        %abs3A_856 = math.absf %sub3A_848 : vector<16xf32>
        %abs3A_857 = math.absf %sub3A_849 : vector<16xf32>
        %abs3A_858 = math.absf %sub3A_850 : vector<16xf32>
        %abs3A_859 = math.absf %sub3A_851 : vector<16xf32>
        %abs3A_860 = math.absf %sub3A_852 : vector<16xf32>
        %abs3A_861 = math.absf %sub3A_853 : vector<16xf32>
        %abs3A_862 = math.absf %sub3A_854 : vector<16xf32>
        %lt3A_863 = arith.constant 0.000000e+00 : f32
        %lt3A_864 = vector.broadcast %lt3A_863 : f32 to vector<16xf32>
        %lt3A_865 = arith.cmpf olt, %sub3A_847, %lt3A_864 : vector<16xf32>
        %lt3A_866 = arith.constant 0.000000e+00 : f32
        %lt3A_867 = vector.broadcast %lt3A_866 : f32 to vector<16xf32>
        %lt3A_868 = arith.cmpf olt, %sub3A_848, %lt3A_867 : vector<16xf32>
        %lt3A_869 = arith.constant 0.000000e+00 : f32
        %lt3A_870 = vector.broadcast %lt3A_869 : f32 to vector<16xf32>
        %lt3A_871 = arith.cmpf olt, %sub3A_849, %lt3A_870 : vector<16xf32>
        %lt3A_872 = arith.constant 0.000000e+00 : f32
        %lt3A_873 = vector.broadcast %lt3A_872 : f32 to vector<16xf32>
        %lt3A_874 = arith.cmpf olt, %sub3A_850, %lt3A_873 : vector<16xf32>
        %lt3A_875 = arith.constant 0.000000e+00 : f32
        %lt3A_876 = vector.broadcast %lt3A_875 : f32 to vector<16xf32>
        %lt3A_877 = arith.cmpf olt, %sub3A_851, %lt3A_876 : vector<16xf32>
        %lt3A_878 = arith.constant 0.000000e+00 : f32
        %lt3A_879 = vector.broadcast %lt3A_878 : f32 to vector<16xf32>
        %lt3A_880 = arith.cmpf olt, %sub3A_852, %lt3A_879 : vector<16xf32>
        %lt3A_881 = arith.constant 0.000000e+00 : f32
        %lt3A_882 = vector.broadcast %lt3A_881 : f32 to vector<16xf32>
        %lt3A_883 = arith.cmpf olt, %sub3A_853, %lt3A_882 : vector<16xf32>
        %lt3A_884 = arith.constant 0.000000e+00 : f32
        %lt3A_885 = vector.broadcast %lt3A_884 : f32 to vector<16xf32>
        %lt3A_886 = arith.cmpf olt, %sub3A_854, %lt3A_885 : vector<16xf32>
        %jit3A_887 = arith.constant -1.000000e+00 : f32
        %jit3A_888 = arith.constant 1.000000e+00 : f32
        %broadcast_in_dim3A_889 = vector.broadcast %jit3A_887 : f32 to vector<16xf32>
        %broadcast_in_dim3A_890 = vector.broadcast %jit3A_888 : f32 to vector<16xf32>
        %select_n3A_891 = arith.select %lt3A_865, %broadcast_in_dim3A_889, %broadcast_in_dim3A_890 : vector<16xi1>, vector<16xf32>
        %jit3A_892 = arith.constant -1.000000e+00 : f32
        %jit3A_893 = arith.constant 1.000000e+00 : f32
        %broadcast_in_dim3A_894 = vector.broadcast %jit3A_892 : f32 to vector<16xf32>
        %broadcast_in_dim3A_895 = vector.broadcast %jit3A_893 : f32 to vector<16xf32>
        %select_n3A_896 = arith.select %lt3A_868, %broadcast_in_dim3A_894, %broadcast_in_dim3A_895 : vector<16xi1>, vector<16xf32>
        %jit3A_897 = arith.constant -1.000000e+00 : f32
        %jit3A_898 = arith.constant 1.000000e+00 : f32
        %broadcast_in_dim3A_899 = vector.broadcast %jit3A_897 : f32 to vector<16xf32>
        %broadcast_in_dim3A_900 = vector.broadcast %jit3A_898 : f32 to vector<16xf32>
        %select_n3A_901 = arith.select %lt3A_871, %broadcast_in_dim3A_899, %broadcast_in_dim3A_900 : vector<16xi1>, vector<16xf32>
        %jit3A_902 = arith.constant -1.000000e+00 : f32
        %jit3A_903 = arith.constant 1.000000e+00 : f32
        %broadcast_in_dim3A_904 = vector.broadcast %jit3A_902 : f32 to vector<16xf32>
        %broadcast_in_dim3A_905 = vector.broadcast %jit3A_903 : f32 to vector<16xf32>
        %select_n3A_906 = arith.select %lt3A_874, %broadcast_in_dim3A_904, %broadcast_in_dim3A_905 : vector<16xi1>, vector<16xf32>
        %jit3A_907 = arith.constant -1.000000e+00 : f32
        %jit3A_908 = arith.constant 1.000000e+00 : f32
        %broadcast_in_dim3A_909 = vector.broadcast %jit3A_907 : f32 to vector<16xf32>
        %broadcast_in_dim3A_910 = vector.broadcast %jit3A_908 : f32 to vector<16xf32>
        %select_n3A_911 = arith.select %lt3A_877, %broadcast_in_dim3A_909, %broadcast_in_dim3A_910 : vector<16xi1>, vector<16xf32>
        %jit3A_912 = arith.constant -1.000000e+00 : f32
        %jit3A_913 = arith.constant 1.000000e+00 : f32
        %broadcast_in_dim3A_914 = vector.broadcast %jit3A_912 : f32 to vector<16xf32>
        %broadcast_in_dim3A_915 = vector.broadcast %jit3A_913 : f32 to vector<16xf32>
        %select_n3A_916 = arith.select %lt3A_880, %broadcast_in_dim3A_914, %broadcast_in_dim3A_915 : vector<16xi1>, vector<16xf32>
        %jit3A_917 = arith.constant -1.000000e+00 : f32
        %jit3A_918 = arith.constant 1.000000e+00 : f32
        %broadcast_in_dim3A_919 = vector.broadcast %jit3A_917 : f32 to vector<16xf32>
        %broadcast_in_dim3A_920 = vector.broadcast %jit3A_918 : f32 to vector<16xf32>
        %select_n3A_921 = arith.select %lt3A_883, %broadcast_in_dim3A_919, %broadcast_in_dim3A_920 : vector<16xi1>, vector<16xf32>
        %jit3A_922 = arith.constant -1.000000e+00 : f32
        %jit3A_923 = arith.constant 1.000000e+00 : f32
        %broadcast_in_dim3A_924 = vector.broadcast %jit3A_922 : f32 to vector<16xf32>
        %broadcast_in_dim3A_925 = vector.broadcast %jit3A_923 : f32 to vector<16xf32>
        %select_n3A_926 = arith.select %lt3A_886, %broadcast_in_dim3A_924, %broadcast_in_dim3A_925 : vector<16xi1>, vector<16xf32>
        %max3A_927 = arith.maximumf %abs3A_855, %abs3A_856 : vector<16xf32>
        %max3A_928 = arith.maximumf %abs3A_857, %abs3A_858 : vector<16xf32>
        %max3A_929 = arith.maximumf %abs3A_859, %abs3A_860 : vector<16xf32>
        %max3A_930 = arith.maximumf %abs3A_861, %abs3A_862 : vector<16xf32>
        %max3A_931 = arith.maximumf %max3A_927, %max3A_928 : vector<16xf32>
        %max3A_932 = arith.maximumf %max3A_929, %max3A_930 : vector<16xf32>
        %max3A_933 = arith.maximumf %max3A_931, %max3A_932 : vector<16xf32>
        %min3A_934 = arith.minimumf %abs3A_855, %abs3A_856 : vector<16xf32>
        %min3A_935 = arith.minimumf %abs3A_857, %abs3A_858 : vector<16xf32>
        %min3A_936 = arith.minimumf %abs3A_859, %abs3A_860 : vector<16xf32>
        %min3A_937 = arith.minimumf %abs3A_861, %abs3A_862 : vector<16xf32>
        %min3A_938 = arith.minimumf %min3A_934, %min3A_935 : vector<16xf32>
        %min3A_939 = arith.minimumf %min3A_936, %min3A_937 : vector<16xf32>
        %min3A_940 = arith.minimumf %min3A_938, %min3A_939 : vector<16xf32>
        %add3A_941 = arith.addf %sub3A_804, %sub3A_810 : vector<16xf32>
        %add3A_942 = arith.addf %sub3A_816, %sub3A_822 : vector<16xf32>
        %add3A_943 = arith.addf %sub3A_828, %sub3A_834 : vector<16xf32>
        %add3A_944 = arith.addf %sub3A_840, %sub3A_846 : vector<16xf32>
        %add3A_945 = arith.addf %add3A_941, %add3A_942 : vector<16xf32>
        %add3A_946 = arith.addf %add3A_943, %add3A_944 : vector<16xf32>
        %add3A_947 = arith.addf %add3A_945, %add3A_946 : vector<16xf32>
        %add3A_948 = arith.addf %abs3A_855, %abs3A_856 : vector<16xf32>
        %add3A_949 = arith.addf %abs3A_857, %abs3A_858 : vector<16xf32>
        %add3A_950 = arith.addf %abs3A_859, %abs3A_860 : vector<16xf32>
        %add3A_951 = arith.addf %abs3A_861, %abs3A_862 : vector<16xf32>
        %add3A_952 = arith.addf %add3A_948, %add3A_949 : vector<16xf32>
        %add3A_953 = arith.addf %add3A_950, %add3A_951 : vector<16xf32>
        %add3A_954 = arith.addf %add3A_952, %add3A_953 : vector<16xf32>
        %add3A_955 = arith.constant 0x4B400000 : f32
        %add3A_956 = vector.broadcast %add3A_955 : f32 to vector<16xf32>
        %add3A_957 = arith.addf %add3A_947, %add3A_956 : vector<16xf32>
        %bitcast_convert_type3A_958 = tpu.bitcast %add3A_957 : vector<16xf32> -> vector<16xi32>
        %and3A_959 = arith.constant 1 : i32
        %and3A_960 = vector.broadcast %and3A_959 : i32 to vector<16xi32>
        %and3A_961 = arith.andi %bitcast_convert_type3A_958, %and3A_960 : vector<16xi32>
        %eq3A_962 = arith.constant 1 : i32
        %eq3A_963 = vector.broadcast %eq3A_962 : i32 to vector<16xi32>
        %eq3A_964 = arith.cmpi eq, %and3A_961, %eq3A_963 : vector<16xi32>
        %xor3A_965 = arith.xori %lt3A_865, %lt3A_868 : vector<16xi1>
        %xor3A_966 = arith.xori %lt3A_871, %lt3A_874 : vector<16xi1>
        %xor3A_967 = arith.xori %lt3A_877, %lt3A_880 : vector<16xi1>
        %xor3A_968 = arith.xori %lt3A_883, %lt3A_886 : vector<16xi1>
        %xor3A_969 = arith.xori %xor3A_965, %xor3A_966 : vector<16xi1>
        %xor3A_970 = arith.xori %xor3A_967, %xor3A_968 : vector<16xi1>
        %xor3A_971 = arith.xori %xor3A_969, %xor3A_970 : vector<16xi1>
        %xor3A_972 = arith.xori %eq3A_964, %xor3A_971 : vector<16xi1>
        %mul3A_973 = arith.constant 2.000000e+00 : f32
        %mul3A_974 = vector.broadcast %mul3A_973 : f32 to vector<16xf32>
        %mul3A_975 = arith.mulf %mul3A_974, %max3A_933 : vector<16xf32>
        %sub3A_976 = arith.constant 1.000000e+00 : f32
        %sub3A_977 = vector.broadcast %sub3A_976 : f32 to vector<16xf32>
        %sub3A_978 = arith.subf %sub3A_977, %mul3A_975 : vector<16xf32>
        %jit3A_979 = arith.constant 0.000000e+00 : f32
        %broadcast_in_dim3A_980 = vector.broadcast %jit3A_979 : f32 to vector<16xf32>
        %select_n3A_981 = arith.select %eq3A_964, %sub3A_978, %broadcast_in_dim3A_980 : vector<16xi1>, vector<16xf32>
        %mul3A_982 = arith.constant 2.000000e+00 : f32
        %mul3A_983 = vector.broadcast %mul3A_982 : f32 to vector<16xf32>
        %mul3A_984 = arith.mulf %mul3A_983, %min3A_940 : vector<16xf32>
        %jit3A_985 = arith.constant 0.000000e+00 : f32
        %broadcast_in_dim3A_986 = vector.broadcast %jit3A_985 : f32 to vector<16xf32>
        %select_n3A_987 = arith.select %xor3A_972, %mul3A_984, %broadcast_in_dim3A_986 : vector<16xi1>, vector<16xf32>
        %sub3A_988 = arith.constant 2.000000e+00 : f32
        %sub3A_989 = vector.broadcast %sub3A_988 : f32 to vector<16xf32>
        %sub3A_990 = arith.subf %sub3A_989, %add3A_954 : vector<16xf32>
        %add3A_991 = arith.addf %sub3A_990, %select_n3A_987 : vector<16xf32>
        %sub3A_992 = arith.subf %add3A_991, %select_n3A_981 : vector<16xf32>
        %lt3A_993 = arith.constant 0.000000e+00 : f32
        %lt3A_994 = vector.broadcast %lt3A_993 : f32 to vector<16xf32>
        %lt3A_995 = arith.cmpf olt, %sub3A_992, %lt3A_994 : vector<16xf32>
        %select_n3A_996 = arith.select %lt3A_995, %min3A_940, %max3A_933 : vector<16xi1>, vector<16xf32>
        %broadcast_in_dim3A_997 = arith.constant 0 : i32
        %broadcast_in_dim3A_998 = vector.broadcast %broadcast_in_dim3A_997 : i32 to vector<16xi32>
        %broadcast_in_dim3A_999 = arith.constant 0.000000e+00 : f32
        %broadcast_in_dim3A_1000 = vector.broadcast %broadcast_in_dim3A_999 : f32 to vector<16xf32>
        %eq3A_1001 = arith.cmpf oeq, %abs3A_862, %select_n3A_996 : vector<16xf32>
        %jit3A_1002 = arith.constant 7 : i32
        %broadcast_in_dim3A_1003 = vector.broadcast %jit3A_1002 : i32 to vector<16xi32>
        %select_n3A_1004 = arith.select %eq3A_1001, %broadcast_in_dim3A_1003, %broadcast_in_dim3A_998 : vector<16xi1>, vector<16xi32>
        %select_n3A_1005 = arith.select %eq3A_1001, %select_n3A_926, %broadcast_in_dim3A_1000 : vector<16xi1>, vector<16xf32>
        %eq3A_1006 = arith.cmpf oeq, %abs3A_861, %select_n3A_996 : vector<16xf32>
        %jit3A_1007 = arith.constant 6 : i32
        %broadcast_in_dim3A_1008 = vector.broadcast %jit3A_1007 : i32 to vector<16xi32>
        %select_n3A_1009 = arith.select %eq3A_1006, %broadcast_in_dim3A_1008, %select_n3A_1004 : vector<16xi1>, vector<16xi32>
        %select_n3A_1010 = arith.select %eq3A_1006, %select_n3A_921, %select_n3A_1005 : vector<16xi1>, vector<16xf32>
        %eq3A_1011 = arith.cmpf oeq, %abs3A_860, %select_n3A_996 : vector<16xf32>
        %jit3A_1012 = arith.constant 5 : i32
        %broadcast_in_dim3A_1013 = vector.broadcast %jit3A_1012 : i32 to vector<16xi32>
        %select_n3A_1014 = arith.select %eq3A_1011, %broadcast_in_dim3A_1013, %select_n3A_1009 : vector<16xi1>, vector<16xi32>
        %select_n3A_1015 = arith.select %eq3A_1011, %select_n3A_916, %select_n3A_1010 : vector<16xi1>, vector<16xf32>
        %eq3A_1016 = arith.cmpf oeq, %abs3A_859, %select_n3A_996 : vector<16xf32>
        %jit3A_1017 = arith.constant 4 : i32
        %broadcast_in_dim3A_1018 = vector.broadcast %jit3A_1017 : i32 to vector<16xi32>
        %select_n3A_1019 = arith.select %eq3A_1016, %broadcast_in_dim3A_1018, %select_n3A_1014 : vector<16xi1>, vector<16xi32>
        %select_n3A_1020 = arith.select %eq3A_1016, %select_n3A_911, %select_n3A_1015 : vector<16xi1>, vector<16xf32>
        %eq3A_1021 = arith.cmpf oeq, %abs3A_858, %select_n3A_996 : vector<16xf32>
        %jit3A_1022 = arith.constant 3 : i32
        %broadcast_in_dim3A_1023 = vector.broadcast %jit3A_1022 : i32 to vector<16xi32>
        %select_n3A_1024 = arith.select %eq3A_1021, %broadcast_in_dim3A_1023, %select_n3A_1019 : vector<16xi1>, vector<16xi32>
        %select_n3A_1025 = arith.select %eq3A_1021, %select_n3A_906, %select_n3A_1020 : vector<16xi1>, vector<16xf32>
        %eq3A_1026 = arith.cmpf oeq, %abs3A_857, %select_n3A_996 : vector<16xf32>
        %jit3A_1027 = arith.constant 2 : i32
        %broadcast_in_dim3A_1028 = vector.broadcast %jit3A_1027 : i32 to vector<16xi32>
        %select_n3A_1029 = arith.select %eq3A_1026, %broadcast_in_dim3A_1028, %select_n3A_1024 : vector<16xi1>, vector<16xi32>
        %select_n3A_1030 = arith.select %eq3A_1026, %select_n3A_901, %select_n3A_1025 : vector<16xi1>, vector<16xf32>
        %eq3A_1031 = arith.cmpf oeq, %abs3A_856, %select_n3A_996 : vector<16xf32>
        %jit3A_1032 = arith.constant 1 : i32
        %broadcast_in_dim3A_1033 = vector.broadcast %jit3A_1032 : i32 to vector<16xi32>
        %select_n3A_1034 = arith.select %eq3A_1031, %broadcast_in_dim3A_1033, %select_n3A_1029 : vector<16xi1>, vector<16xi32>
        %select_n3A_1035 = arith.select %eq3A_1031, %select_n3A_896, %select_n3A_1030 : vector<16xi1>, vector<16xf32>
        %eq3A_1036 = arith.cmpf oeq, %abs3A_855, %select_n3A_996 : vector<16xf32>
        %jit3A_1037 = arith.constant 0 : i32
        %broadcast_in_dim3A_1038 = vector.broadcast %jit3A_1037 : i32 to vector<16xi32>
        %select_n3A_1039 = arith.select %eq3A_1036, %broadcast_in_dim3A_1038, %select_n3A_1034 : vector<16xi1>, vector<16xi32>
        %select_n3A_1040 = arith.select %eq3A_1036, %select_n3A_891, %select_n3A_1035 : vector<16xi1>, vector<16xf32>
        %neg3A_1041 = arith.constant 0.000000e+00 : f32
        %neg3A_1042 = vector.broadcast %neg3A_1041 : f32 to vector<16xf32>
        %neg3A_1043 = arith.subf %neg3A_1042, %select_n3A_1040 : vector<16xf32>
        %select_n3A_1044 = arith.select %lt3A_995, %neg3A_1043, %select_n3A_1040 : vector<16xi1>, vector<16xf32>
        %select_n3A_1045 = arith.select %lt3A_995, %xor3A_972, %eq3A_964 : vector<16xi1>, vector<16xi1>
        %jit3A_1046 = arith.constant 0.000000e+00 : f32
        %broadcast_in_dim3A_1047 = vector.broadcast %jit3A_1046 : f32 to vector<16xf32>
        %select_n3A_1048 = arith.select %select_n3A_1045, %select_n3A_1044, %broadcast_in_dim3A_1047 : vector<16xi1>, vector<16xf32>
        %jit3A_1049 = arith.constant 5.000000e-01 : f32
        %jit3A_1050 = arith.constant 0.000000e+00 : f32
        %broadcast_in_dim3A_1051 = vector.broadcast %jit3A_1049 : f32 to vector<16xf32>
        %broadcast_in_dim3A_1052 = vector.broadcast %jit3A_1050 : f32 to vector<16xf32>
        %select_n3A_1053 = arith.select %lt3A_995, %broadcast_in_dim3A_1051, %broadcast_in_dim3A_1052 : vector<16xi1>, vector<16xf32>
        %mul3A_1054 = arith.mulf %select_n3A_1053, %select_n3A_891 : vector<16xf32>
        %add3A_1055 = arith.addf %sub3A_804, %mul3A_1054 : vector<16xf32>
        %mul3A_1056 = arith.mulf %select_n3A_1053, %select_n3A_896 : vector<16xf32>
        %add3A_1057 = arith.addf %sub3A_810, %mul3A_1056 : vector<16xf32>
        %mul3A_1058 = arith.mulf %select_n3A_1053, %select_n3A_901 : vector<16xf32>
        %add3A_1059 = arith.addf %sub3A_816, %mul3A_1058 : vector<16xf32>
        %mul3A_1060 = arith.mulf %select_n3A_1053, %select_n3A_906 : vector<16xf32>
        %add3A_1061 = arith.addf %sub3A_822, %mul3A_1060 : vector<16xf32>
        %mul3A_1062 = arith.mulf %select_n3A_1053, %select_n3A_911 : vector<16xf32>
        %add3A_1063 = arith.addf %sub3A_828, %mul3A_1062 : vector<16xf32>
        %mul3A_1064 = arith.mulf %select_n3A_1053, %select_n3A_916 : vector<16xf32>
        %add3A_1065 = arith.addf %sub3A_834, %mul3A_1064 : vector<16xf32>
        %mul3A_1066 = arith.mulf %select_n3A_1053, %select_n3A_921 : vector<16xf32>
        %add3A_1067 = arith.addf %sub3A_840, %mul3A_1066 : vector<16xf32>
        %mul3A_1068 = arith.mulf %select_n3A_1053, %select_n3A_926 : vector<16xf32>
        %add3A_1069 = arith.addf %sub3A_846, %mul3A_1068 : vector<16xf32>
        %swap3A_1070 = arith.constant 0 : i32
        %swap3A_1071 = arith.index_cast %swap3A_1070 : i32 to index
        %swap3A_1072 = arith.index_cast %add3A_766 : i32 to index
        %swap3A_1073 = tpu.vector_load %arg6[%swap3A_1071, %swap3A_1072] {strides = array<i32>} : memref<8x2048xf32, #tpu.memory_space<vmem>>, vector<16xf32>,
        tpu.vector_store %arg6[%swap3A_1071, %swap3A_1072], %add3A_1055 {strides = array<i32>} : memref<8x2048xf32, #tpu.memory_space<vmem>>, vector<16xf32>,
        %swap3A_1074 = arith.constant 1 : i32
        %swap3A_1075 = arith.index_cast %swap3A_1074 : i32 to index
        %swap3A_1076 = arith.index_cast %add3A_766 : i32 to index
        %swap3A_1077 = tpu.vector_load %arg6[%swap3A_1075, %swap3A_1076] {strides = array<i32>} : memref<8x2048xf32, #tpu.memory_space<vmem>>, vector<16xf32>,
        tpu.vector_store %arg6[%swap3A_1075, %swap3A_1076], %add3A_1057 {strides = array<i32>} : memref<8x2048xf32, #tpu.memory_space<vmem>>, vector<16xf32>,
        %swap3A_1078 = arith.constant 2 : i32
        %swap3A_1079 = arith.index_cast %swap3A_1078 : i32 to index
        %swap3A_1080 = arith.index_cast %add3A_766 : i32 to index
        %swap3A_1081 = tpu.vector_load %arg6[%swap3A_1079, %swap3A_1080] {strides = array<i32>} : memref<8x2048xf32, #tpu.memory_space<vmem>>, vector<16xf32>,
        tpu.vector_store %arg6[%swap3A_1079, %swap3A_1080], %add3A_1059 {strides = array<i32>} : memref<8x2048xf32, #tpu.memory_space<vmem>>, vector<16xf32>,
        %swap3A_1082 = arith.constant 3 : i32
        %swap3A_1083 = arith.index_cast %swap3A_1082 : i32 to index
        %swap3A_1084 = arith.index_cast %add3A_766 : i32 to index
        %swap3A_1085 = tpu.vector_load %arg6[%swap3A_1083, %swap3A_1084] {strides = array<i32>} : memref<8x2048xf32, #tpu.memory_space<vmem>>, vector<16xf32>,
        tpu.vector_store %arg6[%swap3A_1083, %swap3A_1084], %add3A_1061 {strides = array<i32>} : memref<8x2048xf32, #tpu.memory_space<vmem>>, vector<16xf32>,
        %swap3A_1086 = arith.constant 4 : i32
        %swap3A_1087 = arith.index_cast %swap3A_1086 : i32 to index
        %swap3A_1088 = arith.index_cast %add3A_766 : i32 to index
        %swap3A_1089 = tpu.vector_load %arg6[%swap3A_1087, %swap3A_1088] {strides = array<i32>} : memref<8x2048xf32, #tpu.memory_space<vmem>>, vector<16xf32>,
        tpu.vector_store %arg6[%swap3A_1087, %swap3A_1088], %add3A_1063 {strides = array<i32>} : memref<8x2048xf32, #tpu.memory_space<vmem>>, vector<16xf32>,
        %swap3A_1090 = arith.constant 5 : i32
        %swap3A_1091 = arith.index_cast %swap3A_1090 : i32 to index
        %swap3A_1092 = arith.index_cast %add3A_766 : i32 to index
        %swap3A_1093 = tpu.vector_load %arg6[%swap3A_1091, %swap3A_1092] {strides = array<i32>} : memref<8x2048xf32, #tpu.memory_space<vmem>>, vector<16xf32>,
        tpu.vector_store %arg6[%swap3A_1091, %swap3A_1092], %add3A_1065 {strides = array<i32>} : memref<8x2048xf32, #tpu.memory_space<vmem>>, vector<16xf32>,
        %swap3A_1094 = arith.constant 6 : i32
        %swap3A_1095 = arith.index_cast %swap3A_1094 : i32 to index
        %swap3A_1096 = arith.index_cast %add3A_766 : i32 to index
        %swap3A_1097 = tpu.vector_load %arg6[%swap3A_1095, %swap3A_1096] {strides = array<i32>} : memref<8x2048xf32, #tpu.memory_space<vmem>>, vector<16xf32>,
        tpu.vector_store %arg6[%swap3A_1095, %swap3A_1096], %add3A_1067 {strides = array<i32>} : memref<8x2048xf32, #tpu.memory_space<vmem>>, vector<16xf32>,
        %swap3A_1098 = arith.constant 7 : i32
        %swap3A_1099 = arith.index_cast %swap3A_1098 : i32 to index
        %swap3A_1100 = arith.index_cast %add3A_766 : i32 to index
        %swap3A_1101 = tpu.vector_load %arg6[%swap3A_1099, %swap3A_1100] {strides = array<i32>} : memref<8x2048xf32, #tpu.memory_space<vmem>>, vector<16xf32>,
        tpu.vector_store %arg6[%swap3A_1099, %swap3A_1100], %add3A_1069 {strides = array<i32>} : memref<8x2048xf32, #tpu.memory_space<vmem>>, vector<16xf32>,
        %add3A_1102 = vector.broadcast %add3A_766 : i32 to vector<16xi32>
        %add3A_1103 = arith.addi %iota3A, %add3A_1102 : vector<16xi32>
        tpu.vector_store_idx %arg6[%select_n3A_1039, %add3A_1103], %select_n3A_1048 {add = true} : memref<8x2048xf32, #tpu.memory_space<vmem>>[vector<16xi32>, vector<16xi32>], vector<16xf32>,
        %mul3A_1104 = arith.constant 64 : i32
        %mul3A_1105 = arith.muli %scan3A_94, %mul3A_1104 : i32
        %add3A_1106 = arith.constant 48 : i32
        %add3A_1107 = arith.addi %mul3A_1105, %add3A_1106 : i32
        %get3A_1108 = arith.constant 0 : i32
        %get3A_1109 = arith.index_cast %get3A_1108 : i32 to index
        %get3A_1110 = arith.index_cast %add3A_1107 : i32 to index
        %get3A_1111 = tpu.vector_load %arg4[%get3A_1109, %get3A_1110] {strides = array<i32>} : memref<8x2048xf32, #tpu.memory_space<vmem>>, vector<16xf32>,
        %get3A_1112 = arith.constant 1 : i32
        %get3A_1113 = arith.index_cast %get3A_1112 : i32 to index
        %get3A_1114 = arith.index_cast %add3A_1107 : i32 to index
        %get3A_1115 = tpu.vector_load %arg4[%get3A_1113, %get3A_1114] {strides = array<i32>} : memref<8x2048xf32, #tpu.memory_space<vmem>>, vector<16xf32>,
        %get3A_1116 = arith.constant 2 : i32
        %get3A_1117 = arith.index_cast %get3A_1116 : i32 to index
        %get3A_1118 = arith.index_cast %add3A_1107 : i32 to index
        %get3A_1119 = tpu.vector_load %arg4[%get3A_1117, %get3A_1118] {strides = array<i32>} : memref<8x2048xf32, #tpu.memory_space<vmem>>, vector<16xf32>,
        %get3A_1120 = arith.constant 3 : i32
        %get3A_1121 = arith.index_cast %get3A_1120 : i32 to index
        %get3A_1122 = arith.index_cast %add3A_1107 : i32 to index
        %get3A_1123 = tpu.vector_load %arg4[%get3A_1121, %get3A_1122] {strides = array<i32>} : memref<8x2048xf32, #tpu.memory_space<vmem>>, vector<16xf32>,
        %get3A_1124 = arith.constant 4 : i32
        %get3A_1125 = arith.index_cast %get3A_1124 : i32 to index
        %get3A_1126 = arith.index_cast %add3A_1107 : i32 to index
        %get3A_1127 = tpu.vector_load %arg4[%get3A_1125, %get3A_1126] {strides = array<i32>} : memref<8x2048xf32, #tpu.memory_space<vmem>>, vector<16xf32>,
        %get3A_1128 = arith.constant 5 : i32
        %get3A_1129 = arith.index_cast %get3A_1128 : i32 to index
        %get3A_1130 = arith.index_cast %add3A_1107 : i32 to index
        %get3A_1131 = tpu.vector_load %arg4[%get3A_1129, %get3A_1130] {strides = array<i32>} : memref<8x2048xf32, #tpu.memory_space<vmem>>, vector<16xf32>,
        %get3A_1132 = arith.constant 6 : i32
        %get3A_1133 = arith.index_cast %get3A_1132 : i32 to index
        %get3A_1134 = arith.index_cast %add3A_1107 : i32 to index
        %get3A_1135 = tpu.vector_load %arg4[%get3A_1133, %get3A_1134] {strides = array<i32>} : memref<8x2048xf32, #tpu.memory_space<vmem>>, vector<16xf32>,
        %get3A_1136 = arith.constant 7 : i32
        %get3A_1137 = arith.index_cast %get3A_1136 : i32 to index
        %get3A_1138 = arith.index_cast %add3A_1107 : i32 to index
        %get3A_1139 = tpu.vector_load %arg4[%get3A_1137, %get3A_1138] {strides = array<i32>} : memref<8x2048xf32, #tpu.memory_space<vmem>>, vector<16xf32>,
        %add3A_1140 = arith.constant 0x4B400000 : f32
        %add3A_1141 = vector.broadcast %add3A_1140 : f32 to vector<16xf32>
        %add3A_1142 = arith.addf %get3A_1111, %add3A_1141 : vector<16xf32>
        %sub3A_1143 = arith.constant 0x4B400000 : f32
        %sub3A_1144 = vector.broadcast %sub3A_1143 : f32 to vector<16xf32>
        %sub3A_1145 = arith.subf %add3A_1142, %sub3A_1144 : vector<16xf32>
        %add3A_1146 = arith.constant 0x4B400000 : f32
        %add3A_1147 = vector.broadcast %add3A_1146 : f32 to vector<16xf32>
        %add3A_1148 = arith.addf %get3A_1115, %add3A_1147 : vector<16xf32>
        %sub3A_1149 = arith.constant 0x4B400000 : f32
        %sub3A_1150 = vector.broadcast %sub3A_1149 : f32 to vector<16xf32>
        %sub3A_1151 = arith.subf %add3A_1148, %sub3A_1150 : vector<16xf32>
        %add3A_1152 = arith.constant 0x4B400000 : f32
        %add3A_1153 = vector.broadcast %add3A_1152 : f32 to vector<16xf32>
        %add3A_1154 = arith.addf %get3A_1119, %add3A_1153 : vector<16xf32>
        %sub3A_1155 = arith.constant 0x4B400000 : f32
        %sub3A_1156 = vector.broadcast %sub3A_1155 : f32 to vector<16xf32>
        %sub3A_1157 = arith.subf %add3A_1154, %sub3A_1156 : vector<16xf32>
        %add3A_1158 = arith.constant 0x4B400000 : f32
        %add3A_1159 = vector.broadcast %add3A_1158 : f32 to vector<16xf32>
        %add3A_1160 = arith.addf %get3A_1123, %add3A_1159 : vector<16xf32>
        %sub3A_1161 = arith.constant 0x4B400000 : f32
        %sub3A_1162 = vector.broadcast %sub3A_1161 : f32 to vector<16xf32>
        %sub3A_1163 = arith.subf %add3A_1160, %sub3A_1162 : vector<16xf32>
        %add3A_1164 = arith.constant 0x4B400000 : f32
        %add3A_1165 = vector.broadcast %add3A_1164 : f32 to vector<16xf32>
        %add3A_1166 = arith.addf %get3A_1127, %add3A_1165 : vector<16xf32>
        %sub3A_1167 = arith.constant 0x4B400000 : f32
        %sub3A_1168 = vector.broadcast %sub3A_1167 : f32 to vector<16xf32>
        %sub3A_1169 = arith.subf %add3A_1166, %sub3A_1168 : vector<16xf32>
        %add3A_1170 = arith.constant 0x4B400000 : f32
        %add3A_1171 = vector.broadcast %add3A_1170 : f32 to vector<16xf32>
        %add3A_1172 = arith.addf %get3A_1131, %add3A_1171 : vector<16xf32>
        %sub3A_1173 = arith.constant 0x4B400000 : f32
        %sub3A_1174 = vector.broadcast %sub3A_1173 : f32 to vector<16xf32>
        %sub3A_1175 = arith.subf %add3A_1172, %sub3A_1174 : vector<16xf32>
        %add3A_1176 = arith.constant 0x4B400000 : f32
        %add3A_1177 = vector.broadcast %add3A_1176 : f32 to vector<16xf32>
        %add3A_1178 = arith.addf %get3A_1135, %add3A_1177 : vector<16xf32>
        %sub3A_1179 = arith.constant 0x4B400000 : f32
        %sub3A_1180 = vector.broadcast %sub3A_1179 : f32 to vector<16xf32>
        %sub3A_1181 = arith.subf %add3A_1178, %sub3A_1180 : vector<16xf32>
        %add3A_1182 = arith.constant 0x4B400000 : f32
        %add3A_1183 = vector.broadcast %add3A_1182 : f32 to vector<16xf32>
        %add3A_1184 = arith.addf %get3A_1139, %add3A_1183 : vector<16xf32>
        %sub3A_1185 = arith.constant 0x4B400000 : f32
        %sub3A_1186 = vector.broadcast %sub3A_1185 : f32 to vector<16xf32>
        %sub3A_1187 = arith.subf %add3A_1184, %sub3A_1186 : vector<16xf32>
        %sub3A_1188 = arith.subf %get3A_1111, %sub3A_1145 : vector<16xf32>
        %sub3A_1189 = arith.subf %get3A_1115, %sub3A_1151 : vector<16xf32>
        %sub3A_1190 = arith.subf %get3A_1119, %sub3A_1157 : vector<16xf32>
        %sub3A_1191 = arith.subf %get3A_1123, %sub3A_1163 : vector<16xf32>
        %sub3A_1192 = arith.subf %get3A_1127, %sub3A_1169 : vector<16xf32>
        %sub3A_1193 = arith.subf %get3A_1131, %sub3A_1175 : vector<16xf32>
        %sub3A_1194 = arith.subf %get3A_1135, %sub3A_1181 : vector<16xf32>
        %sub3A_1195 = arith.subf %get3A_1139, %sub3A_1187 : vector<16xf32>
        %abs3A_1196 = math.absf %sub3A_1188 : vector<16xf32>
        %abs3A_1197 = math.absf %sub3A_1189 : vector<16xf32>
        %abs3A_1198 = math.absf %sub3A_1190 : vector<16xf32>
        %abs3A_1199 = math.absf %sub3A_1191 : vector<16xf32>
        %abs3A_1200 = math.absf %sub3A_1192 : vector<16xf32>
        %abs3A_1201 = math.absf %sub3A_1193 : vector<16xf32>
        %abs3A_1202 = math.absf %sub3A_1194 : vector<16xf32>
        %abs3A_1203 = math.absf %sub3A_1195 : vector<16xf32>
        %lt3A_1204 = arith.constant 0.000000e+00 : f32
        %lt3A_1205 = vector.broadcast %lt3A_1204 : f32 to vector<16xf32>
        %lt3A_1206 = arith.cmpf olt, %sub3A_1188, %lt3A_1205 : vector<16xf32>
        %lt3A_1207 = arith.constant 0.000000e+00 : f32
        %lt3A_1208 = vector.broadcast %lt3A_1207 : f32 to vector<16xf32>
        %lt3A_1209 = arith.cmpf olt, %sub3A_1189, %lt3A_1208 : vector<16xf32>
        %lt3A_1210 = arith.constant 0.000000e+00 : f32
        %lt3A_1211 = vector.broadcast %lt3A_1210 : f32 to vector<16xf32>
        %lt3A_1212 = arith.cmpf olt, %sub3A_1190, %lt3A_1211 : vector<16xf32>
        %lt3A_1213 = arith.constant 0.000000e+00 : f32
        %lt3A_1214 = vector.broadcast %lt3A_1213 : f32 to vector<16xf32>
        %lt3A_1215 = arith.cmpf olt, %sub3A_1191, %lt3A_1214 : vector<16xf32>
        %lt3A_1216 = arith.constant 0.000000e+00 : f32
        %lt3A_1217 = vector.broadcast %lt3A_1216 : f32 to vector<16xf32>
        %lt3A_1218 = arith.cmpf olt, %sub3A_1192, %lt3A_1217 : vector<16xf32>
        %lt3A_1219 = arith.constant 0.000000e+00 : f32
        %lt3A_1220 = vector.broadcast %lt3A_1219 : f32 to vector<16xf32>
        %lt3A_1221 = arith.cmpf olt, %sub3A_1193, %lt3A_1220 : vector<16xf32>
        %lt3A_1222 = arith.constant 0.000000e+00 : f32
        %lt3A_1223 = vector.broadcast %lt3A_1222 : f32 to vector<16xf32>
        %lt3A_1224 = arith.cmpf olt, %sub3A_1194, %lt3A_1223 : vector<16xf32>
        %lt3A_1225 = arith.constant 0.000000e+00 : f32
        %lt3A_1226 = vector.broadcast %lt3A_1225 : f32 to vector<16xf32>
        %lt3A_1227 = arith.cmpf olt, %sub3A_1195, %lt3A_1226 : vector<16xf32>
        %jit3A_1228 = arith.constant -1.000000e+00 : f32
        %jit3A_1229 = arith.constant 1.000000e+00 : f32
        %broadcast_in_dim3A_1230 = vector.broadcast %jit3A_1228 : f32 to vector<16xf32>
        %broadcast_in_dim3A_1231 = vector.broadcast %jit3A_1229 : f32 to vector<16xf32>
        %select_n3A_1232 = arith.select %lt3A_1206, %broadcast_in_dim3A_1230, %broadcast_in_dim3A_1231 : vector<16xi1>, vector<16xf32>
        %jit3A_1233 = arith.constant -1.000000e+00 : f32
        %jit3A_1234 = arith.constant 1.000000e+00 : f32
        %broadcast_in_dim3A_1235 = vector.broadcast %jit3A_1233 : f32 to vector<16xf32>
        %broadcast_in_dim3A_1236 = vector.broadcast %jit3A_1234 : f32 to vector<16xf32>
        %select_n3A_1237 = arith.select %lt3A_1209, %broadcast_in_dim3A_1235, %broadcast_in_dim3A_1236 : vector<16xi1>, vector<16xf32>
        %jit3A_1238 = arith.constant -1.000000e+00 : f32
        %jit3A_1239 = arith.constant 1.000000e+00 : f32
        %broadcast_in_dim3A_1240 = vector.broadcast %jit3A_1238 : f32 to vector<16xf32>
        %broadcast_in_dim3A_1241 = vector.broadcast %jit3A_1239 : f32 to vector<16xf32>
        %select_n3A_1242 = arith.select %lt3A_1212, %broadcast_in_dim3A_1240, %broadcast_in_dim3A_1241 : vector<16xi1>, vector<16xf32>
        %jit3A_1243 = arith.constant -1.000000e+00 : f32
        %jit3A_1244 = arith.constant 1.000000e+00 : f32
        %broadcast_in_dim3A_1245 = vector.broadcast %jit3A_1243 : f32 to vector<16xf32>
        %broadcast_in_dim3A_1246 = vector.broadcast %jit3A_1244 : f32 to vector<16xf32>
        %select_n3A_1247 = arith.select %lt3A_1215, %broadcast_in_dim3A_1245, %broadcast_in_dim3A_1246 : vector<16xi1>, vector<16xf32>
        %jit3A_1248 = arith.constant -1.000000e+00 : f32
        %jit3A_1249 = arith.constant 1.000000e+00 : f32
        %broadcast_in_dim3A_1250 = vector.broadcast %jit3A_1248 : f32 to vector<16xf32>
        %broadcast_in_dim3A_1251 = vector.broadcast %jit3A_1249 : f32 to vector<16xf32>
        %select_n3A_1252 = arith.select %lt3A_1218, %broadcast_in_dim3A_1250, %broadcast_in_dim3A_1251 : vector<16xi1>, vector<16xf32>
        %jit3A_1253 = arith.constant -1.000000e+00 : f32
        %jit3A_1254 = arith.constant 1.000000e+00 : f32
        %broadcast_in_dim3A_1255 = vector.broadcast %jit3A_1253 : f32 to vector<16xf32>
        %broadcast_in_dim3A_1256 = vector.broadcast %jit3A_1254 : f32 to vector<16xf32>
        %select_n3A_1257 = arith.select %lt3A_1221, %broadcast_in_dim3A_1255, %broadcast_in_dim3A_1256 : vector<16xi1>, vector<16xf32>
        %jit3A_1258 = arith.constant -1.000000e+00 : f32
        %jit3A_1259 = arith.constant 1.000000e+00 : f32
        %broadcast_in_dim3A_1260 = vector.broadcast %jit3A_1258 : f32 to vector<16xf32>
        %broadcast_in_dim3A_1261 = vector.broadcast %jit3A_1259 : f32 to vector<16xf32>
        %select_n3A_1262 = arith.select %lt3A_1224, %broadcast_in_dim3A_1260, %broadcast_in_dim3A_1261 : vector<16xi1>, vector<16xf32>
        %jit3A_1263 = arith.constant -1.000000e+00 : f32
        %jit3A_1264 = arith.constant 1.000000e+00 : f32
        %broadcast_in_dim3A_1265 = vector.broadcast %jit3A_1263 : f32 to vector<16xf32>
        %broadcast_in_dim3A_1266 = vector.broadcast %jit3A_1264 : f32 to vector<16xf32>
        %select_n3A_1267 = arith.select %lt3A_1227, %broadcast_in_dim3A_1265, %broadcast_in_dim3A_1266 : vector<16xi1>, vector<16xf32>
        %max3A_1268 = arith.maximumf %abs3A_1196, %abs3A_1197 : vector<16xf32>
        %max3A_1269 = arith.maximumf %abs3A_1198, %abs3A_1199 : vector<16xf32>
        %max3A_1270 = arith.maximumf %abs3A_1200, %abs3A_1201 : vector<16xf32>
        %max3A_1271 = arith.maximumf %abs3A_1202, %abs3A_1203 : vector<16xf32>
        %max3A_1272 = arith.maximumf %max3A_1268, %max3A_1269 : vector<16xf32>
        %max3A_1273 = arith.maximumf %max3A_1270, %max3A_1271 : vector<16xf32>
        %max3A_1274 = arith.maximumf %max3A_1272, %max3A_1273 : vector<16xf32>
        %min3A_1275 = arith.minimumf %abs3A_1196, %abs3A_1197 : vector<16xf32>
        %min3A_1276 = arith.minimumf %abs3A_1198, %abs3A_1199 : vector<16xf32>
        %min3A_1277 = arith.minimumf %abs3A_1200, %abs3A_1201 : vector<16xf32>
        %min3A_1278 = arith.minimumf %abs3A_1202, %abs3A_1203 : vector<16xf32>
        %min3A_1279 = arith.minimumf %min3A_1275, %min3A_1276 : vector<16xf32>
        %min3A_1280 = arith.minimumf %min3A_1277, %min3A_1278 : vector<16xf32>
        %min3A_1281 = arith.minimumf %min3A_1279, %min3A_1280 : vector<16xf32>
        %add3A_1282 = arith.addf %sub3A_1145, %sub3A_1151 : vector<16xf32>
        %add3A_1283 = arith.addf %sub3A_1157, %sub3A_1163 : vector<16xf32>
        %add3A_1284 = arith.addf %sub3A_1169, %sub3A_1175 : vector<16xf32>
        %add3A_1285 = arith.addf %sub3A_1181, %sub3A_1187 : vector<16xf32>
        %add3A_1286 = arith.addf %add3A_1282, %add3A_1283 : vector<16xf32>
        %add3A_1287 = arith.addf %add3A_1284, %add3A_1285 : vector<16xf32>
        %add3A_1288 = arith.addf %add3A_1286, %add3A_1287 : vector<16xf32>
        %add3A_1289 = arith.addf %abs3A_1196, %abs3A_1197 : vector<16xf32>
        %add3A_1290 = arith.addf %abs3A_1198, %abs3A_1199 : vector<16xf32>
        %add3A_1291 = arith.addf %abs3A_1200, %abs3A_1201 : vector<16xf32>
        %add3A_1292 = arith.addf %abs3A_1202, %abs3A_1203 : vector<16xf32>
        %add3A_1293 = arith.addf %add3A_1289, %add3A_1290 : vector<16xf32>
        %add3A_1294 = arith.addf %add3A_1291, %add3A_1292 : vector<16xf32>
        %add3A_1295 = arith.addf %add3A_1293, %add3A_1294 : vector<16xf32>
        %add3A_1296 = arith.constant 0x4B400000 : f32
        %add3A_1297 = vector.broadcast %add3A_1296 : f32 to vector<16xf32>
        %add3A_1298 = arith.addf %add3A_1288, %add3A_1297 : vector<16xf32>
        %bitcast_convert_type3A_1299 = tpu.bitcast %add3A_1298 : vector<16xf32> -> vector<16xi32>
        %and3A_1300 = arith.constant 1 : i32
        %and3A_1301 = vector.broadcast %and3A_1300 : i32 to vector<16xi32>
        %and3A_1302 = arith.andi %bitcast_convert_type3A_1299, %and3A_1301 : vector<16xi32>
        %eq3A_1303 = arith.constant 1 : i32
        %eq3A_1304 = vector.broadcast %eq3A_1303 : i32 to vector<16xi32>
        %eq3A_1305 = arith.cmpi eq, %and3A_1302, %eq3A_1304 : vector<16xi32>
        %xor3A_1306 = arith.xori %lt3A_1206, %lt3A_1209 : vector<16xi1>
        %xor3A_1307 = arith.xori %lt3A_1212, %lt3A_1215 : vector<16xi1>
        %xor3A_1308 = arith.xori %lt3A_1218, %lt3A_1221 : vector<16xi1>
        %xor3A_1309 = arith.xori %lt3A_1224, %lt3A_1227 : vector<16xi1>
        %xor3A_1310 = arith.xori %xor3A_1306, %xor3A_1307 : vector<16xi1>
        %xor3A_1311 = arith.xori %xor3A_1308, %xor3A_1309 : vector<16xi1>
        %xor3A_1312 = arith.xori %xor3A_1310, %xor3A_1311 : vector<16xi1>
        %xor3A_1313 = arith.xori %eq3A_1305, %xor3A_1312 : vector<16xi1>
        %mul3A_1314 = arith.constant 2.000000e+00 : f32
        %mul3A_1315 = vector.broadcast %mul3A_1314 : f32 to vector<16xf32>
        %mul3A_1316 = arith.mulf %mul3A_1315, %max3A_1274 : vector<16xf32>
        %sub3A_1317 = arith.constant 1.000000e+00 : f32
        %sub3A_1318 = vector.broadcast %sub3A_1317 : f32 to vector<16xf32>
        %sub3A_1319 = arith.subf %sub3A_1318, %mul3A_1316 : vector<16xf32>
        %jit3A_1320 = arith.constant 0.000000e+00 : f32
        %broadcast_in_dim3A_1321 = vector.broadcast %jit3A_1320 : f32 to vector<16xf32>
        %select_n3A_1322 = arith.select %eq3A_1305, %sub3A_1319, %broadcast_in_dim3A_1321 : vector<16xi1>, vector<16xf32>
        %mul3A_1323 = arith.constant 2.000000e+00 : f32
        %mul3A_1324 = vector.broadcast %mul3A_1323 : f32 to vector<16xf32>
        %mul3A_1325 = arith.mulf %mul3A_1324, %min3A_1281 : vector<16xf32>
        %jit3A_1326 = arith.constant 0.000000e+00 : f32
        %broadcast_in_dim3A_1327 = vector.broadcast %jit3A_1326 : f32 to vector<16xf32>
        %select_n3A_1328 = arith.select %xor3A_1313, %mul3A_1325, %broadcast_in_dim3A_1327 : vector<16xi1>, vector<16xf32>
        %sub3A_1329 = arith.constant 2.000000e+00 : f32
        %sub3A_1330 = vector.broadcast %sub3A_1329 : f32 to vector<16xf32>
        %sub3A_1331 = arith.subf %sub3A_1330, %add3A_1295 : vector<16xf32>
        %add3A_1332 = arith.addf %sub3A_1331, %select_n3A_1328 : vector<16xf32>
        %sub3A_1333 = arith.subf %add3A_1332, %select_n3A_1322 : vector<16xf32>
        %lt3A_1334 = arith.constant 0.000000e+00 : f32
        %lt3A_1335 = vector.broadcast %lt3A_1334 : f32 to vector<16xf32>
        %lt3A_1336 = arith.cmpf olt, %sub3A_1333, %lt3A_1335 : vector<16xf32>
        %select_n3A_1337 = arith.select %lt3A_1336, %min3A_1281, %max3A_1274 : vector<16xi1>, vector<16xf32>
        %broadcast_in_dim3A_1338 = arith.constant 0 : i32
        %broadcast_in_dim3A_1339 = vector.broadcast %broadcast_in_dim3A_1338 : i32 to vector<16xi32>
        %broadcast_in_dim3A_1340 = arith.constant 0.000000e+00 : f32
        %broadcast_in_dim3A_1341 = vector.broadcast %broadcast_in_dim3A_1340 : f32 to vector<16xf32>
        %eq3A_1342 = arith.cmpf oeq, %abs3A_1203, %select_n3A_1337 : vector<16xf32>
        %jit3A_1343 = arith.constant 7 : i32
        %broadcast_in_dim3A_1344 = vector.broadcast %jit3A_1343 : i32 to vector<16xi32>
        %select_n3A_1345 = arith.select %eq3A_1342, %broadcast_in_dim3A_1344, %broadcast_in_dim3A_1339 : vector<16xi1>, vector<16xi32>
        %select_n3A_1346 = arith.select %eq3A_1342, %select_n3A_1267, %broadcast_in_dim3A_1341 : vector<16xi1>, vector<16xf32>
        %eq3A_1347 = arith.cmpf oeq, %abs3A_1202, %select_n3A_1337 : vector<16xf32>
        %jit3A_1348 = arith.constant 6 : i32
        %broadcast_in_dim3A_1349 = vector.broadcast %jit3A_1348 : i32 to vector<16xi32>
        %select_n3A_1350 = arith.select %eq3A_1347, %broadcast_in_dim3A_1349, %select_n3A_1345 : vector<16xi1>, vector<16xi32>
        %select_n3A_1351 = arith.select %eq3A_1347, %select_n3A_1262, %select_n3A_1346 : vector<16xi1>, vector<16xf32>
        %eq3A_1352 = arith.cmpf oeq, %abs3A_1201, %select_n3A_1337 : vector<16xf32>
        %jit3A_1353 = arith.constant 5 : i32
        %broadcast_in_dim3A_1354 = vector.broadcast %jit3A_1353 : i32 to vector<16xi32>
        %select_n3A_1355 = arith.select %eq3A_1352, %broadcast_in_dim3A_1354, %select_n3A_1350 : vector<16xi1>, vector<16xi32>
        %select_n3A_1356 = arith.select %eq3A_1352, %select_n3A_1257, %select_n3A_1351 : vector<16xi1>, vector<16xf32>
        %eq3A_1357 = arith.cmpf oeq, %abs3A_1200, %select_n3A_1337 : vector<16xf32>
        %jit3A_1358 = arith.constant 4 : i32
        %broadcast_in_dim3A_1359 = vector.broadcast %jit3A_1358 : i32 to vector<16xi32>
        %select_n3A_1360 = arith.select %eq3A_1357, %broadcast_in_dim3A_1359, %select_n3A_1355 : vector<16xi1>, vector<16xi32>
        %select_n3A_1361 = arith.select %eq3A_1357, %select_n3A_1252, %select_n3A_1356 : vector<16xi1>, vector<16xf32>
        %eq3A_1362 = arith.cmpf oeq, %abs3A_1199, %select_n3A_1337 : vector<16xf32>
        %jit3A_1363 = arith.constant 3 : i32
        %broadcast_in_dim3A_1364 = vector.broadcast %jit3A_1363 : i32 to vector<16xi32>
        %select_n3A_1365 = arith.select %eq3A_1362, %broadcast_in_dim3A_1364, %select_n3A_1360 : vector<16xi1>, vector<16xi32>
        %select_n3A_1366 = arith.select %eq3A_1362, %select_n3A_1247, %select_n3A_1361 : vector<16xi1>, vector<16xf32>
        %eq3A_1367 = arith.cmpf oeq, %abs3A_1198, %select_n3A_1337 : vector<16xf32>
        %jit3A_1368 = arith.constant 2 : i32
        %broadcast_in_dim3A_1369 = vector.broadcast %jit3A_1368 : i32 to vector<16xi32>
        %select_n3A_1370 = arith.select %eq3A_1367, %broadcast_in_dim3A_1369, %select_n3A_1365 : vector<16xi1>, vector<16xi32>
        %select_n3A_1371 = arith.select %eq3A_1367, %select_n3A_1242, %select_n3A_1366 : vector<16xi1>, vector<16xf32>
        %eq3A_1372 = arith.cmpf oeq, %abs3A_1197, %select_n3A_1337 : vector<16xf32>
        %jit3A_1373 = arith.constant 1 : i32
        %broadcast_in_dim3A_1374 = vector.broadcast %jit3A_1373 : i32 to vector<16xi32>
        %select_n3A_1375 = arith.select %eq3A_1372, %broadcast_in_dim3A_1374, %select_n3A_1370 : vector<16xi1>, vector<16xi32>
        %select_n3A_1376 = arith.select %eq3A_1372, %select_n3A_1237, %select_n3A_1371 : vector<16xi1>, vector<16xf32>
        %eq3A_1377 = arith.cmpf oeq, %abs3A_1196, %select_n3A_1337 : vector<16xf32>
        %jit3A_1378 = arith.constant 0 : i32
        %broadcast_in_dim3A_1379 = vector.broadcast %jit3A_1378 : i32 to vector<16xi32>
        %select_n3A_1380 = arith.select %eq3A_1377, %broadcast_in_dim3A_1379, %select_n3A_1375 : vector<16xi1>, vector<16xi32>
        %select_n3A_1381 = arith.select %eq3A_1377, %select_n3A_1232, %select_n3A_1376 : vector<16xi1>, vector<16xf32>
        %neg3A_1382 = arith.constant 0.000000e+00 : f32
        %neg3A_1383 = vector.broadcast %neg3A_1382 : f32 to vector<16xf32>
        %neg3A_1384 = arith.subf %neg3A_1383, %select_n3A_1381 : vector<16xf32>
        %select_n3A_1385 = arith.select %lt3A_1336, %neg3A_1384, %select_n3A_1381 : vector<16xi1>, vector<16xf32>
        %select_n3A_1386 = arith.select %lt3A_1336, %xor3A_1313, %eq3A_1305 : vector<16xi1>, vector<16xi1>
        %jit3A_1387 = arith.constant 0.000000e+00 : f32
        %broadcast_in_dim3A_1388 = vector.broadcast %jit3A_1387 : f32 to vector<16xf32>
        %select_n3A_1389 = arith.select %select_n3A_1386, %select_n3A_1385, %broadcast_in_dim3A_1388 : vector<16xi1>, vector<16xf32>
        %jit3A_1390 = arith.constant 5.000000e-01 : f32
        %jit3A_1391 = arith.constant 0.000000e+00 : f32
        %broadcast_in_dim3A_1392 = vector.broadcast %jit3A_1390 : f32 to vector<16xf32>
        %broadcast_in_dim3A_1393 = vector.broadcast %jit3A_1391 : f32 to vector<16xf32>
        %select_n3A_1394 = arith.select %lt3A_1336, %broadcast_in_dim3A_1392, %broadcast_in_dim3A_1393 : vector<16xi1>, vector<16xf32>
        %mul3A_1395 = arith.mulf %select_n3A_1394, %select_n3A_1232 : vector<16xf32>
        %add3A_1396 = arith.addf %sub3A_1145, %mul3A_1395 : vector<16xf32>
        %mul3A_1397 = arith.mulf %select_n3A_1394, %select_n3A_1237 : vector<16xf32>
        %add3A_1398 = arith.addf %sub3A_1151, %mul3A_1397 : vector<16xf32>
        %mul3A_1399 = arith.mulf %select_n3A_1394, %select_n3A_1242 : vector<16xf32>
        %add3A_1400 = arith.addf %sub3A_1157, %mul3A_1399 : vector<16xf32>
        %mul3A_1401 = arith.mulf %select_n3A_1394, %select_n3A_1247 : vector<16xf32>
        %add3A_1402 = arith.addf %sub3A_1163, %mul3A_1401 : vector<16xf32>
        %mul3A_1403 = arith.mulf %select_n3A_1394, %select_n3A_1252 : vector<16xf32>
        %add3A_1404 = arith.addf %sub3A_1169, %mul3A_1403 : vector<16xf32>
        %mul3A_1405 = arith.mulf %select_n3A_1394, %select_n3A_1257 : vector<16xf32>
        %add3A_1406 = arith.addf %sub3A_1175, %mul3A_1405 : vector<16xf32>
        %mul3A_1407 = arith.mulf %select_n3A_1394, %select_n3A_1262 : vector<16xf32>
        %add3A_1408 = arith.addf %sub3A_1181, %mul3A_1407 : vector<16xf32>
        %mul3A_1409 = arith.mulf %select_n3A_1394, %select_n3A_1267 : vector<16xf32>
        %add3A_1410 = arith.addf %sub3A_1187, %mul3A_1409 : vector<16xf32>
        %swap3A_1411 = arith.constant 0 : i32
        %swap3A_1412 = arith.index_cast %swap3A_1411 : i32 to index
        %swap3A_1413 = arith.index_cast %add3A_1107 : i32 to index
        %swap3A_1414 = tpu.vector_load %arg6[%swap3A_1412, %swap3A_1413] {strides = array<i32>} : memref<8x2048xf32, #tpu.memory_space<vmem>>, vector<16xf32>,
        tpu.vector_store %arg6[%swap3A_1412, %swap3A_1413], %add3A_1396 {strides = array<i32>} : memref<8x2048xf32, #tpu.memory_space<vmem>>, vector<16xf32>,
        %swap3A_1415 = arith.constant 1 : i32
        %swap3A_1416 = arith.index_cast %swap3A_1415 : i32 to index
        %swap3A_1417 = arith.index_cast %add3A_1107 : i32 to index
        %swap3A_1418 = tpu.vector_load %arg6[%swap3A_1416, %swap3A_1417] {strides = array<i32>} : memref<8x2048xf32, #tpu.memory_space<vmem>>, vector<16xf32>,
        tpu.vector_store %arg6[%swap3A_1416, %swap3A_1417], %add3A_1398 {strides = array<i32>} : memref<8x2048xf32, #tpu.memory_space<vmem>>, vector<16xf32>,
        %swap3A_1419 = arith.constant 2 : i32
        %swap3A_1420 = arith.index_cast %swap3A_1419 : i32 to index
        %swap3A_1421 = arith.index_cast %add3A_1107 : i32 to index
        %swap3A_1422 = tpu.vector_load %arg6[%swap3A_1420, %swap3A_1421] {strides = array<i32>} : memref<8x2048xf32, #tpu.memory_space<vmem>>, vector<16xf32>,
        tpu.vector_store %arg6[%swap3A_1420, %swap3A_1421], %add3A_1400 {strides = array<i32>} : memref<8x2048xf32, #tpu.memory_space<vmem>>, vector<16xf32>,
        %swap3A_1423 = arith.constant 3 : i32
        %swap3A_1424 = arith.index_cast %swap3A_1423 : i32 to index
        %swap3A_1425 = arith.index_cast %add3A_1107 : i32 to index
        %swap3A_1426 = tpu.vector_load %arg6[%swap3A_1424, %swap3A_1425] {strides = array<i32>} : memref<8x2048xf32, #tpu.memory_space<vmem>>, vector<16xf32>,
        tpu.vector_store %arg6[%swap3A_1424, %swap3A_1425], %add3A_1402 {strides = array<i32>} : memref<8x2048xf32, #tpu.memory_space<vmem>>, vector<16xf32>,
        %swap3A_1427 = arith.constant 4 : i32
        %swap3A_1428 = arith.index_cast %swap3A_1427 : i32 to index
        %swap3A_1429 = arith.index_cast %add3A_1107 : i32 to index
        %swap3A_1430 = tpu.vector_load %arg6[%swap3A_1428, %swap3A_1429] {strides = array<i32>} : memref<8x2048xf32, #tpu.memory_space<vmem>>, vector<16xf32>,
        tpu.vector_store %arg6[%swap3A_1428, %swap3A_1429], %add3A_1404 {strides = array<i32>} : memref<8x2048xf32, #tpu.memory_space<vmem>>, vector<16xf32>,
        %swap3A_1431 = arith.constant 5 : i32
        %swap3A_1432 = arith.index_cast %swap3A_1431 : i32 to index
        %swap3A_1433 = arith.index_cast %add3A_1107 : i32 to index
        %swap3A_1434 = tpu.vector_load %arg6[%swap3A_1432, %swap3A_1433] {strides = array<i32>} : memref<8x2048xf32, #tpu.memory_space<vmem>>, vector<16xf32>,
        tpu.vector_store %arg6[%swap3A_1432, %swap3A_1433], %add3A_1406 {strides = array<i32>} : memref<8x2048xf32, #tpu.memory_space<vmem>>, vector<16xf32>,
        %swap3A_1435 = arith.constant 6 : i32
        %swap3A_1436 = arith.index_cast %swap3A_1435 : i32 to index
        %swap3A_1437 = arith.index_cast %add3A_1107 : i32 to index
        %swap3A_1438 = tpu.vector_load %arg6[%swap3A_1436, %swap3A_1437] {strides = array<i32>} : memref<8x2048xf32, #tpu.memory_space<vmem>>, vector<16xf32>,
        tpu.vector_store %arg6[%swap3A_1436, %swap3A_1437], %add3A_1408 {strides = array<i32>} : memref<8x2048xf32, #tpu.memory_space<vmem>>, vector<16xf32>,
        %swap3A_1439 = arith.constant 7 : i32
        %swap3A_1440 = arith.index_cast %swap3A_1439 : i32 to index
        %swap3A_1441 = arith.index_cast %add3A_1107 : i32 to index
        %swap3A_1442 = tpu.vector_load %arg6[%swap3A_1440, %swap3A_1441] {strides = array<i32>} : memref<8x2048xf32, #tpu.memory_space<vmem>>, vector<16xf32>,
        tpu.vector_store %arg6[%swap3A_1440, %swap3A_1441], %add3A_1410 {strides = array<i32>} : memref<8x2048xf32, #tpu.memory_space<vmem>>, vector<16xf32>,
        %add3A_1443 = vector.broadcast %add3A_1107 : i32 to vector<16xi32>
        %add3A_1444 = arith.addi %iota3A, %add3A_1443 : vector<16xi32>
        tpu.vector_store_idx %arg6[%select_n3A_1380, %add3A_1444], %select_n3A_1389 {add = true} : memref<8x2048xf32, #tpu.memory_space<vmem>>[vector<16xi32>, vector<16xi32>], vector<16xf32>,
      }
      %scan3A_49 = arith.constant 32 : i32
      %mul3A_50 = arith.constant 2048 : i32
      %mul3A_51 = arith.muli %add3A_28, %mul3A_50 : i32
      %add3A_52 = arith.addi %mul3A_2, %mul3A_51 : i32
      %dma_start3A_53 = arith.constant 0 : i32
      %dma_start3A_54 = tpu.memref_slice %arg3[%dma_start3A_53, %add3A_52] : memref<8x2097152xf32, #tpu.memory_space<hbm>> -> memref<8x2048xf32, #tpu.memory_space<hbm>>
      %dma_start3A_55 = arith.constant 0 : i32
      %dma_start3A_56 = tpu.memref_slice %arg3[%dma_start3A_55, %add3A_52] : memref<8x2097152xf32, #tpu.memory_space<hbm>> -> memref<8x2048xf32, #tpu.memory_space<hbm>>
      tpu.enqueue_dma source(%arg6 : memref<8x2048xf32, #tpu.memory_space<vmem>>) target(%dma_start3A_56 : memref<8x2048xf32, #tpu.memory_space<hbm>>) target_semaphore(%arg10 : memref<!tpu.dma_semaphore, #tpu.memory_space<semaphore_mem>>)
      %mul3A_57 = arith.constant 2 : i32
      %mul3A_58 = arith.muli %mul3A_57, %scan3A_24 : i32
      %add3A_59 = arith.constant 1 : i32
      %add3A_60 = arith.addi %mul3A_58, %add3A_59 : i32
      %add3A_61 = arith.constant 1 : i32
      %add3A_62 = arith.addi %add3A_60, %add3A_61 : i32
      %lt3A_63 = arith.constant 32 : i32
      %lt3A_64 = arith.cmpi slt, %add3A_62, %lt3A_63 : i32
      %convert_element_type3A_65 = arith.extui %lt3A_64 : i1 to i32
      %cond3A_66 = arith.constant 0 : i32
      %cond3A_67 = arith.cmpi ne, %convert_element_type3A_65, %cond3A_66 : i32
      scf.if %cond3A_67 {
        %add3A_94 = arith.constant 1 : i32
        %add3A_95 = arith.addi %add3A_60, %add3A_94 : i32
        %mul3A_96 = arith.constant 2048 : i32
        %mul3A_97 = arith.muli %add3A_95, %mul3A_96 : i32
        %add3A_98 = arith.addi %mul3A_2, %mul3A_97 : i32
        %dma_start3A_99 = arith.constant 0 : i32
        %dma_start3A_100 = tpu.memref_slice %arg2[%dma_start3A_99, %add3A_98] : memref<8x2097152xf32, #tpu.memory_space<hbm>> -> memref<8x2048xf32, #tpu.memory_space<hbm>>
        %dma_start3A_101 = arith.constant 0 : i32
        %dma_start3A_102 = tpu.memref_slice %arg2[%dma_start3A_101, %add3A_98] : memref<8x2097152xf32, #tpu.memory_space<hbm>> -> memref<8x2048xf32, #tpu.memory_space<hbm>>
        tpu.enqueue_dma source(%dma_start3A_102 : memref<8x2048xf32, #tpu.memory_space<hbm>>) target(%arg4 : memref<8x2048xf32, #tpu.memory_space<vmem>>) target_semaphore(%arg8 : memref<!tpu.dma_semaphore, #tpu.memory_space<semaphore_mem>>)
      } else {
      }
      %mul3A_68 = arith.constant 2048 : i32
      %mul3A_69 = arith.muli %add3A_60, %mul3A_68 : i32
      %add3A_70 = arith.addi %mul3A_2, %mul3A_69 : i32
      %dma_wait3A_71 = arith.constant 0 : i32
      %dma_wait3A_72 = tpu.memref_slice %arg2[%dma_wait3A_71, %add3A_70] : memref<8x2097152xf32, #tpu.memory_space<hbm>> -> memref<8x2048xf32, #tpu.memory_space<hbm>>
      %dma_wait3A_73 = arith.constant 0 : i32
      %dma_wait3A_74 = tpu.memref_slice %arg2[%dma_wait3A_73, %add3A_70] : memref<8x2097152xf32, #tpu.memory_space<hbm>> -> memref<8x2048xf32, #tpu.memory_space<hbm>>
      tpu.wait_dma2 semaphore(%arg9 : memref<!tpu.dma_semaphore, #tpu.memory_space<semaphore_mem>>) src(%dma_wait3A_74 : memref<8x2048xf32, #tpu.memory_space<hbm>>) dst(%arg5 : memref<8x2048xf32, #tpu.memory_space<vmem>>)
      %ge3A_75 = arith.constant 2 : i32
      %ge3A_76 = arith.cmpi sge, %add3A_60, %ge3A_75 : i32
      %convert_element_type3A_77 = arith.extui %ge3A_76 : i1 to i32
      %cond3A_78 = arith.constant 0 : i32
      %cond3A_79 = arith.cmpi ne, %convert_element_type3A_77, %cond3A_78 : i32
      scf.if %cond3A_79 {
        %sub3A = arith.constant 2 : i32
        %sub3A_94 = arith.subi %add3A_60, %sub3A : i32
        %mul3A_95 = arith.constant 2048 : i32
        %mul3A_96 = arith.muli %sub3A_94, %mul3A_95 : i32
        %add3A_97 = arith.addi %mul3A_2, %mul3A_96 : i32
        %dma_wait3A_98 = arith.constant 0 : i32
        %dma_wait3A_99 = tpu.memref_slice %arg3[%dma_wait3A_98, %add3A_97] : memref<8x2097152xf32, #tpu.memory_space<hbm>> -> memref<8x2048xf32, #tpu.memory_space<hbm>>
        %dma_wait3A_100 = arith.constant 0 : i32
        %dma_wait3A_101 = tpu.memref_slice %arg3[%dma_wait3A_100, %add3A_97] : memref<8x2097152xf32, #tpu.memory_space<hbm>> -> memref<8x2048xf32, #tpu.memory_space<hbm>>
        tpu.wait_dma2 semaphore(%arg11 : memref<!tpu.dma_semaphore, #tpu.memory_space<semaphore_mem>>) src(%arg7 : memref<8x2048xf32, #tpu.memory_space<vmem>>) dst(%dma_wait3A_101 : memref<8x2048xf32, #tpu.memory_space<hbm>>)
      } else {
      }
      %iota3A_80 = tpu.iota {dimensions = array<i32: 0>} : vector<16xi32>
      %scan3A_81 = arith.constant 0 : i32
      %scan3A_82 = arith.constant 0 : i32
      %scan3A_83 = arith.constant 32 : i32
      %scan3A_84 = arith.addi %scan3A_82, %scan3A_83 : i32
      %scan3A_85 = arith.constant 1 : i32
      scf.for %scan3A_94 = %scan3A_82 to %scan3A_84 step %scan3A_85  : i32 {
        %mul3A_95 = arith.constant 64 : i32
        %mul3A_96 = arith.muli %scan3A_94, %mul3A_95 : i32
        %add3A_97 = arith.constant 0 : i32
        %add3A_98 = arith.addi %mul3A_96, %add3A_97 : i32
        %get3A = arith.constant 0 : i32
        %get3A_99 = arith.index_cast %get3A : i32 to index
        %get3A_100 = arith.index_cast %add3A_98 : i32 to index
        %get3A_101 = tpu.vector_load %arg5[%get3A_99, %get3A_100] {strides = array<i32>} : memref<8x2048xf32, #tpu.memory_space<vmem>>, vector<16xf32>,
        %get3A_102 = arith.constant 1 : i32
        %get3A_103 = arith.index_cast %get3A_102 : i32 to index
        %get3A_104 = arith.index_cast %add3A_98 : i32 to index
        %get3A_105 = tpu.vector_load %arg5[%get3A_103, %get3A_104] {strides = array<i32>} : memref<8x2048xf32, #tpu.memory_space<vmem>>, vector<16xf32>,
        %get3A_106 = arith.constant 2 : i32
        %get3A_107 = arith.index_cast %get3A_106 : i32 to index
        %get3A_108 = arith.index_cast %add3A_98 : i32 to index
        %get3A_109 = tpu.vector_load %arg5[%get3A_107, %get3A_108] {strides = array<i32>} : memref<8x2048xf32, #tpu.memory_space<vmem>>, vector<16xf32>,
        %get3A_110 = arith.constant 3 : i32
        %get3A_111 = arith.index_cast %get3A_110 : i32 to index
        %get3A_112 = arith.index_cast %add3A_98 : i32 to index
        %get3A_113 = tpu.vector_load %arg5[%get3A_111, %get3A_112] {strides = array<i32>} : memref<8x2048xf32, #tpu.memory_space<vmem>>, vector<16xf32>,
        %get3A_114 = arith.constant 4 : i32
        %get3A_115 = arith.index_cast %get3A_114 : i32 to index
        %get3A_116 = arith.index_cast %add3A_98 : i32 to index
        %get3A_117 = tpu.vector_load %arg5[%get3A_115, %get3A_116] {strides = array<i32>} : memref<8x2048xf32, #tpu.memory_space<vmem>>, vector<16xf32>,
        %get3A_118 = arith.constant 5 : i32
        %get3A_119 = arith.index_cast %get3A_118 : i32 to index
        %get3A_120 = arith.index_cast %add3A_98 : i32 to index
        %get3A_121 = tpu.vector_load %arg5[%get3A_119, %get3A_120] {strides = array<i32>} : memref<8x2048xf32, #tpu.memory_space<vmem>>, vector<16xf32>,
        %get3A_122 = arith.constant 6 : i32
        %get3A_123 = arith.index_cast %get3A_122 : i32 to index
        %get3A_124 = arith.index_cast %add3A_98 : i32 to index
        %get3A_125 = tpu.vector_load %arg5[%get3A_123, %get3A_124] {strides = array<i32>} : memref<8x2048xf32, #tpu.memory_space<vmem>>, vector<16xf32>,
        %get3A_126 = arith.constant 7 : i32
        %get3A_127 = arith.index_cast %get3A_126 : i32 to index
        %get3A_128 = arith.index_cast %add3A_98 : i32 to index
        %get3A_129 = tpu.vector_load %arg5[%get3A_127, %get3A_128] {strides = array<i32>} : memref<8x2048xf32, #tpu.memory_space<vmem>>, vector<16xf32>,
        %add3A_130 = arith.constant 0x4B400000 : f32
        %add3A_131 = vector.broadcast %add3A_130 : f32 to vector<16xf32>
        %add3A_132 = arith.addf %get3A_101, %add3A_131 : vector<16xf32>
        %sub3A = arith.constant 0x4B400000 : f32
        %sub3A_133 = vector.broadcast %sub3A : f32 to vector<16xf32>
        %sub3A_134 = arith.subf %add3A_132, %sub3A_133 : vector<16xf32>
        %add3A_135 = arith.constant 0x4B400000 : f32
        %add3A_136 = vector.broadcast %add3A_135 : f32 to vector<16xf32>
        %add3A_137 = arith.addf %get3A_105, %add3A_136 : vector<16xf32>
        %sub3A_138 = arith.constant 0x4B400000 : f32
        %sub3A_139 = vector.broadcast %sub3A_138 : f32 to vector<16xf32>
        %sub3A_140 = arith.subf %add3A_137, %sub3A_139 : vector<16xf32>
        %add3A_141 = arith.constant 0x4B400000 : f32
        %add3A_142 = vector.broadcast %add3A_141 : f32 to vector<16xf32>
        %add3A_143 = arith.addf %get3A_109, %add3A_142 : vector<16xf32>
        %sub3A_144 = arith.constant 0x4B400000 : f32
        %sub3A_145 = vector.broadcast %sub3A_144 : f32 to vector<16xf32>
        %sub3A_146 = arith.subf %add3A_143, %sub3A_145 : vector<16xf32>
        %add3A_147 = arith.constant 0x4B400000 : f32
        %add3A_148 = vector.broadcast %add3A_147 : f32 to vector<16xf32>
        %add3A_149 = arith.addf %get3A_113, %add3A_148 : vector<16xf32>
        %sub3A_150 = arith.constant 0x4B400000 : f32
        %sub3A_151 = vector.broadcast %sub3A_150 : f32 to vector<16xf32>
        %sub3A_152 = arith.subf %add3A_149, %sub3A_151 : vector<16xf32>
        %add3A_153 = arith.constant 0x4B400000 : f32
        %add3A_154 = vector.broadcast %add3A_153 : f32 to vector<16xf32>
        %add3A_155 = arith.addf %get3A_117, %add3A_154 : vector<16xf32>
        %sub3A_156 = arith.constant 0x4B400000 : f32
        %sub3A_157 = vector.broadcast %sub3A_156 : f32 to vector<16xf32>
        %sub3A_158 = arith.subf %add3A_155, %sub3A_157 : vector<16xf32>
        %add3A_159 = arith.constant 0x4B400000 : f32
        %add3A_160 = vector.broadcast %add3A_159 : f32 to vector<16xf32>
        %add3A_161 = arith.addf %get3A_121, %add3A_160 : vector<16xf32>
        %sub3A_162 = arith.constant 0x4B400000 : f32
        %sub3A_163 = vector.broadcast %sub3A_162 : f32 to vector<16xf32>
        %sub3A_164 = arith.subf %add3A_161, %sub3A_163 : vector<16xf32>
        %add3A_165 = arith.constant 0x4B400000 : f32
        %add3A_166 = vector.broadcast %add3A_165 : f32 to vector<16xf32>
        %add3A_167 = arith.addf %get3A_125, %add3A_166 : vector<16xf32>
        %sub3A_168 = arith.constant 0x4B400000 : f32
        %sub3A_169 = vector.broadcast %sub3A_168 : f32 to vector<16xf32>
        %sub3A_170 = arith.subf %add3A_167, %sub3A_169 : vector<16xf32>
        %add3A_171 = arith.constant 0x4B400000 : f32
        %add3A_172 = vector.broadcast %add3A_171 : f32 to vector<16xf32>
        %add3A_173 = arith.addf %get3A_129, %add3A_172 : vector<16xf32>
        %sub3A_174 = arith.constant 0x4B400000 : f32
        %sub3A_175 = vector.broadcast %sub3A_174 : f32 to vector<16xf32>
        %sub3A_176 = arith.subf %add3A_173, %sub3A_175 : vector<16xf32>
        %sub3A_177 = arith.subf %get3A_101, %sub3A_134 : vector<16xf32>
        %sub3A_178 = arith.subf %get3A_105, %sub3A_140 : vector<16xf32>
        %sub3A_179 = arith.subf %get3A_109, %sub3A_146 : vector<16xf32>
        %sub3A_180 = arith.subf %get3A_113, %sub3A_152 : vector<16xf32>
        %sub3A_181 = arith.subf %get3A_117, %sub3A_158 : vector<16xf32>
        %sub3A_182 = arith.subf %get3A_121, %sub3A_164 : vector<16xf32>
        %sub3A_183 = arith.subf %get3A_125, %sub3A_170 : vector<16xf32>
        %sub3A_184 = arith.subf %get3A_129, %sub3A_176 : vector<16xf32>
        %abs3A = math.absf %sub3A_177 : vector<16xf32>
        %abs3A_185 = math.absf %sub3A_178 : vector<16xf32>
        %abs3A_186 = math.absf %sub3A_179 : vector<16xf32>
        %abs3A_187 = math.absf %sub3A_180 : vector<16xf32>
        %abs3A_188 = math.absf %sub3A_181 : vector<16xf32>
        %abs3A_189 = math.absf %sub3A_182 : vector<16xf32>
        %abs3A_190 = math.absf %sub3A_183 : vector<16xf32>
        %abs3A_191 = math.absf %sub3A_184 : vector<16xf32>
        %lt3A_192 = arith.constant 0.000000e+00 : f32
        %lt3A_193 = vector.broadcast %lt3A_192 : f32 to vector<16xf32>
        %lt3A_194 = arith.cmpf olt, %sub3A_177, %lt3A_193 : vector<16xf32>
        %lt3A_195 = arith.constant 0.000000e+00 : f32
        %lt3A_196 = vector.broadcast %lt3A_195 : f32 to vector<16xf32>
        %lt3A_197 = arith.cmpf olt, %sub3A_178, %lt3A_196 : vector<16xf32>
        %lt3A_198 = arith.constant 0.000000e+00 : f32
        %lt3A_199 = vector.broadcast %lt3A_198 : f32 to vector<16xf32>
        %lt3A_200 = arith.cmpf olt, %sub3A_179, %lt3A_199 : vector<16xf32>
        %lt3A_201 = arith.constant 0.000000e+00 : f32
        %lt3A_202 = vector.broadcast %lt3A_201 : f32 to vector<16xf32>
        %lt3A_203 = arith.cmpf olt, %sub3A_180, %lt3A_202 : vector<16xf32>
        %lt3A_204 = arith.constant 0.000000e+00 : f32
        %lt3A_205 = vector.broadcast %lt3A_204 : f32 to vector<16xf32>
        %lt3A_206 = arith.cmpf olt, %sub3A_181, %lt3A_205 : vector<16xf32>
        %lt3A_207 = arith.constant 0.000000e+00 : f32
        %lt3A_208 = vector.broadcast %lt3A_207 : f32 to vector<16xf32>
        %lt3A_209 = arith.cmpf olt, %sub3A_182, %lt3A_208 : vector<16xf32>
        %lt3A_210 = arith.constant 0.000000e+00 : f32
        %lt3A_211 = vector.broadcast %lt3A_210 : f32 to vector<16xf32>
        %lt3A_212 = arith.cmpf olt, %sub3A_183, %lt3A_211 : vector<16xf32>
        %lt3A_213 = arith.constant 0.000000e+00 : f32
        %lt3A_214 = vector.broadcast %lt3A_213 : f32 to vector<16xf32>
        %lt3A_215 = arith.cmpf olt, %sub3A_184, %lt3A_214 : vector<16xf32>
        %jit3A = arith.constant -1.000000e+00 : f32
        %jit3A_216 = arith.constant 1.000000e+00 : f32
        %broadcast_in_dim3A = vector.broadcast %jit3A : f32 to vector<16xf32>
        %broadcast_in_dim3A_217 = vector.broadcast %jit3A_216 : f32 to vector<16xf32>
        %select_n3A = arith.select %lt3A_194, %broadcast_in_dim3A, %broadcast_in_dim3A_217 : vector<16xi1>, vector<16xf32>
        %jit3A_218 = arith.constant -1.000000e+00 : f32
        %jit3A_219 = arith.constant 1.000000e+00 : f32
        %broadcast_in_dim3A_220 = vector.broadcast %jit3A_218 : f32 to vector<16xf32>
        %broadcast_in_dim3A_221 = vector.broadcast %jit3A_219 : f32 to vector<16xf32>
        %select_n3A_222 = arith.select %lt3A_197, %broadcast_in_dim3A_220, %broadcast_in_dim3A_221 : vector<16xi1>, vector<16xf32>
        %jit3A_223 = arith.constant -1.000000e+00 : f32
        %jit3A_224 = arith.constant 1.000000e+00 : f32
        %broadcast_in_dim3A_225 = vector.broadcast %jit3A_223 : f32 to vector<16xf32>
        %broadcast_in_dim3A_226 = vector.broadcast %jit3A_224 : f32 to vector<16xf32>
        %select_n3A_227 = arith.select %lt3A_200, %broadcast_in_dim3A_225, %broadcast_in_dim3A_226 : vector<16xi1>, vector<16xf32>
        %jit3A_228 = arith.constant -1.000000e+00 : f32
        %jit3A_229 = arith.constant 1.000000e+00 : f32
        %broadcast_in_dim3A_230 = vector.broadcast %jit3A_228 : f32 to vector<16xf32>
        %broadcast_in_dim3A_231 = vector.broadcast %jit3A_229 : f32 to vector<16xf32>
        %select_n3A_232 = arith.select %lt3A_203, %broadcast_in_dim3A_230, %broadcast_in_dim3A_231 : vector<16xi1>, vector<16xf32>
        %jit3A_233 = arith.constant -1.000000e+00 : f32
        %jit3A_234 = arith.constant 1.000000e+00 : f32
        %broadcast_in_dim3A_235 = vector.broadcast %jit3A_233 : f32 to vector<16xf32>
        %broadcast_in_dim3A_236 = vector.broadcast %jit3A_234 : f32 to vector<16xf32>
        %select_n3A_237 = arith.select %lt3A_206, %broadcast_in_dim3A_235, %broadcast_in_dim3A_236 : vector<16xi1>, vector<16xf32>
        %jit3A_238 = arith.constant -1.000000e+00 : f32
        %jit3A_239 = arith.constant 1.000000e+00 : f32
        %broadcast_in_dim3A_240 = vector.broadcast %jit3A_238 : f32 to vector<16xf32>
        %broadcast_in_dim3A_241 = vector.broadcast %jit3A_239 : f32 to vector<16xf32>
        %select_n3A_242 = arith.select %lt3A_209, %broadcast_in_dim3A_240, %broadcast_in_dim3A_241 : vector<16xi1>, vector<16xf32>
        %jit3A_243 = arith.constant -1.000000e+00 : f32
        %jit3A_244 = arith.constant 1.000000e+00 : f32
        %broadcast_in_dim3A_245 = vector.broadcast %jit3A_243 : f32 to vector<16xf32>
        %broadcast_in_dim3A_246 = vector.broadcast %jit3A_244 : f32 to vector<16xf32>
        %select_n3A_247 = arith.select %lt3A_212, %broadcast_in_dim3A_245, %broadcast_in_dim3A_246 : vector<16xi1>, vector<16xf32>
        %jit3A_248 = arith.constant -1.000000e+00 : f32
        %jit3A_249 = arith.constant 1.000000e+00 : f32
        %broadcast_in_dim3A_250 = vector.broadcast %jit3A_248 : f32 to vector<16xf32>
        %broadcast_in_dim3A_251 = vector.broadcast %jit3A_249 : f32 to vector<16xf32>
        %select_n3A_252 = arith.select %lt3A_215, %broadcast_in_dim3A_250, %broadcast_in_dim3A_251 : vector<16xi1>, vector<16xf32>
        %max3A = arith.maximumf %abs3A, %abs3A_185 : vector<16xf32>
        %max3A_253 = arith.maximumf %abs3A_186, %abs3A_187 : vector<16xf32>
        %max3A_254 = arith.maximumf %abs3A_188, %abs3A_189 : vector<16xf32>
        %max3A_255 = arith.maximumf %abs3A_190, %abs3A_191 : vector<16xf32>
        %max3A_256 = arith.maximumf %max3A, %max3A_253 : vector<16xf32>
        %max3A_257 = arith.maximumf %max3A_254, %max3A_255 : vector<16xf32>
        %max3A_258 = arith.maximumf %max3A_256, %max3A_257 : vector<16xf32>
        %min3A = arith.minimumf %abs3A, %abs3A_185 : vector<16xf32>
        %min3A_259 = arith.minimumf %abs3A_186, %abs3A_187 : vector<16xf32>
        %min3A_260 = arith.minimumf %abs3A_188, %abs3A_189 : vector<16xf32>
        %min3A_261 = arith.minimumf %abs3A_190, %abs3A_191 : vector<16xf32>
        %min3A_262 = arith.minimumf %min3A, %min3A_259 : vector<16xf32>
        %min3A_263 = arith.minimumf %min3A_260, %min3A_261 : vector<16xf32>
        %min3A_264 = arith.minimumf %min3A_262, %min3A_263 : vector<16xf32>
        %add3A_265 = arith.addf %sub3A_134, %sub3A_140 : vector<16xf32>
        %add3A_266 = arith.addf %sub3A_146, %sub3A_152 : vector<16xf32>
        %add3A_267 = arith.addf %sub3A_158, %sub3A_164 : vector<16xf32>
        %add3A_268 = arith.addf %sub3A_170, %sub3A_176 : vector<16xf32>
        %add3A_269 = arith.addf %add3A_265, %add3A_266 : vector<16xf32>
        %add3A_270 = arith.addf %add3A_267, %add3A_268 : vector<16xf32>
        %add3A_271 = arith.addf %add3A_269, %add3A_270 : vector<16xf32>
        %add3A_272 = arith.addf %abs3A, %abs3A_185 : vector<16xf32>
        %add3A_273 = arith.addf %abs3A_186, %abs3A_187 : vector<16xf32>
        %add3A_274 = arith.addf %abs3A_188, %abs3A_189 : vector<16xf32>
        %add3A_275 = arith.addf %abs3A_190, %abs3A_191 : vector<16xf32>
        %add3A_276 = arith.addf %add3A_272, %add3A_273 : vector<16xf32>
        %add3A_277 = arith.addf %add3A_274, %add3A_275 : vector<16xf32>
        %add3A_278 = arith.addf %add3A_276, %add3A_277 : vector<16xf32>
        %add3A_279 = arith.constant 0x4B400000 : f32
        %add3A_280 = vector.broadcast %add3A_279 : f32 to vector<16xf32>
        %add3A_281 = arith.addf %add3A_271, %add3A_280 : vector<16xf32>
        %bitcast_convert_type3A = tpu.bitcast %add3A_281 : vector<16xf32> -> vector<16xi32>
        %and3A = arith.constant 1 : i32
        %and3A_282 = vector.broadcast %and3A : i32 to vector<16xi32>
        %and3A_283 = arith.andi %bitcast_convert_type3A, %and3A_282 : vector<16xi32>
        %eq3A = arith.constant 1 : i32
        %eq3A_284 = vector.broadcast %eq3A : i32 to vector<16xi32>
        %eq3A_285 = arith.cmpi eq, %and3A_283, %eq3A_284 : vector<16xi32>
        %xor3A = arith.xori %lt3A_194, %lt3A_197 : vector<16xi1>
        %xor3A_286 = arith.xori %lt3A_200, %lt3A_203 : vector<16xi1>
        %xor3A_287 = arith.xori %lt3A_206, %lt3A_209 : vector<16xi1>
        %xor3A_288 = arith.xori %lt3A_212, %lt3A_215 : vector<16xi1>
        %xor3A_289 = arith.xori %xor3A, %xor3A_286 : vector<16xi1>
        %xor3A_290 = arith.xori %xor3A_287, %xor3A_288 : vector<16xi1>
        %xor3A_291 = arith.xori %xor3A_289, %xor3A_290 : vector<16xi1>
        %xor3A_292 = arith.xori %eq3A_285, %xor3A_291 : vector<16xi1>
        %mul3A_293 = arith.constant 2.000000e+00 : f32
        %mul3A_294 = vector.broadcast %mul3A_293 : f32 to vector<16xf32>
        %mul3A_295 = arith.mulf %mul3A_294, %max3A_258 : vector<16xf32>
        %sub3A_296 = arith.constant 1.000000e+00 : f32
        %sub3A_297 = vector.broadcast %sub3A_296 : f32 to vector<16xf32>
        %sub3A_298 = arith.subf %sub3A_297, %mul3A_295 : vector<16xf32>
        %jit3A_299 = arith.constant 0.000000e+00 : f32
        %broadcast_in_dim3A_300 = vector.broadcast %jit3A_299 : f32 to vector<16xf32>
        %select_n3A_301 = arith.select %eq3A_285, %sub3A_298, %broadcast_in_dim3A_300 : vector<16xi1>, vector<16xf32>
        %mul3A_302 = arith.constant 2.000000e+00 : f32
        %mul3A_303 = vector.broadcast %mul3A_302 : f32 to vector<16xf32>
        %mul3A_304 = arith.mulf %mul3A_303, %min3A_264 : vector<16xf32>
        %jit3A_305 = arith.constant 0.000000e+00 : f32
        %broadcast_in_dim3A_306 = vector.broadcast %jit3A_305 : f32 to vector<16xf32>
        %select_n3A_307 = arith.select %xor3A_292, %mul3A_304, %broadcast_in_dim3A_306 : vector<16xi1>, vector<16xf32>
        %sub3A_308 = arith.constant 2.000000e+00 : f32
        %sub3A_309 = vector.broadcast %sub3A_308 : f32 to vector<16xf32>
        %sub3A_310 = arith.subf %sub3A_309, %add3A_278 : vector<16xf32>
        %add3A_311 = arith.addf %sub3A_310, %select_n3A_307 : vector<16xf32>
        %sub3A_312 = arith.subf %add3A_311, %select_n3A_301 : vector<16xf32>
        %lt3A_313 = arith.constant 0.000000e+00 : f32
        %lt3A_314 = vector.broadcast %lt3A_313 : f32 to vector<16xf32>
        %lt3A_315 = arith.cmpf olt, %sub3A_312, %lt3A_314 : vector<16xf32>
        %select_n3A_316 = arith.select %lt3A_315, %min3A_264, %max3A_258 : vector<16xi1>, vector<16xf32>
        %broadcast_in_dim3A_317 = arith.constant 0 : i32
        %broadcast_in_dim3A_318 = vector.broadcast %broadcast_in_dim3A_317 : i32 to vector<16xi32>
        %broadcast_in_dim3A_319 = arith.constant 0.000000e+00 : f32
        %broadcast_in_dim3A_320 = vector.broadcast %broadcast_in_dim3A_319 : f32 to vector<16xf32>
        %eq3A_321 = arith.cmpf oeq, %abs3A_191, %select_n3A_316 : vector<16xf32>
        %jit3A_322 = arith.constant 7 : i32
        %broadcast_in_dim3A_323 = vector.broadcast %jit3A_322 : i32 to vector<16xi32>
        %select_n3A_324 = arith.select %eq3A_321, %broadcast_in_dim3A_323, %broadcast_in_dim3A_318 : vector<16xi1>, vector<16xi32>
        %select_n3A_325 = arith.select %eq3A_321, %select_n3A_252, %broadcast_in_dim3A_320 : vector<16xi1>, vector<16xf32>
        %eq3A_326 = arith.cmpf oeq, %abs3A_190, %select_n3A_316 : vector<16xf32>
        %jit3A_327 = arith.constant 6 : i32
        %broadcast_in_dim3A_328 = vector.broadcast %jit3A_327 : i32 to vector<16xi32>
        %select_n3A_329 = arith.select %eq3A_326, %broadcast_in_dim3A_328, %select_n3A_324 : vector<16xi1>, vector<16xi32>
        %select_n3A_330 = arith.select %eq3A_326, %select_n3A_247, %select_n3A_325 : vector<16xi1>, vector<16xf32>
        %eq3A_331 = arith.cmpf oeq, %abs3A_189, %select_n3A_316 : vector<16xf32>
        %jit3A_332 = arith.constant 5 : i32
        %broadcast_in_dim3A_333 = vector.broadcast %jit3A_332 : i32 to vector<16xi32>
        %select_n3A_334 = arith.select %eq3A_331, %broadcast_in_dim3A_333, %select_n3A_329 : vector<16xi1>, vector<16xi32>
        %select_n3A_335 = arith.select %eq3A_331, %select_n3A_242, %select_n3A_330 : vector<16xi1>, vector<16xf32>
        %eq3A_336 = arith.cmpf oeq, %abs3A_188, %select_n3A_316 : vector<16xf32>
        %jit3A_337 = arith.constant 4 : i32
        %broadcast_in_dim3A_338 = vector.broadcast %jit3A_337 : i32 to vector<16xi32>
        %select_n3A_339 = arith.select %eq3A_336, %broadcast_in_dim3A_338, %select_n3A_334 : vector<16xi1>, vector<16xi32>
        %select_n3A_340 = arith.select %eq3A_336, %select_n3A_237, %select_n3A_335 : vector<16xi1>, vector<16xf32>
        %eq3A_341 = arith.cmpf oeq, %abs3A_187, %select_n3A_316 : vector<16xf32>
        %jit3A_342 = arith.constant 3 : i32
        %broadcast_in_dim3A_343 = vector.broadcast %jit3A_342 : i32 to vector<16xi32>
        %select_n3A_344 = arith.select %eq3A_341, %broadcast_in_dim3A_343, %select_n3A_339 : vector<16xi1>, vector<16xi32>
        %select_n3A_345 = arith.select %eq3A_341, %select_n3A_232, %select_n3A_340 : vector<16xi1>, vector<16xf32>
        %eq3A_346 = arith.cmpf oeq, %abs3A_186, %select_n3A_316 : vector<16xf32>
        %jit3A_347 = arith.constant 2 : i32
        %broadcast_in_dim3A_348 = vector.broadcast %jit3A_347 : i32 to vector<16xi32>
        %select_n3A_349 = arith.select %eq3A_346, %broadcast_in_dim3A_348, %select_n3A_344 : vector<16xi1>, vector<16xi32>
        %select_n3A_350 = arith.select %eq3A_346, %select_n3A_227, %select_n3A_345 : vector<16xi1>, vector<16xf32>
        %eq3A_351 = arith.cmpf oeq, %abs3A_185, %select_n3A_316 : vector<16xf32>
        %jit3A_352 = arith.constant 1 : i32
        %broadcast_in_dim3A_353 = vector.broadcast %jit3A_352 : i32 to vector<16xi32>
        %select_n3A_354 = arith.select %eq3A_351, %broadcast_in_dim3A_353, %select_n3A_349 : vector<16xi1>, vector<16xi32>
        %select_n3A_355 = arith.select %eq3A_351, %select_n3A_222, %select_n3A_350 : vector<16xi1>, vector<16xf32>
        %eq3A_356 = arith.cmpf oeq, %abs3A, %select_n3A_316 : vector<16xf32>
        %jit3A_357 = arith.constant 0 : i32
        %broadcast_in_dim3A_358 = vector.broadcast %jit3A_357 : i32 to vector<16xi32>
        %select_n3A_359 = arith.select %eq3A_356, %broadcast_in_dim3A_358, %select_n3A_354 : vector<16xi1>, vector<16xi32>
        %select_n3A_360 = arith.select %eq3A_356, %select_n3A, %select_n3A_355 : vector<16xi1>, vector<16xf32>
        %neg3A = arith.constant 0.000000e+00 : f32
        %neg3A_361 = vector.broadcast %neg3A : f32 to vector<16xf32>
        %neg3A_362 = arith.subf %neg3A_361, %select_n3A_360 : vector<16xf32>
        %select_n3A_363 = arith.select %lt3A_315, %neg3A_362, %select_n3A_360 : vector<16xi1>, vector<16xf32>
        %select_n3A_364 = arith.select %lt3A_315, %xor3A_292, %eq3A_285 : vector<16xi1>, vector<16xi1>
        %jit3A_365 = arith.constant 0.000000e+00 : f32
        %broadcast_in_dim3A_366 = vector.broadcast %jit3A_365 : f32 to vector<16xf32>
        %select_n3A_367 = arith.select %select_n3A_364, %select_n3A_363, %broadcast_in_dim3A_366 : vector<16xi1>, vector<16xf32>
        %jit3A_368 = arith.constant 5.000000e-01 : f32
        %jit3A_369 = arith.constant 0.000000e+00 : f32
        %broadcast_in_dim3A_370 = vector.broadcast %jit3A_368 : f32 to vector<16xf32>
        %broadcast_in_dim3A_371 = vector.broadcast %jit3A_369 : f32 to vector<16xf32>
        %select_n3A_372 = arith.select %lt3A_315, %broadcast_in_dim3A_370, %broadcast_in_dim3A_371 : vector<16xi1>, vector<16xf32>
        %mul3A_373 = arith.mulf %select_n3A_372, %select_n3A : vector<16xf32>
        %add3A_374 = arith.addf %sub3A_134, %mul3A_373 : vector<16xf32>
        %mul3A_375 = arith.mulf %select_n3A_372, %select_n3A_222 : vector<16xf32>
        %add3A_376 = arith.addf %sub3A_140, %mul3A_375 : vector<16xf32>
        %mul3A_377 = arith.mulf %select_n3A_372, %select_n3A_227 : vector<16xf32>
        %add3A_378 = arith.addf %sub3A_146, %mul3A_377 : vector<16xf32>
        %mul3A_379 = arith.mulf %select_n3A_372, %select_n3A_232 : vector<16xf32>
        %add3A_380 = arith.addf %sub3A_152, %mul3A_379 : vector<16xf32>
        %mul3A_381 = arith.mulf %select_n3A_372, %select_n3A_237 : vector<16xf32>
        %add3A_382 = arith.addf %sub3A_158, %mul3A_381 : vector<16xf32>
        %mul3A_383 = arith.mulf %select_n3A_372, %select_n3A_242 : vector<16xf32>
        %add3A_384 = arith.addf %sub3A_164, %mul3A_383 : vector<16xf32>
        %mul3A_385 = arith.mulf %select_n3A_372, %select_n3A_247 : vector<16xf32>
        %add3A_386 = arith.addf %sub3A_170, %mul3A_385 : vector<16xf32>
        %mul3A_387 = arith.mulf %select_n3A_372, %select_n3A_252 : vector<16xf32>
        %add3A_388 = arith.addf %sub3A_176, %mul3A_387 : vector<16xf32>
        %swap3A = arith.constant 0 : i32
        %swap3A_389 = arith.index_cast %swap3A : i32 to index
        %swap3A_390 = arith.index_cast %add3A_98 : i32 to index
        %swap3A_391 = tpu.vector_load %arg7[%swap3A_389, %swap3A_390] {strides = array<i32>} : memref<8x2048xf32, #tpu.memory_space<vmem>>, vector<16xf32>,
        tpu.vector_store %arg7[%swap3A_389, %swap3A_390], %add3A_374 {strides = array<i32>} : memref<8x2048xf32, #tpu.memory_space<vmem>>, vector<16xf32>,
        %swap3A_392 = arith.constant 1 : i32
        %swap3A_393 = arith.index_cast %swap3A_392 : i32 to index
        %swap3A_394 = arith.index_cast %add3A_98 : i32 to index
        %swap3A_395 = tpu.vector_load %arg7[%swap3A_393, %swap3A_394] {strides = array<i32>} : memref<8x2048xf32, #tpu.memory_space<vmem>>, vector<16xf32>,
        tpu.vector_store %arg7[%swap3A_393, %swap3A_394], %add3A_376 {strides = array<i32>} : memref<8x2048xf32, #tpu.memory_space<vmem>>, vector<16xf32>,
        %swap3A_396 = arith.constant 2 : i32
        %swap3A_397 = arith.index_cast %swap3A_396 : i32 to index
        %swap3A_398 = arith.index_cast %add3A_98 : i32 to index
        %swap3A_399 = tpu.vector_load %arg7[%swap3A_397, %swap3A_398] {strides = array<i32>} : memref<8x2048xf32, #tpu.memory_space<vmem>>, vector<16xf32>,
        tpu.vector_store %arg7[%swap3A_397, %swap3A_398], %add3A_378 {strides = array<i32>} : memref<8x2048xf32, #tpu.memory_space<vmem>>, vector<16xf32>,
        %swap3A_400 = arith.constant 3 : i32
        %swap3A_401 = arith.index_cast %swap3A_400 : i32 to index
        %swap3A_402 = arith.index_cast %add3A_98 : i32 to index
        %swap3A_403 = tpu.vector_load %arg7[%swap3A_401, %swap3A_402] {strides = array<i32>} : memref<8x2048xf32, #tpu.memory_space<vmem>>, vector<16xf32>,
        tpu.vector_store %arg7[%swap3A_401, %swap3A_402], %add3A_380 {strides = array<i32>} : memref<8x2048xf32, #tpu.memory_space<vmem>>, vector<16xf32>,
        %swap3A_404 = arith.constant 4 : i32
        %swap3A_405 = arith.index_cast %swap3A_404 : i32 to index
        %swap3A_406 = arith.index_cast %add3A_98 : i32 to index
        %swap3A_407 = tpu.vector_load %arg7[%swap3A_405, %swap3A_406] {strides = array<i32>} : memref<8x2048xf32, #tpu.memory_space<vmem>>, vector<16xf32>,
        tpu.vector_store %arg7[%swap3A_405, %swap3A_406], %add3A_382 {strides = array<i32>} : memref<8x2048xf32, #tpu.memory_space<vmem>>, vector<16xf32>,
        %swap3A_408 = arith.constant 5 : i32
        %swap3A_409 = arith.index_cast %swap3A_408 : i32 to index
        %swap3A_410 = arith.index_cast %add3A_98 : i32 to index
        %swap3A_411 = tpu.vector_load %arg7[%swap3A_409, %swap3A_410] {strides = array<i32>} : memref<8x2048xf32, #tpu.memory_space<vmem>>, vector<16xf32>,
        tpu.vector_store %arg7[%swap3A_409, %swap3A_410], %add3A_384 {strides = array<i32>} : memref<8x2048xf32, #tpu.memory_space<vmem>>, vector<16xf32>,
        %swap3A_412 = arith.constant 6 : i32
        %swap3A_413 = arith.index_cast %swap3A_412 : i32 to index
        %swap3A_414 = arith.index_cast %add3A_98 : i32 to index
        %swap3A_415 = tpu.vector_load %arg7[%swap3A_413, %swap3A_414] {strides = array<i32>} : memref<8x2048xf32, #tpu.memory_space<vmem>>, vector<16xf32>,
        tpu.vector_store %arg7[%swap3A_413, %swap3A_414], %add3A_386 {strides = array<i32>} : memref<8x2048xf32, #tpu.memory_space<vmem>>, vector<16xf32>,
        %swap3A_416 = arith.constant 7 : i32
        %swap3A_417 = arith.index_cast %swap3A_416 : i32 to index
        %swap3A_418 = arith.index_cast %add3A_98 : i32 to index
        %swap3A_419 = tpu.vector_load %arg7[%swap3A_417, %swap3A_418] {strides = array<i32>} : memref<8x2048xf32, #tpu.memory_space<vmem>>, vector<16xf32>,
        tpu.vector_store %arg7[%swap3A_417, %swap3A_418], %add3A_388 {strides = array<i32>} : memref<8x2048xf32, #tpu.memory_space<vmem>>, vector<16xf32>,
        %add3A_420 = vector.broadcast %add3A_98 : i32 to vector<16xi32>
        %add3A_421 = arith.addi %iota3A_80, %add3A_420 : vector<16xi32>
        tpu.vector_store_idx %arg7[%select_n3A_359, %add3A_421], %select_n3A_367 {add = true} : memref<8x2048xf32, #tpu.memory_space<vmem>>[vector<16xi32>, vector<16xi32>], vector<16xf32>,
        %mul3A_422 = arith.constant 64 : i32
        %mul3A_423 = arith.muli %scan3A_94, %mul3A_422 : i32
        %add3A_424 = arith.constant 16 : i32
        %add3A_425 = arith.addi %mul3A_423, %add3A_424 : i32
        %get3A_426 = arith.constant 0 : i32
        %get3A_427 = arith.index_cast %get3A_426 : i32 to index
        %get3A_428 = arith.index_cast %add3A_425 : i32 to index
        %get3A_429 = tpu.vector_load %arg5[%get3A_427, %get3A_428] {strides = array<i32>} : memref<8x2048xf32, #tpu.memory_space<vmem>>, vector<16xf32>,
        %get3A_430 = arith.constant 1 : i32
        %get3A_431 = arith.index_cast %get3A_430 : i32 to index
        %get3A_432 = arith.index_cast %add3A_425 : i32 to index
        %get3A_433 = tpu.vector_load %arg5[%get3A_431, %get3A_432] {strides = array<i32>} : memref<8x2048xf32, #tpu.memory_space<vmem>>, vector<16xf32>,
        %get3A_434 = arith.constant 2 : i32
        %get3A_435 = arith.index_cast %get3A_434 : i32 to index
        %get3A_436 = arith.index_cast %add3A_425 : i32 to index
        %get3A_437 = tpu.vector_load %arg5[%get3A_435, %get3A_436] {strides = array<i32>} : memref<8x2048xf32, #tpu.memory_space<vmem>>, vector<16xf32>,
        %get3A_438 = arith.constant 3 : i32
        %get3A_439 = arith.index_cast %get3A_438 : i32 to index
        %get3A_440 = arith.index_cast %add3A_425 : i32 to index
        %get3A_441 = tpu.vector_load %arg5[%get3A_439, %get3A_440] {strides = array<i32>} : memref<8x2048xf32, #tpu.memory_space<vmem>>, vector<16xf32>,
        %get3A_442 = arith.constant 4 : i32
        %get3A_443 = arith.index_cast %get3A_442 : i32 to index
        %get3A_444 = arith.index_cast %add3A_425 : i32 to index
        %get3A_445 = tpu.vector_load %arg5[%get3A_443, %get3A_444] {strides = array<i32>} : memref<8x2048xf32, #tpu.memory_space<vmem>>, vector<16xf32>,
        %get3A_446 = arith.constant 5 : i32
        %get3A_447 = arith.index_cast %get3A_446 : i32 to index
        %get3A_448 = arith.index_cast %add3A_425 : i32 to index
        %get3A_449 = tpu.vector_load %arg5[%get3A_447, %get3A_448] {strides = array<i32>} : memref<8x2048xf32, #tpu.memory_space<vmem>>, vector<16xf32>,
        %get3A_450 = arith.constant 6 : i32
        %get3A_451 = arith.index_cast %get3A_450 : i32 to index
        %get3A_452 = arith.index_cast %add3A_425 : i32 to index
        %get3A_453 = tpu.vector_load %arg5[%get3A_451, %get3A_452] {strides = array<i32>} : memref<8x2048xf32, #tpu.memory_space<vmem>>, vector<16xf32>,
        %get3A_454 = arith.constant 7 : i32
        %get3A_455 = arith.index_cast %get3A_454 : i32 to index
        %get3A_456 = arith.index_cast %add3A_425 : i32 to index
        %get3A_457 = tpu.vector_load %arg5[%get3A_455, %get3A_456] {strides = array<i32>} : memref<8x2048xf32, #tpu.memory_space<vmem>>, vector<16xf32>,
        %add3A_458 = arith.constant 0x4B400000 : f32
        %add3A_459 = vector.broadcast %add3A_458 : f32 to vector<16xf32>
        %add3A_460 = arith.addf %get3A_429, %add3A_459 : vector<16xf32>
        %sub3A_461 = arith.constant 0x4B400000 : f32
        %sub3A_462 = vector.broadcast %sub3A_461 : f32 to vector<16xf32>
        %sub3A_463 = arith.subf %add3A_460, %sub3A_462 : vector<16xf32>
        %add3A_464 = arith.constant 0x4B400000 : f32
        %add3A_465 = vector.broadcast %add3A_464 : f32 to vector<16xf32>
        %add3A_466 = arith.addf %get3A_433, %add3A_465 : vector<16xf32>
        %sub3A_467 = arith.constant 0x4B400000 : f32
        %sub3A_468 = vector.broadcast %sub3A_467 : f32 to vector<16xf32>
        %sub3A_469 = arith.subf %add3A_466, %sub3A_468 : vector<16xf32>
        %add3A_470 = arith.constant 0x4B400000 : f32
        %add3A_471 = vector.broadcast %add3A_470 : f32 to vector<16xf32>
        %add3A_472 = arith.addf %get3A_437, %add3A_471 : vector<16xf32>
        %sub3A_473 = arith.constant 0x4B400000 : f32
        %sub3A_474 = vector.broadcast %sub3A_473 : f32 to vector<16xf32>
        %sub3A_475 = arith.subf %add3A_472, %sub3A_474 : vector<16xf32>
        %add3A_476 = arith.constant 0x4B400000 : f32
        %add3A_477 = vector.broadcast %add3A_476 : f32 to vector<16xf32>
        %add3A_478 = arith.addf %get3A_441, %add3A_477 : vector<16xf32>
        %sub3A_479 = arith.constant 0x4B400000 : f32
        %sub3A_480 = vector.broadcast %sub3A_479 : f32 to vector<16xf32>
        %sub3A_481 = arith.subf %add3A_478, %sub3A_480 : vector<16xf32>
        %add3A_482 = arith.constant 0x4B400000 : f32
        %add3A_483 = vector.broadcast %add3A_482 : f32 to vector<16xf32>
        %add3A_484 = arith.addf %get3A_445, %add3A_483 : vector<16xf32>
        %sub3A_485 = arith.constant 0x4B400000 : f32
        %sub3A_486 = vector.broadcast %sub3A_485 : f32 to vector<16xf32>
        %sub3A_487 = arith.subf %add3A_484, %sub3A_486 : vector<16xf32>
        %add3A_488 = arith.constant 0x4B400000 : f32
        %add3A_489 = vector.broadcast %add3A_488 : f32 to vector<16xf32>
        %add3A_490 = arith.addf %get3A_449, %add3A_489 : vector<16xf32>
        %sub3A_491 = arith.constant 0x4B400000 : f32
        %sub3A_492 = vector.broadcast %sub3A_491 : f32 to vector<16xf32>
        %sub3A_493 = arith.subf %add3A_490, %sub3A_492 : vector<16xf32>
        %add3A_494 = arith.constant 0x4B400000 : f32
        %add3A_495 = vector.broadcast %add3A_494 : f32 to vector<16xf32>
        %add3A_496 = arith.addf %get3A_453, %add3A_495 : vector<16xf32>
        %sub3A_497 = arith.constant 0x4B400000 : f32
        %sub3A_498 = vector.broadcast %sub3A_497 : f32 to vector<16xf32>
        %sub3A_499 = arith.subf %add3A_496, %sub3A_498 : vector<16xf32>
        %add3A_500 = arith.constant 0x4B400000 : f32
        %add3A_501 = vector.broadcast %add3A_500 : f32 to vector<16xf32>
        %add3A_502 = arith.addf %get3A_457, %add3A_501 : vector<16xf32>
        %sub3A_503 = arith.constant 0x4B400000 : f32
        %sub3A_504 = vector.broadcast %sub3A_503 : f32 to vector<16xf32>
        %sub3A_505 = arith.subf %add3A_502, %sub3A_504 : vector<16xf32>
        %sub3A_506 = arith.subf %get3A_429, %sub3A_463 : vector<16xf32>
        %sub3A_507 = arith.subf %get3A_433, %sub3A_469 : vector<16xf32>
        %sub3A_508 = arith.subf %get3A_437, %sub3A_475 : vector<16xf32>
        %sub3A_509 = arith.subf %get3A_441, %sub3A_481 : vector<16xf32>
        %sub3A_510 = arith.subf %get3A_445, %sub3A_487 : vector<16xf32>
        %sub3A_511 = arith.subf %get3A_449, %sub3A_493 : vector<16xf32>
        %sub3A_512 = arith.subf %get3A_453, %sub3A_499 : vector<16xf32>
        %sub3A_513 = arith.subf %get3A_457, %sub3A_505 : vector<16xf32>
        %abs3A_514 = math.absf %sub3A_506 : vector<16xf32>
        %abs3A_515 = math.absf %sub3A_507 : vector<16xf32>
        %abs3A_516 = math.absf %sub3A_508 : vector<16xf32>
        %abs3A_517 = math.absf %sub3A_509 : vector<16xf32>
        %abs3A_518 = math.absf %sub3A_510 : vector<16xf32>
        %abs3A_519 = math.absf %sub3A_511 : vector<16xf32>
        %abs3A_520 = math.absf %sub3A_512 : vector<16xf32>
        %abs3A_521 = math.absf %sub3A_513 : vector<16xf32>
        %lt3A_522 = arith.constant 0.000000e+00 : f32
        %lt3A_523 = vector.broadcast %lt3A_522 : f32 to vector<16xf32>
        %lt3A_524 = arith.cmpf olt, %sub3A_506, %lt3A_523 : vector<16xf32>
        %lt3A_525 = arith.constant 0.000000e+00 : f32
        %lt3A_526 = vector.broadcast %lt3A_525 : f32 to vector<16xf32>
        %lt3A_527 = arith.cmpf olt, %sub3A_507, %lt3A_526 : vector<16xf32>
        %lt3A_528 = arith.constant 0.000000e+00 : f32
        %lt3A_529 = vector.broadcast %lt3A_528 : f32 to vector<16xf32>
        %lt3A_530 = arith.cmpf olt, %sub3A_508, %lt3A_529 : vector<16xf32>
        %lt3A_531 = arith.constant 0.000000e+00 : f32
        %lt3A_532 = vector.broadcast %lt3A_531 : f32 to vector<16xf32>
        %lt3A_533 = arith.cmpf olt, %sub3A_509, %lt3A_532 : vector<16xf32>
        %lt3A_534 = arith.constant 0.000000e+00 : f32
        %lt3A_535 = vector.broadcast %lt3A_534 : f32 to vector<16xf32>
        %lt3A_536 = arith.cmpf olt, %sub3A_510, %lt3A_535 : vector<16xf32>
        %lt3A_537 = arith.constant 0.000000e+00 : f32
        %lt3A_538 = vector.broadcast %lt3A_537 : f32 to vector<16xf32>
        %lt3A_539 = arith.cmpf olt, %sub3A_511, %lt3A_538 : vector<16xf32>
        %lt3A_540 = arith.constant 0.000000e+00 : f32
        %lt3A_541 = vector.broadcast %lt3A_540 : f32 to vector<16xf32>
        %lt3A_542 = arith.cmpf olt, %sub3A_512, %lt3A_541 : vector<16xf32>
        %lt3A_543 = arith.constant 0.000000e+00 : f32
        %lt3A_544 = vector.broadcast %lt3A_543 : f32 to vector<16xf32>
        %lt3A_545 = arith.cmpf olt, %sub3A_513, %lt3A_544 : vector<16xf32>
        %jit3A_546 = arith.constant -1.000000e+00 : f32
        %jit3A_547 = arith.constant 1.000000e+00 : f32
        %broadcast_in_dim3A_548 = vector.broadcast %jit3A_546 : f32 to vector<16xf32>
        %broadcast_in_dim3A_549 = vector.broadcast %jit3A_547 : f32 to vector<16xf32>
        %select_n3A_550 = arith.select %lt3A_524, %broadcast_in_dim3A_548, %broadcast_in_dim3A_549 : vector<16xi1>, vector<16xf32>
        %jit3A_551 = arith.constant -1.000000e+00 : f32
        %jit3A_552 = arith.constant 1.000000e+00 : f32
        %broadcast_in_dim3A_553 = vector.broadcast %jit3A_551 : f32 to vector<16xf32>
        %broadcast_in_dim3A_554 = vector.broadcast %jit3A_552 : f32 to vector<16xf32>
        %select_n3A_555 = arith.select %lt3A_527, %broadcast_in_dim3A_553, %broadcast_in_dim3A_554 : vector<16xi1>, vector<16xf32>
        %jit3A_556 = arith.constant -1.000000e+00 : f32
        %jit3A_557 = arith.constant 1.000000e+00 : f32
        %broadcast_in_dim3A_558 = vector.broadcast %jit3A_556 : f32 to vector<16xf32>
        %broadcast_in_dim3A_559 = vector.broadcast %jit3A_557 : f32 to vector<16xf32>
        %select_n3A_560 = arith.select %lt3A_530, %broadcast_in_dim3A_558, %broadcast_in_dim3A_559 : vector<16xi1>, vector<16xf32>
        %jit3A_561 = arith.constant -1.000000e+00 : f32
        %jit3A_562 = arith.constant 1.000000e+00 : f32
        %broadcast_in_dim3A_563 = vector.broadcast %jit3A_561 : f32 to vector<16xf32>
        %broadcast_in_dim3A_564 = vector.broadcast %jit3A_562 : f32 to vector<16xf32>
        %select_n3A_565 = arith.select %lt3A_533, %broadcast_in_dim3A_563, %broadcast_in_dim3A_564 : vector<16xi1>, vector<16xf32>
        %jit3A_566 = arith.constant -1.000000e+00 : f32
        %jit3A_567 = arith.constant 1.000000e+00 : f32
        %broadcast_in_dim3A_568 = vector.broadcast %jit3A_566 : f32 to vector<16xf32>
        %broadcast_in_dim3A_569 = vector.broadcast %jit3A_567 : f32 to vector<16xf32>
        %select_n3A_570 = arith.select %lt3A_536, %broadcast_in_dim3A_568, %broadcast_in_dim3A_569 : vector<16xi1>, vector<16xf32>
        %jit3A_571 = arith.constant -1.000000e+00 : f32
        %jit3A_572 = arith.constant 1.000000e+00 : f32
        %broadcast_in_dim3A_573 = vector.broadcast %jit3A_571 : f32 to vector<16xf32>
        %broadcast_in_dim3A_574 = vector.broadcast %jit3A_572 : f32 to vector<16xf32>
        %select_n3A_575 = arith.select %lt3A_539, %broadcast_in_dim3A_573, %broadcast_in_dim3A_574 : vector<16xi1>, vector<16xf32>
        %jit3A_576 = arith.constant -1.000000e+00 : f32
        %jit3A_577 = arith.constant 1.000000e+00 : f32
        %broadcast_in_dim3A_578 = vector.broadcast %jit3A_576 : f32 to vector<16xf32>
        %broadcast_in_dim3A_579 = vector.broadcast %jit3A_577 : f32 to vector<16xf32>
        %select_n3A_580 = arith.select %lt3A_542, %broadcast_in_dim3A_578, %broadcast_in_dim3A_579 : vector<16xi1>, vector<16xf32>
        %jit3A_581 = arith.constant -1.000000e+00 : f32
        %jit3A_582 = arith.constant 1.000000e+00 : f32
        %broadcast_in_dim3A_583 = vector.broadcast %jit3A_581 : f32 to vector<16xf32>
        %broadcast_in_dim3A_584 = vector.broadcast %jit3A_582 : f32 to vector<16xf32>
        %select_n3A_585 = arith.select %lt3A_545, %broadcast_in_dim3A_583, %broadcast_in_dim3A_584 : vector<16xi1>, vector<16xf32>
        %max3A_586 = arith.maximumf %abs3A_514, %abs3A_515 : vector<16xf32>
        %max3A_587 = arith.maximumf %abs3A_516, %abs3A_517 : vector<16xf32>
        %max3A_588 = arith.maximumf %abs3A_518, %abs3A_519 : vector<16xf32>
        %max3A_589 = arith.maximumf %abs3A_520, %abs3A_521 : vector<16xf32>
        %max3A_590 = arith.maximumf %max3A_586, %max3A_587 : vector<16xf32>
        %max3A_591 = arith.maximumf %max3A_588, %max3A_589 : vector<16xf32>
        %max3A_592 = arith.maximumf %max3A_590, %max3A_591 : vector<16xf32>
        %min3A_593 = arith.minimumf %abs3A_514, %abs3A_515 : vector<16xf32>
        %min3A_594 = arith.minimumf %abs3A_516, %abs3A_517 : vector<16xf32>
        %min3A_595 = arith.minimumf %abs3A_518, %abs3A_519 : vector<16xf32>
        %min3A_596 = arith.minimumf %abs3A_520, %abs3A_521 : vector<16xf32>
        %min3A_597 = arith.minimumf %min3A_593, %min3A_594 : vector<16xf32>
        %min3A_598 = arith.minimumf %min3A_595, %min3A_596 : vector<16xf32>
        %min3A_599 = arith.minimumf %min3A_597, %min3A_598 : vector<16xf32>
        %add3A_600 = arith.addf %sub3A_463, %sub3A_469 : vector<16xf32>
        %add3A_601 = arith.addf %sub3A_475, %sub3A_481 : vector<16xf32>
        %add3A_602 = arith.addf %sub3A_487, %sub3A_493 : vector<16xf32>
        %add3A_603 = arith.addf %sub3A_499, %sub3A_505 : vector<16xf32>
        %add3A_604 = arith.addf %add3A_600, %add3A_601 : vector<16xf32>
        %add3A_605 = arith.addf %add3A_602, %add3A_603 : vector<16xf32>
        %add3A_606 = arith.addf %add3A_604, %add3A_605 : vector<16xf32>
        %add3A_607 = arith.addf %abs3A_514, %abs3A_515 : vector<16xf32>
        %add3A_608 = arith.addf %abs3A_516, %abs3A_517 : vector<16xf32>
        %add3A_609 = arith.addf %abs3A_518, %abs3A_519 : vector<16xf32>
        %add3A_610 = arith.addf %abs3A_520, %abs3A_521 : vector<16xf32>
        %add3A_611 = arith.addf %add3A_607, %add3A_608 : vector<16xf32>
        %add3A_612 = arith.addf %add3A_609, %add3A_610 : vector<16xf32>
        %add3A_613 = arith.addf %add3A_611, %add3A_612 : vector<16xf32>
        %add3A_614 = arith.constant 0x4B400000 : f32
        %add3A_615 = vector.broadcast %add3A_614 : f32 to vector<16xf32>
        %add3A_616 = arith.addf %add3A_606, %add3A_615 : vector<16xf32>
        %bitcast_convert_type3A_617 = tpu.bitcast %add3A_616 : vector<16xf32> -> vector<16xi32>
        %and3A_618 = arith.constant 1 : i32
        %and3A_619 = vector.broadcast %and3A_618 : i32 to vector<16xi32>
        %and3A_620 = arith.andi %bitcast_convert_type3A_617, %and3A_619 : vector<16xi32>
        %eq3A_621 = arith.constant 1 : i32
        %eq3A_622 = vector.broadcast %eq3A_621 : i32 to vector<16xi32>
        %eq3A_623 = arith.cmpi eq, %and3A_620, %eq3A_622 : vector<16xi32>
        %xor3A_624 = arith.xori %lt3A_524, %lt3A_527 : vector<16xi1>
        %xor3A_625 = arith.xori %lt3A_530, %lt3A_533 : vector<16xi1>
        %xor3A_626 = arith.xori %lt3A_536, %lt3A_539 : vector<16xi1>
        %xor3A_627 = arith.xori %lt3A_542, %lt3A_545 : vector<16xi1>
        %xor3A_628 = arith.xori %xor3A_624, %xor3A_625 : vector<16xi1>
        %xor3A_629 = arith.xori %xor3A_626, %xor3A_627 : vector<16xi1>
        %xor3A_630 = arith.xori %xor3A_628, %xor3A_629 : vector<16xi1>
        %xor3A_631 = arith.xori %eq3A_623, %xor3A_630 : vector<16xi1>
        %mul3A_632 = arith.constant 2.000000e+00 : f32
        %mul3A_633 = vector.broadcast %mul3A_632 : f32 to vector<16xf32>
        %mul3A_634 = arith.mulf %mul3A_633, %max3A_592 : vector<16xf32>
        %sub3A_635 = arith.constant 1.000000e+00 : f32
        %sub3A_636 = vector.broadcast %sub3A_635 : f32 to vector<16xf32>
        %sub3A_637 = arith.subf %sub3A_636, %mul3A_634 : vector<16xf32>
        %jit3A_638 = arith.constant 0.000000e+00 : f32
        %broadcast_in_dim3A_639 = vector.broadcast %jit3A_638 : f32 to vector<16xf32>
        %select_n3A_640 = arith.select %eq3A_623, %sub3A_637, %broadcast_in_dim3A_639 : vector<16xi1>, vector<16xf32>
        %mul3A_641 = arith.constant 2.000000e+00 : f32
        %mul3A_642 = vector.broadcast %mul3A_641 : f32 to vector<16xf32>
        %mul3A_643 = arith.mulf %mul3A_642, %min3A_599 : vector<16xf32>
        %jit3A_644 = arith.constant 0.000000e+00 : f32
        %broadcast_in_dim3A_645 = vector.broadcast %jit3A_644 : f32 to vector<16xf32>
        %select_n3A_646 = arith.select %xor3A_631, %mul3A_643, %broadcast_in_dim3A_645 : vector<16xi1>, vector<16xf32>
        %sub3A_647 = arith.constant 2.000000e+00 : f32
        %sub3A_648 = vector.broadcast %sub3A_647 : f32 to vector<16xf32>
        %sub3A_649 = arith.subf %sub3A_648, %add3A_613 : vector<16xf32>
        %add3A_650 = arith.addf %sub3A_649, %select_n3A_646 : vector<16xf32>
        %sub3A_651 = arith.subf %add3A_650, %select_n3A_640 : vector<16xf32>
        %lt3A_652 = arith.constant 0.000000e+00 : f32
        %lt3A_653 = vector.broadcast %lt3A_652 : f32 to vector<16xf32>
        %lt3A_654 = arith.cmpf olt, %sub3A_651, %lt3A_653 : vector<16xf32>
        %select_n3A_655 = arith.select %lt3A_654, %min3A_599, %max3A_592 : vector<16xi1>, vector<16xf32>
        %broadcast_in_dim3A_656 = arith.constant 0 : i32
        %broadcast_in_dim3A_657 = vector.broadcast %broadcast_in_dim3A_656 : i32 to vector<16xi32>
        %broadcast_in_dim3A_658 = arith.constant 0.000000e+00 : f32
        %broadcast_in_dim3A_659 = vector.broadcast %broadcast_in_dim3A_658 : f32 to vector<16xf32>
        %eq3A_660 = arith.cmpf oeq, %abs3A_521, %select_n3A_655 : vector<16xf32>
        %jit3A_661 = arith.constant 7 : i32
        %broadcast_in_dim3A_662 = vector.broadcast %jit3A_661 : i32 to vector<16xi32>
        %select_n3A_663 = arith.select %eq3A_660, %broadcast_in_dim3A_662, %broadcast_in_dim3A_657 : vector<16xi1>, vector<16xi32>
        %select_n3A_664 = arith.select %eq3A_660, %select_n3A_585, %broadcast_in_dim3A_659 : vector<16xi1>, vector<16xf32>
        %eq3A_665 = arith.cmpf oeq, %abs3A_520, %select_n3A_655 : vector<16xf32>
        %jit3A_666 = arith.constant 6 : i32
        %broadcast_in_dim3A_667 = vector.broadcast %jit3A_666 : i32 to vector<16xi32>
        %select_n3A_668 = arith.select %eq3A_665, %broadcast_in_dim3A_667, %select_n3A_663 : vector<16xi1>, vector<16xi32>
        %select_n3A_669 = arith.select %eq3A_665, %select_n3A_580, %select_n3A_664 : vector<16xi1>, vector<16xf32>
        %eq3A_670 = arith.cmpf oeq, %abs3A_519, %select_n3A_655 : vector<16xf32>
        %jit3A_671 = arith.constant 5 : i32
        %broadcast_in_dim3A_672 = vector.broadcast %jit3A_671 : i32 to vector<16xi32>
        %select_n3A_673 = arith.select %eq3A_670, %broadcast_in_dim3A_672, %select_n3A_668 : vector<16xi1>, vector<16xi32>
        %select_n3A_674 = arith.select %eq3A_670, %select_n3A_575, %select_n3A_669 : vector<16xi1>, vector<16xf32>
        %eq3A_675 = arith.cmpf oeq, %abs3A_518, %select_n3A_655 : vector<16xf32>
        %jit3A_676 = arith.constant 4 : i32
        %broadcast_in_dim3A_677 = vector.broadcast %jit3A_676 : i32 to vector<16xi32>
        %select_n3A_678 = arith.select %eq3A_675, %broadcast_in_dim3A_677, %select_n3A_673 : vector<16xi1>, vector<16xi32>
        %select_n3A_679 = arith.select %eq3A_675, %select_n3A_570, %select_n3A_674 : vector<16xi1>, vector<16xf32>
        %eq3A_680 = arith.cmpf oeq, %abs3A_517, %select_n3A_655 : vector<16xf32>
        %jit3A_681 = arith.constant 3 : i32
        %broadcast_in_dim3A_682 = vector.broadcast %jit3A_681 : i32 to vector<16xi32>
        %select_n3A_683 = arith.select %eq3A_680, %broadcast_in_dim3A_682, %select_n3A_678 : vector<16xi1>, vector<16xi32>
        %select_n3A_684 = arith.select %eq3A_680, %select_n3A_565, %select_n3A_679 : vector<16xi1>, vector<16xf32>
        %eq3A_685 = arith.cmpf oeq, %abs3A_516, %select_n3A_655 : vector<16xf32>
        %jit3A_686 = arith.constant 2 : i32
        %broadcast_in_dim3A_687 = vector.broadcast %jit3A_686 : i32 to vector<16xi32>
        %select_n3A_688 = arith.select %eq3A_685, %broadcast_in_dim3A_687, %select_n3A_683 : vector<16xi1>, vector<16xi32>
        %select_n3A_689 = arith.select %eq3A_685, %select_n3A_560, %select_n3A_684 : vector<16xi1>, vector<16xf32>
        %eq3A_690 = arith.cmpf oeq, %abs3A_515, %select_n3A_655 : vector<16xf32>
        %jit3A_691 = arith.constant 1 : i32
        %broadcast_in_dim3A_692 = vector.broadcast %jit3A_691 : i32 to vector<16xi32>
        %select_n3A_693 = arith.select %eq3A_690, %broadcast_in_dim3A_692, %select_n3A_688 : vector<16xi1>, vector<16xi32>
        %select_n3A_694 = arith.select %eq3A_690, %select_n3A_555, %select_n3A_689 : vector<16xi1>, vector<16xf32>
        %eq3A_695 = arith.cmpf oeq, %abs3A_514, %select_n3A_655 : vector<16xf32>
        %jit3A_696 = arith.constant 0 : i32
        %broadcast_in_dim3A_697 = vector.broadcast %jit3A_696 : i32 to vector<16xi32>
        %select_n3A_698 = arith.select %eq3A_695, %broadcast_in_dim3A_697, %select_n3A_693 : vector<16xi1>, vector<16xi32>
        %select_n3A_699 = arith.select %eq3A_695, %select_n3A_550, %select_n3A_694 : vector<16xi1>, vector<16xf32>
        %neg3A_700 = arith.constant 0.000000e+00 : f32
        %neg3A_701 = vector.broadcast %neg3A_700 : f32 to vector<16xf32>
        %neg3A_702 = arith.subf %neg3A_701, %select_n3A_699 : vector<16xf32>
        %select_n3A_703 = arith.select %lt3A_654, %neg3A_702, %select_n3A_699 : vector<16xi1>, vector<16xf32>
        %select_n3A_704 = arith.select %lt3A_654, %xor3A_631, %eq3A_623 : vector<16xi1>, vector<16xi1>
        %jit3A_705 = arith.constant 0.000000e+00 : f32
        %broadcast_in_dim3A_706 = vector.broadcast %jit3A_705 : f32 to vector<16xf32>
        %select_n3A_707 = arith.select %select_n3A_704, %select_n3A_703, %broadcast_in_dim3A_706 : vector<16xi1>, vector<16xf32>
        %jit3A_708 = arith.constant 5.000000e-01 : f32
        %jit3A_709 = arith.constant 0.000000e+00 : f32
        %broadcast_in_dim3A_710 = vector.broadcast %jit3A_708 : f32 to vector<16xf32>
        %broadcast_in_dim3A_711 = vector.broadcast %jit3A_709 : f32 to vector<16xf32>
        %select_n3A_712 = arith.select %lt3A_654, %broadcast_in_dim3A_710, %broadcast_in_dim3A_711 : vector<16xi1>, vector<16xf32>
        %mul3A_713 = arith.mulf %select_n3A_712, %select_n3A_550 : vector<16xf32>
        %add3A_714 = arith.addf %sub3A_463, %mul3A_713 : vector<16xf32>
        %mul3A_715 = arith.mulf %select_n3A_712, %select_n3A_555 : vector<16xf32>
        %add3A_716 = arith.addf %sub3A_469, %mul3A_715 : vector<16xf32>
        %mul3A_717 = arith.mulf %select_n3A_712, %select_n3A_560 : vector<16xf32>
        %add3A_718 = arith.addf %sub3A_475, %mul3A_717 : vector<16xf32>
        %mul3A_719 = arith.mulf %select_n3A_712, %select_n3A_565 : vector<16xf32>
        %add3A_720 = arith.addf %sub3A_481, %mul3A_719 : vector<16xf32>
        %mul3A_721 = arith.mulf %select_n3A_712, %select_n3A_570 : vector<16xf32>
        %add3A_722 = arith.addf %sub3A_487, %mul3A_721 : vector<16xf32>
        %mul3A_723 = arith.mulf %select_n3A_712, %select_n3A_575 : vector<16xf32>
        %add3A_724 = arith.addf %sub3A_493, %mul3A_723 : vector<16xf32>
        %mul3A_725 = arith.mulf %select_n3A_712, %select_n3A_580 : vector<16xf32>
        %add3A_726 = arith.addf %sub3A_499, %mul3A_725 : vector<16xf32>
        %mul3A_727 = arith.mulf %select_n3A_712, %select_n3A_585 : vector<16xf32>
        %add3A_728 = arith.addf %sub3A_505, %mul3A_727 : vector<16xf32>
        %swap3A_729 = arith.constant 0 : i32
        %swap3A_730 = arith.index_cast %swap3A_729 : i32 to index
        %swap3A_731 = arith.index_cast %add3A_425 : i32 to index
        %swap3A_732 = tpu.vector_load %arg7[%swap3A_730, %swap3A_731] {strides = array<i32>} : memref<8x2048xf32, #tpu.memory_space<vmem>>, vector<16xf32>,
        tpu.vector_store %arg7[%swap3A_730, %swap3A_731], %add3A_714 {strides = array<i32>} : memref<8x2048xf32, #tpu.memory_space<vmem>>, vector<16xf32>,
        %swap3A_733 = arith.constant 1 : i32
        %swap3A_734 = arith.index_cast %swap3A_733 : i32 to index
        %swap3A_735 = arith.index_cast %add3A_425 : i32 to index
        %swap3A_736 = tpu.vector_load %arg7[%swap3A_734, %swap3A_735] {strides = array<i32>} : memref<8x2048xf32, #tpu.memory_space<vmem>>, vector<16xf32>,
        tpu.vector_store %arg7[%swap3A_734, %swap3A_735], %add3A_716 {strides = array<i32>} : memref<8x2048xf32, #tpu.memory_space<vmem>>, vector<16xf32>,
        %swap3A_737 = arith.constant 2 : i32
        %swap3A_738 = arith.index_cast %swap3A_737 : i32 to index
        %swap3A_739 = arith.index_cast %add3A_425 : i32 to index
        %swap3A_740 = tpu.vector_load %arg7[%swap3A_738, %swap3A_739] {strides = array<i32>} : memref<8x2048xf32, #tpu.memory_space<vmem>>, vector<16xf32>,
        tpu.vector_store %arg7[%swap3A_738, %swap3A_739], %add3A_718 {strides = array<i32>} : memref<8x2048xf32, #tpu.memory_space<vmem>>, vector<16xf32>,
        %swap3A_741 = arith.constant 3 : i32
        %swap3A_742 = arith.index_cast %swap3A_741 : i32 to index
        %swap3A_743 = arith.index_cast %add3A_425 : i32 to index
        %swap3A_744 = tpu.vector_load %arg7[%swap3A_742, %swap3A_743] {strides = array<i32>} : memref<8x2048xf32, #tpu.memory_space<vmem>>, vector<16xf32>,
        tpu.vector_store %arg7[%swap3A_742, %swap3A_743], %add3A_720 {strides = array<i32>} : memref<8x2048xf32, #tpu.memory_space<vmem>>, vector<16xf32>,
        %swap3A_745 = arith.constant 4 : i32
        %swap3A_746 = arith.index_cast %swap3A_745 : i32 to index
        %swap3A_747 = arith.index_cast %add3A_425 : i32 to index
        %swap3A_748 = tpu.vector_load %arg7[%swap3A_746, %swap3A_747] {strides = array<i32>} : memref<8x2048xf32, #tpu.memory_space<vmem>>, vector<16xf32>,
        tpu.vector_store %arg7[%swap3A_746, %swap3A_747], %add3A_722 {strides = array<i32>} : memref<8x2048xf32, #tpu.memory_space<vmem>>, vector<16xf32>,
        %swap3A_749 = arith.constant 5 : i32
        %swap3A_750 = arith.index_cast %swap3A_749 : i32 to index
        %swap3A_751 = arith.index_cast %add3A_425 : i32 to index
        %swap3A_752 = tpu.vector_load %arg7[%swap3A_750, %swap3A_751] {strides = array<i32>} : memref<8x2048xf32, #tpu.memory_space<vmem>>, vector<16xf32>,
        tpu.vector_store %arg7[%swap3A_750, %swap3A_751], %add3A_724 {strides = array<i32>} : memref<8x2048xf32, #tpu.memory_space<vmem>>, vector<16xf32>,
        %swap3A_753 = arith.constant 6 : i32
        %swap3A_754 = arith.index_cast %swap3A_753 : i32 to index
        %swap3A_755 = arith.index_cast %add3A_425 : i32 to index
        %swap3A_756 = tpu.vector_load %arg7[%swap3A_754, %swap3A_755] {strides = array<i32>} : memref<8x2048xf32, #tpu.memory_space<vmem>>, vector<16xf32>,
        tpu.vector_store %arg7[%swap3A_754, %swap3A_755], %add3A_726 {strides = array<i32>} : memref<8x2048xf32, #tpu.memory_space<vmem>>, vector<16xf32>,
        %swap3A_757 = arith.constant 7 : i32
        %swap3A_758 = arith.index_cast %swap3A_757 : i32 to index
        %swap3A_759 = arith.index_cast %add3A_425 : i32 to index
        %swap3A_760 = tpu.vector_load %arg7[%swap3A_758, %swap3A_759] {strides = array<i32>} : memref<8x2048xf32, #tpu.memory_space<vmem>>, vector<16xf32>,
        tpu.vector_store %arg7[%swap3A_758, %swap3A_759], %add3A_728 {strides = array<i32>} : memref<8x2048xf32, #tpu.memory_space<vmem>>, vector<16xf32>,
        %add3A_761 = vector.broadcast %add3A_425 : i32 to vector<16xi32>
        %add3A_762 = arith.addi %iota3A_80, %add3A_761 : vector<16xi32>
        tpu.vector_store_idx %arg7[%select_n3A_698, %add3A_762], %select_n3A_707 {add = true} : memref<8x2048xf32, #tpu.memory_space<vmem>>[vector<16xi32>, vector<16xi32>], vector<16xf32>,
        %mul3A_763 = arith.constant 64 : i32
        %mul3A_764 = arith.muli %scan3A_94, %mul3A_763 : i32
        %add3A_765 = arith.constant 32 : i32
        %add3A_766 = arith.addi %mul3A_764, %add3A_765 : i32
        %get3A_767 = arith.constant 0 : i32
        %get3A_768 = arith.index_cast %get3A_767 : i32 to index
        %get3A_769 = arith.index_cast %add3A_766 : i32 to index
        %get3A_770 = tpu.vector_load %arg5[%get3A_768, %get3A_769] {strides = array<i32>} : memref<8x2048xf32, #tpu.memory_space<vmem>>, vector<16xf32>,
        %get3A_771 = arith.constant 1 : i32
        %get3A_772 = arith.index_cast %get3A_771 : i32 to index
        %get3A_773 = arith.index_cast %add3A_766 : i32 to index
        %get3A_774 = tpu.vector_load %arg5[%get3A_772, %get3A_773] {strides = array<i32>} : memref<8x2048xf32, #tpu.memory_space<vmem>>, vector<16xf32>,
        %get3A_775 = arith.constant 2 : i32
        %get3A_776 = arith.index_cast %get3A_775 : i32 to index
        %get3A_777 = arith.index_cast %add3A_766 : i32 to index
        %get3A_778 = tpu.vector_load %arg5[%get3A_776, %get3A_777] {strides = array<i32>} : memref<8x2048xf32, #tpu.memory_space<vmem>>, vector<16xf32>,
        %get3A_779 = arith.constant 3 : i32
        %get3A_780 = arith.index_cast %get3A_779 : i32 to index
        %get3A_781 = arith.index_cast %add3A_766 : i32 to index
        %get3A_782 = tpu.vector_load %arg5[%get3A_780, %get3A_781] {strides = array<i32>} : memref<8x2048xf32, #tpu.memory_space<vmem>>, vector<16xf32>,
        %get3A_783 = arith.constant 4 : i32
        %get3A_784 = arith.index_cast %get3A_783 : i32 to index
        %get3A_785 = arith.index_cast %add3A_766 : i32 to index
        %get3A_786 = tpu.vector_load %arg5[%get3A_784, %get3A_785] {strides = array<i32>} : memref<8x2048xf32, #tpu.memory_space<vmem>>, vector<16xf32>,
        %get3A_787 = arith.constant 5 : i32
        %get3A_788 = arith.index_cast %get3A_787 : i32 to index
        %get3A_789 = arith.index_cast %add3A_766 : i32 to index
        %get3A_790 = tpu.vector_load %arg5[%get3A_788, %get3A_789] {strides = array<i32>} : memref<8x2048xf32, #tpu.memory_space<vmem>>, vector<16xf32>,
        %get3A_791 = arith.constant 6 : i32
        %get3A_792 = arith.index_cast %get3A_791 : i32 to index
        %get3A_793 = arith.index_cast %add3A_766 : i32 to index
        %get3A_794 = tpu.vector_load %arg5[%get3A_792, %get3A_793] {strides = array<i32>} : memref<8x2048xf32, #tpu.memory_space<vmem>>, vector<16xf32>,
        %get3A_795 = arith.constant 7 : i32
        %get3A_796 = arith.index_cast %get3A_795 : i32 to index
        %get3A_797 = arith.index_cast %add3A_766 : i32 to index
        %get3A_798 = tpu.vector_load %arg5[%get3A_796, %get3A_797] {strides = array<i32>} : memref<8x2048xf32, #tpu.memory_space<vmem>>, vector<16xf32>,
        %add3A_799 = arith.constant 0x4B400000 : f32
        %add3A_800 = vector.broadcast %add3A_799 : f32 to vector<16xf32>
        %add3A_801 = arith.addf %get3A_770, %add3A_800 : vector<16xf32>
        %sub3A_802 = arith.constant 0x4B400000 : f32
        %sub3A_803 = vector.broadcast %sub3A_802 : f32 to vector<16xf32>
        %sub3A_804 = arith.subf %add3A_801, %sub3A_803 : vector<16xf32>
        %add3A_805 = arith.constant 0x4B400000 : f32
        %add3A_806 = vector.broadcast %add3A_805 : f32 to vector<16xf32>
        %add3A_807 = arith.addf %get3A_774, %add3A_806 : vector<16xf32>
        %sub3A_808 = arith.constant 0x4B400000 : f32
        %sub3A_809 = vector.broadcast %sub3A_808 : f32 to vector<16xf32>
        %sub3A_810 = arith.subf %add3A_807, %sub3A_809 : vector<16xf32>
        %add3A_811 = arith.constant 0x4B400000 : f32
        %add3A_812 = vector.broadcast %add3A_811 : f32 to vector<16xf32>
        %add3A_813 = arith.addf %get3A_778, %add3A_812 : vector<16xf32>
        %sub3A_814 = arith.constant 0x4B400000 : f32
        %sub3A_815 = vector.broadcast %sub3A_814 : f32 to vector<16xf32>
        %sub3A_816 = arith.subf %add3A_813, %sub3A_815 : vector<16xf32>
        %add3A_817 = arith.constant 0x4B400000 : f32
        %add3A_818 = vector.broadcast %add3A_817 : f32 to vector<16xf32>
        %add3A_819 = arith.addf %get3A_782, %add3A_818 : vector<16xf32>
        %sub3A_820 = arith.constant 0x4B400000 : f32
        %sub3A_821 = vector.broadcast %sub3A_820 : f32 to vector<16xf32>
        %sub3A_822 = arith.subf %add3A_819, %sub3A_821 : vector<16xf32>
        %add3A_823 = arith.constant 0x4B400000 : f32
        %add3A_824 = vector.broadcast %add3A_823 : f32 to vector<16xf32>
        %add3A_825 = arith.addf %get3A_786, %add3A_824 : vector<16xf32>
        %sub3A_826 = arith.constant 0x4B400000 : f32
        %sub3A_827 = vector.broadcast %sub3A_826 : f32 to vector<16xf32>
        %sub3A_828 = arith.subf %add3A_825, %sub3A_827 : vector<16xf32>
        %add3A_829 = arith.constant 0x4B400000 : f32
        %add3A_830 = vector.broadcast %add3A_829 : f32 to vector<16xf32>
        %add3A_831 = arith.addf %get3A_790, %add3A_830 : vector<16xf32>
        %sub3A_832 = arith.constant 0x4B400000 : f32
        %sub3A_833 = vector.broadcast %sub3A_832 : f32 to vector<16xf32>
        %sub3A_834 = arith.subf %add3A_831, %sub3A_833 : vector<16xf32>
        %add3A_835 = arith.constant 0x4B400000 : f32
        %add3A_836 = vector.broadcast %add3A_835 : f32 to vector<16xf32>
        %add3A_837 = arith.addf %get3A_794, %add3A_836 : vector<16xf32>
        %sub3A_838 = arith.constant 0x4B400000 : f32
        %sub3A_839 = vector.broadcast %sub3A_838 : f32 to vector<16xf32>
        %sub3A_840 = arith.subf %add3A_837, %sub3A_839 : vector<16xf32>
        %add3A_841 = arith.constant 0x4B400000 : f32
        %add3A_842 = vector.broadcast %add3A_841 : f32 to vector<16xf32>
        %add3A_843 = arith.addf %get3A_798, %add3A_842 : vector<16xf32>
        %sub3A_844 = arith.constant 0x4B400000 : f32
        %sub3A_845 = vector.broadcast %sub3A_844 : f32 to vector<16xf32>
        %sub3A_846 = arith.subf %add3A_843, %sub3A_845 : vector<16xf32>
        %sub3A_847 = arith.subf %get3A_770, %sub3A_804 : vector<16xf32>
        %sub3A_848 = arith.subf %get3A_774, %sub3A_810 : vector<16xf32>
        %sub3A_849 = arith.subf %get3A_778, %sub3A_816 : vector<16xf32>
        %sub3A_850 = arith.subf %get3A_782, %sub3A_822 : vector<16xf32>
        %sub3A_851 = arith.subf %get3A_786, %sub3A_828 : vector<16xf32>
        %sub3A_852 = arith.subf %get3A_790, %sub3A_834 : vector<16xf32>
        %sub3A_853 = arith.subf %get3A_794, %sub3A_840 : vector<16xf32>
        %sub3A_854 = arith.subf %get3A_798, %sub3A_846 : vector<16xf32>
        %abs3A_855 = math.absf %sub3A_847 : vector<16xf32>
        %abs3A_856 = math.absf %sub3A_848 : vector<16xf32>
        %abs3A_857 = math.absf %sub3A_849 : vector<16xf32>
        %abs3A_858 = math.absf %sub3A_850 : vector<16xf32>
        %abs3A_859 = math.absf %sub3A_851 : vector<16xf32>
        %abs3A_860 = math.absf %sub3A_852 : vector<16xf32>
        %abs3A_861 = math.absf %sub3A_853 : vector<16xf32>
        %abs3A_862 = math.absf %sub3A_854 : vector<16xf32>
        %lt3A_863 = arith.constant 0.000000e+00 : f32
        %lt3A_864 = vector.broadcast %lt3A_863 : f32 to vector<16xf32>
        %lt3A_865 = arith.cmpf olt, %sub3A_847, %lt3A_864 : vector<16xf32>
        %lt3A_866 = arith.constant 0.000000e+00 : f32
        %lt3A_867 = vector.broadcast %lt3A_866 : f32 to vector<16xf32>
        %lt3A_868 = arith.cmpf olt, %sub3A_848, %lt3A_867 : vector<16xf32>
        %lt3A_869 = arith.constant 0.000000e+00 : f32
        %lt3A_870 = vector.broadcast %lt3A_869 : f32 to vector<16xf32>
        %lt3A_871 = arith.cmpf olt, %sub3A_849, %lt3A_870 : vector<16xf32>
        %lt3A_872 = arith.constant 0.000000e+00 : f32
        %lt3A_873 = vector.broadcast %lt3A_872 : f32 to vector<16xf32>
        %lt3A_874 = arith.cmpf olt, %sub3A_850, %lt3A_873 : vector<16xf32>
        %lt3A_875 = arith.constant 0.000000e+00 : f32
        %lt3A_876 = vector.broadcast %lt3A_875 : f32 to vector<16xf32>
        %lt3A_877 = arith.cmpf olt, %sub3A_851, %lt3A_876 : vector<16xf32>
        %lt3A_878 = arith.constant 0.000000e+00 : f32
        %lt3A_879 = vector.broadcast %lt3A_878 : f32 to vector<16xf32>
        %lt3A_880 = arith.cmpf olt, %sub3A_852, %lt3A_879 : vector<16xf32>
        %lt3A_881 = arith.constant 0.000000e+00 : f32
        %lt3A_882 = vector.broadcast %lt3A_881 : f32 to vector<16xf32>
        %lt3A_883 = arith.cmpf olt, %sub3A_853, %lt3A_882 : vector<16xf32>
        %lt3A_884 = arith.constant 0.000000e+00 : f32
        %lt3A_885 = vector.broadcast %lt3A_884 : f32 to vector<16xf32>
        %lt3A_886 = arith.cmpf olt, %sub3A_854, %lt3A_885 : vector<16xf32>
        %jit3A_887 = arith.constant -1.000000e+00 : f32
        %jit3A_888 = arith.constant 1.000000e+00 : f32
        %broadcast_in_dim3A_889 = vector.broadcast %jit3A_887 : f32 to vector<16xf32>
        %broadcast_in_dim3A_890 = vector.broadcast %jit3A_888 : f32 to vector<16xf32>
        %select_n3A_891 = arith.select %lt3A_865, %broadcast_in_dim3A_889, %broadcast_in_dim3A_890 : vector<16xi1>, vector<16xf32>
        %jit3A_892 = arith.constant -1.000000e+00 : f32
        %jit3A_893 = arith.constant 1.000000e+00 : f32
        %broadcast_in_dim3A_894 = vector.broadcast %jit3A_892 : f32 to vector<16xf32>
        %broadcast_in_dim3A_895 = vector.broadcast %jit3A_893 : f32 to vector<16xf32>
        %select_n3A_896 = arith.select %lt3A_868, %broadcast_in_dim3A_894, %broadcast_in_dim3A_895 : vector<16xi1>, vector<16xf32>
        %jit3A_897 = arith.constant -1.000000e+00 : f32
        %jit3A_898 = arith.constant 1.000000e+00 : f32
        %broadcast_in_dim3A_899 = vector.broadcast %jit3A_897 : f32 to vector<16xf32>
        %broadcast_in_dim3A_900 = vector.broadcast %jit3A_898 : f32 to vector<16xf32>
        %select_n3A_901 = arith.select %lt3A_871, %broadcast_in_dim3A_899, %broadcast_in_dim3A_900 : vector<16xi1>, vector<16xf32>
        %jit3A_902 = arith.constant -1.000000e+00 : f32
        %jit3A_903 = arith.constant 1.000000e+00 : f32
        %broadcast_in_dim3A_904 = vector.broadcast %jit3A_902 : f32 to vector<16xf32>
        %broadcast_in_dim3A_905 = vector.broadcast %jit3A_903 : f32 to vector<16xf32>
        %select_n3A_906 = arith.select %lt3A_874, %broadcast_in_dim3A_904, %broadcast_in_dim3A_905 : vector<16xi1>, vector<16xf32>
        %jit3A_907 = arith.constant -1.000000e+00 : f32
        %jit3A_908 = arith.constant 1.000000e+00 : f32
        %broadcast_in_dim3A_909 = vector.broadcast %jit3A_907 : f32 to vector<16xf32>
        %broadcast_in_dim3A_910 = vector.broadcast %jit3A_908 : f32 to vector<16xf32>
        %select_n3A_911 = arith.select %lt3A_877, %broadcast_in_dim3A_909, %broadcast_in_dim3A_910 : vector<16xi1>, vector<16xf32>
        %jit3A_912 = arith.constant -1.000000e+00 : f32
        %jit3A_913 = arith.constant 1.000000e+00 : f32
        %broadcast_in_dim3A_914 = vector.broadcast %jit3A_912 : f32 to vector<16xf32>
        %broadcast_in_dim3A_915 = vector.broadcast %jit3A_913 : f32 to vector<16xf32>
        %select_n3A_916 = arith.select %lt3A_880, %broadcast_in_dim3A_914, %broadcast_in_dim3A_915 : vector<16xi1>, vector<16xf32>
        %jit3A_917 = arith.constant -1.000000e+00 : f32
        %jit3A_918 = arith.constant 1.000000e+00 : f32
        %broadcast_in_dim3A_919 = vector.broadcast %jit3A_917 : f32 to vector<16xf32>
        %broadcast_in_dim3A_920 = vector.broadcast %jit3A_918 : f32 to vector<16xf32>
        %select_n3A_921 = arith.select %lt3A_883, %broadcast_in_dim3A_919, %broadcast_in_dim3A_920 : vector<16xi1>, vector<16xf32>
        %jit3A_922 = arith.constant -1.000000e+00 : f32
        %jit3A_923 = arith.constant 1.000000e+00 : f32
        %broadcast_in_dim3A_924 = vector.broadcast %jit3A_922 : f32 to vector<16xf32>
        %broadcast_in_dim3A_925 = vector.broadcast %jit3A_923 : f32 to vector<16xf32>
        %select_n3A_926 = arith.select %lt3A_886, %broadcast_in_dim3A_924, %broadcast_in_dim3A_925 : vector<16xi1>, vector<16xf32>
        %max3A_927 = arith.maximumf %abs3A_855, %abs3A_856 : vector<16xf32>
        %max3A_928 = arith.maximumf %abs3A_857, %abs3A_858 : vector<16xf32>
        %max3A_929 = arith.maximumf %abs3A_859, %abs3A_860 : vector<16xf32>
        %max3A_930 = arith.maximumf %abs3A_861, %abs3A_862 : vector<16xf32>
        %max3A_931 = arith.maximumf %max3A_927, %max3A_928 : vector<16xf32>
        %max3A_932 = arith.maximumf %max3A_929, %max3A_930 : vector<16xf32>
        %max3A_933 = arith.maximumf %max3A_931, %max3A_932 : vector<16xf32>
        %min3A_934 = arith.minimumf %abs3A_855, %abs3A_856 : vector<16xf32>
        %min3A_935 = arith.minimumf %abs3A_857, %abs3A_858 : vector<16xf32>
        %min3A_936 = arith.minimumf %abs3A_859, %abs3A_860 : vector<16xf32>
        %min3A_937 = arith.minimumf %abs3A_861, %abs3A_862 : vector<16xf32>
        %min3A_938 = arith.minimumf %min3A_934, %min3A_935 : vector<16xf32>
        %min3A_939 = arith.minimumf %min3A_936, %min3A_937 : vector<16xf32>
        %min3A_940 = arith.minimumf %min3A_938, %min3A_939 : vector<16xf32>
        %add3A_941 = arith.addf %sub3A_804, %sub3A_810 : vector<16xf32>
        %add3A_942 = arith.addf %sub3A_816, %sub3A_822 : vector<16xf32>
        %add3A_943 = arith.addf %sub3A_828, %sub3A_834 : vector<16xf32>
        %add3A_944 = arith.addf %sub3A_840, %sub3A_846 : vector<16xf32>
        %add3A_945 = arith.addf %add3A_941, %add3A_942 : vector<16xf32>
        %add3A_946 = arith.addf %add3A_943, %add3A_944 : vector<16xf32>
        %add3A_947 = arith.addf %add3A_945, %add3A_946 : vector<16xf32>
        %add3A_948 = arith.addf %abs3A_855, %abs3A_856 : vector<16xf32>
        %add3A_949 = arith.addf %abs3A_857, %abs3A_858 : vector<16xf32>
        %add3A_950 = arith.addf %abs3A_859, %abs3A_860 : vector<16xf32>
        %add3A_951 = arith.addf %abs3A_861, %abs3A_862 : vector<16xf32>
        %add3A_952 = arith.addf %add3A_948, %add3A_949 : vector<16xf32>
        %add3A_953 = arith.addf %add3A_950, %add3A_951 : vector<16xf32>
        %add3A_954 = arith.addf %add3A_952, %add3A_953 : vector<16xf32>
        %add3A_955 = arith.constant 0x4B400000 : f32
        %add3A_956 = vector.broadcast %add3A_955 : f32 to vector<16xf32>
        %add3A_957 = arith.addf %add3A_947, %add3A_956 : vector<16xf32>
        %bitcast_convert_type3A_958 = tpu.bitcast %add3A_957 : vector<16xf32> -> vector<16xi32>
        %and3A_959 = arith.constant 1 : i32
        %and3A_960 = vector.broadcast %and3A_959 : i32 to vector<16xi32>
        %and3A_961 = arith.andi %bitcast_convert_type3A_958, %and3A_960 : vector<16xi32>
        %eq3A_962 = arith.constant 1 : i32
        %eq3A_963 = vector.broadcast %eq3A_962 : i32 to vector<16xi32>
        %eq3A_964 = arith.cmpi eq, %and3A_961, %eq3A_963 : vector<16xi32>
        %xor3A_965 = arith.xori %lt3A_865, %lt3A_868 : vector<16xi1>
        %xor3A_966 = arith.xori %lt3A_871, %lt3A_874 : vector<16xi1>
        %xor3A_967 = arith.xori %lt3A_877, %lt3A_880 : vector<16xi1>
        %xor3A_968 = arith.xori %lt3A_883, %lt3A_886 : vector<16xi1>
        %xor3A_969 = arith.xori %xor3A_965, %xor3A_966 : vector<16xi1>
        %xor3A_970 = arith.xori %xor3A_967, %xor3A_968 : vector<16xi1>
        %xor3A_971 = arith.xori %xor3A_969, %xor3A_970 : vector<16xi1>
        %xor3A_972 = arith.xori %eq3A_964, %xor3A_971 : vector<16xi1>
        %mul3A_973 = arith.constant 2.000000e+00 : f32
        %mul3A_974 = vector.broadcast %mul3A_973 : f32 to vector<16xf32>
        %mul3A_975 = arith.mulf %mul3A_974, %max3A_933 : vector<16xf32>
        %sub3A_976 = arith.constant 1.000000e+00 : f32
        %sub3A_977 = vector.broadcast %sub3A_976 : f32 to vector<16xf32>
        %sub3A_978 = arith.subf %sub3A_977, %mul3A_975 : vector<16xf32>
        %jit3A_979 = arith.constant 0.000000e+00 : f32
        %broadcast_in_dim3A_980 = vector.broadcast %jit3A_979 : f32 to vector<16xf32>
        %select_n3A_981 = arith.select %eq3A_964, %sub3A_978, %broadcast_in_dim3A_980 : vector<16xi1>, vector<16xf32>
        %mul3A_982 = arith.constant 2.000000e+00 : f32
        %mul3A_983 = vector.broadcast %mul3A_982 : f32 to vector<16xf32>
        %mul3A_984 = arith.mulf %mul3A_983, %min3A_940 : vector<16xf32>
        %jit3A_985 = arith.constant 0.000000e+00 : f32
        %broadcast_in_dim3A_986 = vector.broadcast %jit3A_985 : f32 to vector<16xf32>
        %select_n3A_987 = arith.select %xor3A_972, %mul3A_984, %broadcast_in_dim3A_986 : vector<16xi1>, vector<16xf32>
        %sub3A_988 = arith.constant 2.000000e+00 : f32
        %sub3A_989 = vector.broadcast %sub3A_988 : f32 to vector<16xf32>
        %sub3A_990 = arith.subf %sub3A_989, %add3A_954 : vector<16xf32>
        %add3A_991 = arith.addf %sub3A_990, %select_n3A_987 : vector<16xf32>
        %sub3A_992 = arith.subf %add3A_991, %select_n3A_981 : vector<16xf32>
        %lt3A_993 = arith.constant 0.000000e+00 : f32
        %lt3A_994 = vector.broadcast %lt3A_993 : f32 to vector<16xf32>
        %lt3A_995 = arith.cmpf olt, %sub3A_992, %lt3A_994 : vector<16xf32>
        %select_n3A_996 = arith.select %lt3A_995, %min3A_940, %max3A_933 : vector<16xi1>, vector<16xf32>
        %broadcast_in_dim3A_997 = arith.constant 0 : i32
        %broadcast_in_dim3A_998 = vector.broadcast %broadcast_in_dim3A_997 : i32 to vector<16xi32>
        %broadcast_in_dim3A_999 = arith.constant 0.000000e+00 : f32
        %broadcast_in_dim3A_1000 = vector.broadcast %broadcast_in_dim3A_999 : f32 to vector<16xf32>
        %eq3A_1001 = arith.cmpf oeq, %abs3A_862, %select_n3A_996 : vector<16xf32>
        %jit3A_1002 = arith.constant 7 : i32
        %broadcast_in_dim3A_1003 = vector.broadcast %jit3A_1002 : i32 to vector<16xi32>
        %select_n3A_1004 = arith.select %eq3A_1001, %broadcast_in_dim3A_1003, %broadcast_in_dim3A_998 : vector<16xi1>, vector<16xi32>
        %select_n3A_1005 = arith.select %eq3A_1001, %select_n3A_926, %broadcast_in_dim3A_1000 : vector<16xi1>, vector<16xf32>
        %eq3A_1006 = arith.cmpf oeq, %abs3A_861, %select_n3A_996 : vector<16xf32>
        %jit3A_1007 = arith.constant 6 : i32
        %broadcast_in_dim3A_1008 = vector.broadcast %jit3A_1007 : i32 to vector<16xi32>
        %select_n3A_1009 = arith.select %eq3A_1006, %broadcast_in_dim3A_1008, %select_n3A_1004 : vector<16xi1>, vector<16xi32>
        %select_n3A_1010 = arith.select %eq3A_1006, %select_n3A_921, %select_n3A_1005 : vector<16xi1>, vector<16xf32>
        %eq3A_1011 = arith.cmpf oeq, %abs3A_860, %select_n3A_996 : vector<16xf32>
        %jit3A_1012 = arith.constant 5 : i32
        %broadcast_in_dim3A_1013 = vector.broadcast %jit3A_1012 : i32 to vector<16xi32>
        %select_n3A_1014 = arith.select %eq3A_1011, %broadcast_in_dim3A_1013, %select_n3A_1009 : vector<16xi1>, vector<16xi32>
        %select_n3A_1015 = arith.select %eq3A_1011, %select_n3A_916, %select_n3A_1010 : vector<16xi1>, vector<16xf32>
        %eq3A_1016 = arith.cmpf oeq, %abs3A_859, %select_n3A_996 : vector<16xf32>
        %jit3A_1017 = arith.constant 4 : i32
        %broadcast_in_dim3A_1018 = vector.broadcast %jit3A_1017 : i32 to vector<16xi32>
        %select_n3A_1019 = arith.select %eq3A_1016, %broadcast_in_dim3A_1018, %select_n3A_1014 : vector<16xi1>, vector<16xi32>
        %select_n3A_1020 = arith.select %eq3A_1016, %select_n3A_911, %select_n3A_1015 : vector<16xi1>, vector<16xf32>
        %eq3A_1021 = arith.cmpf oeq, %abs3A_858, %select_n3A_996 : vector<16xf32>
        %jit3A_1022 = arith.constant 3 : i32
        %broadcast_in_dim3A_1023 = vector.broadcast %jit3A_1022 : i32 to vector<16xi32>
        %select_n3A_1024 = arith.select %eq3A_1021, %broadcast_in_dim3A_1023, %select_n3A_1019 : vector<16xi1>, vector<16xi32>
        %select_n3A_1025 = arith.select %eq3A_1021, %select_n3A_906, %select_n3A_1020 : vector<16xi1>, vector<16xf32>
        %eq3A_1026 = arith.cmpf oeq, %abs3A_857, %select_n3A_996 : vector<16xf32>
        %jit3A_1027 = arith.constant 2 : i32
        %broadcast_in_dim3A_1028 = vector.broadcast %jit3A_1027 : i32 to vector<16xi32>
        %select_n3A_1029 = arith.select %eq3A_1026, %broadcast_in_dim3A_1028, %select_n3A_1024 : vector<16xi1>, vector<16xi32>
        %select_n3A_1030 = arith.select %eq3A_1026, %select_n3A_901, %select_n3A_1025 : vector<16xi1>, vector<16xf32>
        %eq3A_1031 = arith.cmpf oeq, %abs3A_856, %select_n3A_996 : vector<16xf32>
        %jit3A_1032 = arith.constant 1 : i32
        %broadcast_in_dim3A_1033 = vector.broadcast %jit3A_1032 : i32 to vector<16xi32>
        %select_n3A_1034 = arith.select %eq3A_1031, %broadcast_in_dim3A_1033, %select_n3A_1029 : vector<16xi1>, vector<16xi32>
        %select_n3A_1035 = arith.select %eq3A_1031, %select_n3A_896, %select_n3A_1030 : vector<16xi1>, vector<16xf32>
        %eq3A_1036 = arith.cmpf oeq, %abs3A_855, %select_n3A_996 : vector<16xf32>
        %jit3A_1037 = arith.constant 0 : i32
        %broadcast_in_dim3A_1038 = vector.broadcast %jit3A_1037 : i32 to vector<16xi32>
        %select_n3A_1039 = arith.select %eq3A_1036, %broadcast_in_dim3A_1038, %select_n3A_1034 : vector<16xi1>, vector<16xi32>
        %select_n3A_1040 = arith.select %eq3A_1036, %select_n3A_891, %select_n3A_1035 : vector<16xi1>, vector<16xf32>
        %neg3A_1041 = arith.constant 0.000000e+00 : f32
        %neg3A_1042 = vector.broadcast %neg3A_1041 : f32 to vector<16xf32>
        %neg3A_1043 = arith.subf %neg3A_1042, %select_n3A_1040 : vector<16xf32>
        %select_n3A_1044 = arith.select %lt3A_995, %neg3A_1043, %select_n3A_1040 : vector<16xi1>, vector<16xf32>
        %select_n3A_1045 = arith.select %lt3A_995, %xor3A_972, %eq3A_964 : vector<16xi1>, vector<16xi1>
        %jit3A_1046 = arith.constant 0.000000e+00 : f32
        %broadcast_in_dim3A_1047 = vector.broadcast %jit3A_1046 : f32 to vector<16xf32>
        %select_n3A_1048 = arith.select %select_n3A_1045, %select_n3A_1044, %broadcast_in_dim3A_1047 : vector<16xi1>, vector<16xf32>
        %jit3A_1049 = arith.constant 5.000000e-01 : f32
        %jit3A_1050 = arith.constant 0.000000e+00 : f32
        %broadcast_in_dim3A_1051 = vector.broadcast %jit3A_1049 : f32 to vector<16xf32>
        %broadcast_in_dim3A_1052 = vector.broadcast %jit3A_1050 : f32 to vector<16xf32>
        %select_n3A_1053 = arith.select %lt3A_995, %broadcast_in_dim3A_1051, %broadcast_in_dim3A_1052 : vector<16xi1>, vector<16xf32>
        %mul3A_1054 = arith.mulf %select_n3A_1053, %select_n3A_891 : vector<16xf32>
        %add3A_1055 = arith.addf %sub3A_804, %mul3A_1054 : vector<16xf32>
        %mul3A_1056 = arith.mulf %select_n3A_1053, %select_n3A_896 : vector<16xf32>
        %add3A_1057 = arith.addf %sub3A_810, %mul3A_1056 : vector<16xf32>
        %mul3A_1058 = arith.mulf %select_n3A_1053, %select_n3A_901 : vector<16xf32>
        %add3A_1059 = arith.addf %sub3A_816, %mul3A_1058 : vector<16xf32>
        %mul3A_1060 = arith.mulf %select_n3A_1053, %select_n3A_906 : vector<16xf32>
        %add3A_1061 = arith.addf %sub3A_822, %mul3A_1060 : vector<16xf32>
        %mul3A_1062 = arith.mulf %select_n3A_1053, %select_n3A_911 : vector<16xf32>
        %add3A_1063 = arith.addf %sub3A_828, %mul3A_1062 : vector<16xf32>
        %mul3A_1064 = arith.mulf %select_n3A_1053, %select_n3A_916 : vector<16xf32>
        %add3A_1065 = arith.addf %sub3A_834, %mul3A_1064 : vector<16xf32>
        %mul3A_1066 = arith.mulf %select_n3A_1053, %select_n3A_921 : vector<16xf32>
        %add3A_1067 = arith.addf %sub3A_840, %mul3A_1066 : vector<16xf32>
        %mul3A_1068 = arith.mulf %select_n3A_1053, %select_n3A_926 : vector<16xf32>
        %add3A_1069 = arith.addf %sub3A_846, %mul3A_1068 : vector<16xf32>
        %swap3A_1070 = arith.constant 0 : i32
        %swap3A_1071 = arith.index_cast %swap3A_1070 : i32 to index
        %swap3A_1072 = arith.index_cast %add3A_766 : i32 to index
        %swap3A_1073 = tpu.vector_load %arg7[%swap3A_1071, %swap3A_1072] {strides = array<i32>} : memref<8x2048xf32, #tpu.memory_space<vmem>>, vector<16xf32>,
        tpu.vector_store %arg7[%swap3A_1071, %swap3A_1072], %add3A_1055 {strides = array<i32>} : memref<8x2048xf32, #tpu.memory_space<vmem>>, vector<16xf32>,
        %swap3A_1074 = arith.constant 1 : i32
        %swap3A_1075 = arith.index_cast %swap3A_1074 : i32 to index
        %swap3A_1076 = arith.index_cast %add3A_766 : i32 to index
        %swap3A_1077 = tpu.vector_load %arg7[%swap3A_1075, %swap3A_1076] {strides = array<i32>} : memref<8x2048xf32, #tpu.memory_space<vmem>>, vector<16xf32>,
        tpu.vector_store %arg7[%swap3A_1075, %swap3A_1076], %add3A_1057 {strides = array<i32>} : memref<8x2048xf32, #tpu.memory_space<vmem>>, vector<16xf32>,
        %swap3A_1078 = arith.constant 2 : i32
        %swap3A_1079 = arith.index_cast %swap3A_1078 : i32 to index
        %swap3A_1080 = arith.index_cast %add3A_766 : i32 to index
        %swap3A_1081 = tpu.vector_load %arg7[%swap3A_1079, %swap3A_1080] {strides = array<i32>} : memref<8x2048xf32, #tpu.memory_space<vmem>>, vector<16xf32>,
        tpu.vector_store %arg7[%swap3A_1079, %swap3A_1080], %add3A_1059 {strides = array<i32>} : memref<8x2048xf32, #tpu.memory_space<vmem>>, vector<16xf32>,
        %swap3A_1082 = arith.constant 3 : i32
        %swap3A_1083 = arith.index_cast %swap3A_1082 : i32 to index
        %swap3A_1084 = arith.index_cast %add3A_766 : i32 to index
        %swap3A_1085 = tpu.vector_load %arg7[%swap3A_1083, %swap3A_1084] {strides = array<i32>} : memref<8x2048xf32, #tpu.memory_space<vmem>>, vector<16xf32>,
        tpu.vector_store %arg7[%swap3A_1083, %swap3A_1084], %add3A_1061 {strides = array<i32>} : memref<8x2048xf32, #tpu.memory_space<vmem>>, vector<16xf32>,
        %swap3A_1086 = arith.constant 4 : i32
        %swap3A_1087 = arith.index_cast %swap3A_1086 : i32 to index
        %swap3A_1088 = arith.index_cast %add3A_766 : i32 to index
        %swap3A_1089 = tpu.vector_load %arg7[%swap3A_1087, %swap3A_1088] {strides = array<i32>} : memref<8x2048xf32, #tpu.memory_space<vmem>>, vector<16xf32>,
        tpu.vector_store %arg7[%swap3A_1087, %swap3A_1088], %add3A_1063 {strides = array<i32>} : memref<8x2048xf32, #tpu.memory_space<vmem>>, vector<16xf32>,
        %swap3A_1090 = arith.constant 5 : i32
        %swap3A_1091 = arith.index_cast %swap3A_1090 : i32 to index
        %swap3A_1092 = arith.index_cast %add3A_766 : i32 to index
        %swap3A_1093 = tpu.vector_load %arg7[%swap3A_1091, %swap3A_1092] {strides = array<i32>} : memref<8x2048xf32, #tpu.memory_space<vmem>>, vector<16xf32>,
        tpu.vector_store %arg7[%swap3A_1091, %swap3A_1092], %add3A_1065 {strides = array<i32>} : memref<8x2048xf32, #tpu.memory_space<vmem>>, vector<16xf32>,
        %swap3A_1094 = arith.constant 6 : i32
        %swap3A_1095 = arith.index_cast %swap3A_1094 : i32 to index
        %swap3A_1096 = arith.index_cast %add3A_766 : i32 to index
        %swap3A_1097 = tpu.vector_load %arg7[%swap3A_1095, %swap3A_1096] {strides = array<i32>} : memref<8x2048xf32, #tpu.memory_space<vmem>>, vector<16xf32>,
        tpu.vector_store %arg7[%swap3A_1095, %swap3A_1096], %add3A_1067 {strides = array<i32>} : memref<8x2048xf32, #tpu.memory_space<vmem>>, vector<16xf32>,
        %swap3A_1098 = arith.constant 7 : i32
        %swap3A_1099 = arith.index_cast %swap3A_1098 : i32 to index
        %swap3A_1100 = arith.index_cast %add3A_766 : i32 to index
        %swap3A_1101 = tpu.vector_load %arg7[%swap3A_1099, %swap3A_1100] {strides = array<i32>} : memref<8x2048xf32, #tpu.memory_space<vmem>>, vector<16xf32>,
        tpu.vector_store %arg7[%swap3A_1099, %swap3A_1100], %add3A_1069 {strides = array<i32>} : memref<8x2048xf32, #tpu.memory_space<vmem>>, vector<16xf32>,
        %add3A_1102 = vector.broadcast %add3A_766 : i32 to vector<16xi32>
        %add3A_1103 = arith.addi %iota3A_80, %add3A_1102 : vector<16xi32>
        tpu.vector_store_idx %arg7[%select_n3A_1039, %add3A_1103], %select_n3A_1048 {add = true} : memref<8x2048xf32, #tpu.memory_space<vmem>>[vector<16xi32>, vector<16xi32>], vector<16xf32>,
        %mul3A_1104 = arith.constant 64 : i32
        %mul3A_1105 = arith.muli %scan3A_94, %mul3A_1104 : i32
        %add3A_1106 = arith.constant 48 : i32
        %add3A_1107 = arith.addi %mul3A_1105, %add3A_1106 : i32
        %get3A_1108 = arith.constant 0 : i32
        %get3A_1109 = arith.index_cast %get3A_1108 : i32 to index
        %get3A_1110 = arith.index_cast %add3A_1107 : i32 to index
        %get3A_1111 = tpu.vector_load %arg5[%get3A_1109, %get3A_1110] {strides = array<i32>} : memref<8x2048xf32, #tpu.memory_space<vmem>>, vector<16xf32>,
        %get3A_1112 = arith.constant 1 : i32
        %get3A_1113 = arith.index_cast %get3A_1112 : i32 to index
        %get3A_1114 = arith.index_cast %add3A_1107 : i32 to index
        %get3A_1115 = tpu.vector_load %arg5[%get3A_1113, %get3A_1114] {strides = array<i32>} : memref<8x2048xf32, #tpu.memory_space<vmem>>, vector<16xf32>,
        %get3A_1116 = arith.constant 2 : i32
        %get3A_1117 = arith.index_cast %get3A_1116 : i32 to index
        %get3A_1118 = arith.index_cast %add3A_1107 : i32 to index
        %get3A_1119 = tpu.vector_load %arg5[%get3A_1117, %get3A_1118] {strides = array<i32>} : memref<8x2048xf32, #tpu.memory_space<vmem>>, vector<16xf32>,
        %get3A_1120 = arith.constant 3 : i32
        %get3A_1121 = arith.index_cast %get3A_1120 : i32 to index
        %get3A_1122 = arith.index_cast %add3A_1107 : i32 to index
        %get3A_1123 = tpu.vector_load %arg5[%get3A_1121, %get3A_1122] {strides = array<i32>} : memref<8x2048xf32, #tpu.memory_space<vmem>>, vector<16xf32>,
        %get3A_1124 = arith.constant 4 : i32
        %get3A_1125 = arith.index_cast %get3A_1124 : i32 to index
        %get3A_1126 = arith.index_cast %add3A_1107 : i32 to index
        %get3A_1127 = tpu.vector_load %arg5[%get3A_1125, %get3A_1126] {strides = array<i32>} : memref<8x2048xf32, #tpu.memory_space<vmem>>, vector<16xf32>,
        %get3A_1128 = arith.constant 5 : i32
        %get3A_1129 = arith.index_cast %get3A_1128 : i32 to index
        %get3A_1130 = arith.index_cast %add3A_1107 : i32 to index
        %get3A_1131 = tpu.vector_load %arg5[%get3A_1129, %get3A_1130] {strides = array<i32>} : memref<8x2048xf32, #tpu.memory_space<vmem>>, vector<16xf32>,
        %get3A_1132 = arith.constant 6 : i32
        %get3A_1133 = arith.index_cast %get3A_1132 : i32 to index
        %get3A_1134 = arith.index_cast %add3A_1107 : i32 to index
        %get3A_1135 = tpu.vector_load %arg5[%get3A_1133, %get3A_1134] {strides = array<i32>} : memref<8x2048xf32, #tpu.memory_space<vmem>>, vector<16xf32>,
        %get3A_1136 = arith.constant 7 : i32
        %get3A_1137 = arith.index_cast %get3A_1136 : i32 to index
        %get3A_1138 = arith.index_cast %add3A_1107 : i32 to index
        %get3A_1139 = tpu.vector_load %arg5[%get3A_1137, %get3A_1138] {strides = array<i32>} : memref<8x2048xf32, #tpu.memory_space<vmem>>, vector<16xf32>,
        %add3A_1140 = arith.constant 0x4B400000 : f32
        %add3A_1141 = vector.broadcast %add3A_1140 : f32 to vector<16xf32>
        %add3A_1142 = arith.addf %get3A_1111, %add3A_1141 : vector<16xf32>
        %sub3A_1143 = arith.constant 0x4B400000 : f32
        %sub3A_1144 = vector.broadcast %sub3A_1143 : f32 to vector<16xf32>
        %sub3A_1145 = arith.subf %add3A_1142, %sub3A_1144 : vector<16xf32>
        %add3A_1146 = arith.constant 0x4B400000 : f32
        %add3A_1147 = vector.broadcast %add3A_1146 : f32 to vector<16xf32>
        %add3A_1148 = arith.addf %get3A_1115, %add3A_1147 : vector<16xf32>
        %sub3A_1149 = arith.constant 0x4B400000 : f32
        %sub3A_1150 = vector.broadcast %sub3A_1149 : f32 to vector<16xf32>
        %sub3A_1151 = arith.subf %add3A_1148, %sub3A_1150 : vector<16xf32>
        %add3A_1152 = arith.constant 0x4B400000 : f32
        %add3A_1153 = vector.broadcast %add3A_1152 : f32 to vector<16xf32>
        %add3A_1154 = arith.addf %get3A_1119, %add3A_1153 : vector<16xf32>
        %sub3A_1155 = arith.constant 0x4B400000 : f32
        %sub3A_1156 = vector.broadcast %sub3A_1155 : f32 to vector<16xf32>
        %sub3A_1157 = arith.subf %add3A_1154, %sub3A_1156 : vector<16xf32>
        %add3A_1158 = arith.constant 0x4B400000 : f32
        %add3A_1159 = vector.broadcast %add3A_1158 : f32 to vector<16xf32>
        %add3A_1160 = arith.addf %get3A_1123, %add3A_1159 : vector<16xf32>
        %sub3A_1161 = arith.constant 0x4B400000 : f32
        %sub3A_1162 = vector.broadcast %sub3A_1161 : f32 to vector<16xf32>
        %sub3A_1163 = arith.subf %add3A_1160, %sub3A_1162 : vector<16xf32>
        %add3A_1164 = arith.constant 0x4B400000 : f32
        %add3A_1165 = vector.broadcast %add3A_1164 : f32 to vector<16xf32>
        %add3A_1166 = arith.addf %get3A_1127, %add3A_1165 : vector<16xf32>
        %sub3A_1167 = arith.constant 0x4B400000 : f32
        %sub3A_1168 = vector.broadcast %sub3A_1167 : f32 to vector<16xf32>
        %sub3A_1169 = arith.subf %add3A_1166, %sub3A_1168 : vector<16xf32>
        %add3A_1170 = arith.constant 0x4B400000 : f32
        %add3A_1171 = vector.broadcast %add3A_1170 : f32 to vector<16xf32>
        %add3A_1172 = arith.addf %get3A_1131, %add3A_1171 : vector<16xf32>
        %sub3A_1173 = arith.constant 0x4B400000 : f32
        %sub3A_1174 = vector.broadcast %sub3A_1173 : f32 to vector<16xf32>
        %sub3A_1175 = arith.subf %add3A_1172, %sub3A_1174 : vector<16xf32>
        %add3A_1176 = arith.constant 0x4B400000 : f32
        %add3A_1177 = vector.broadcast %add3A_1176 : f32 to vector<16xf32>
        %add3A_1178 = arith.addf %get3A_1135, %add3A_1177 : vector<16xf32>
        %sub3A_1179 = arith.constant 0x4B400000 : f32
        %sub3A_1180 = vector.broadcast %sub3A_1179 : f32 to vector<16xf32>
        %sub3A_1181 = arith.subf %add3A_1178, %sub3A_1180 : vector<16xf32>
        %add3A_1182 = arith.constant 0x4B400000 : f32
        %add3A_1183 = vector.broadcast %add3A_1182 : f32 to vector<16xf32>
        %add3A_1184 = arith.addf %get3A_1139, %add3A_1183 : vector<16xf32>
        %sub3A_1185 = arith.constant 0x4B400000 : f32
        %sub3A_1186 = vector.broadcast %sub3A_1185 : f32 to vector<16xf32>
        %sub3A_1187 = arith.subf %add3A_1184, %sub3A_1186 : vector<16xf32>
        %sub3A_1188 = arith.subf %get3A_1111, %sub3A_1145 : vector<16xf32>
        %sub3A_1189 = arith.subf %get3A_1115, %sub3A_1151 : vector<16xf32>
        %sub3A_1190 = arith.subf %get3A_1119, %sub3A_1157 : vector<16xf32>
        %sub3A_1191 = arith.subf %get3A_1123, %sub3A_1163 : vector<16xf32>
        %sub3A_1192 = arith.subf %get3A_1127, %sub3A_1169 : vector<16xf32>
        %sub3A_1193 = arith.subf %get3A_1131, %sub3A_1175 : vector<16xf32>
        %sub3A_1194 = arith.subf %get3A_1135, %sub3A_1181 : vector<16xf32>
        %sub3A_1195 = arith.subf %get3A_1139, %sub3A_1187 : vector<16xf32>
        %abs3A_1196 = math.absf %sub3A_1188 : vector<16xf32>
        %abs3A_1197 = math.absf %sub3A_1189 : vector<16xf32>
        %abs3A_1198 = math.absf %sub3A_1190 : vector<16xf32>
        %abs3A_1199 = math.absf %sub3A_1191 : vector<16xf32>
        %abs3A_1200 = math.absf %sub3A_1192 : vector<16xf32>
        %abs3A_1201 = math.absf %sub3A_1193 : vector<16xf32>
        %abs3A_1202 = math.absf %sub3A_1194 : vector<16xf32>
        %abs3A_1203 = math.absf %sub3A_1195 : vector<16xf32>
        %lt3A_1204 = arith.constant 0.000000e+00 : f32
        %lt3A_1205 = vector.broadcast %lt3A_1204 : f32 to vector<16xf32>
        %lt3A_1206 = arith.cmpf olt, %sub3A_1188, %lt3A_1205 : vector<16xf32>
        %lt3A_1207 = arith.constant 0.000000e+00 : f32
        %lt3A_1208 = vector.broadcast %lt3A_1207 : f32 to vector<16xf32>
        %lt3A_1209 = arith.cmpf olt, %sub3A_1189, %lt3A_1208 : vector<16xf32>
        %lt3A_1210 = arith.constant 0.000000e+00 : f32
        %lt3A_1211 = vector.broadcast %lt3A_1210 : f32 to vector<16xf32>
        %lt3A_1212 = arith.cmpf olt, %sub3A_1190, %lt3A_1211 : vector<16xf32>
        %lt3A_1213 = arith.constant 0.000000e+00 : f32
        %lt3A_1214 = vector.broadcast %lt3A_1213 : f32 to vector<16xf32>
        %lt3A_1215 = arith.cmpf olt, %sub3A_1191, %lt3A_1214 : vector<16xf32>
        %lt3A_1216 = arith.constant 0.000000e+00 : f32
        %lt3A_1217 = vector.broadcast %lt3A_1216 : f32 to vector<16xf32>
        %lt3A_1218 = arith.cmpf olt, %sub3A_1192, %lt3A_1217 : vector<16xf32>
        %lt3A_1219 = arith.constant 0.000000e+00 : f32
        %lt3A_1220 = vector.broadcast %lt3A_1219 : f32 to vector<16xf32>
        %lt3A_1221 = arith.cmpf olt, %sub3A_1193, %lt3A_1220 : vector<16xf32>
        %lt3A_1222 = arith.constant 0.000000e+00 : f32
        %lt3A_1223 = vector.broadcast %lt3A_1222 : f32 to vector<16xf32>
        %lt3A_1224 = arith.cmpf olt, %sub3A_1194, %lt3A_1223 : vector<16xf32>
        %lt3A_1225 = arith.constant 0.000000e+00 : f32
        %lt3A_1226 = vector.broadcast %lt3A_1225 : f32 to vector<16xf32>
        %lt3A_1227 = arith.cmpf olt, %sub3A_1195, %lt3A_1226 : vector<16xf32>
        %jit3A_1228 = arith.constant -1.000000e+00 : f32
        %jit3A_1229 = arith.constant 1.000000e+00 : f32
        %broadcast_in_dim3A_1230 = vector.broadcast %jit3A_1228 : f32 to vector<16xf32>
        %broadcast_in_dim3A_1231 = vector.broadcast %jit3A_1229 : f32 to vector<16xf32>
        %select_n3A_1232 = arith.select %lt3A_1206, %broadcast_in_dim3A_1230, %broadcast_in_dim3A_1231 : vector<16xi1>, vector<16xf32>
        %jit3A_1233 = arith.constant -1.000000e+00 : f32
        %jit3A_1234 = arith.constant 1.000000e+00 : f32
        %broadcast_in_dim3A_1235 = vector.broadcast %jit3A_1233 : f32 to vector<16xf32>
        %broadcast_in_dim3A_1236 = vector.broadcast %jit3A_1234 : f32 to vector<16xf32>
        %select_n3A_1237 = arith.select %lt3A_1209, %broadcast_in_dim3A_1235, %broadcast_in_dim3A_1236 : vector<16xi1>, vector<16xf32>
        %jit3A_1238 = arith.constant -1.000000e+00 : f32
        %jit3A_1239 = arith.constant 1.000000e+00 : f32
        %broadcast_in_dim3A_1240 = vector.broadcast %jit3A_1238 : f32 to vector<16xf32>
        %broadcast_in_dim3A_1241 = vector.broadcast %jit3A_1239 : f32 to vector<16xf32>
        %select_n3A_1242 = arith.select %lt3A_1212, %broadcast_in_dim3A_1240, %broadcast_in_dim3A_1241 : vector<16xi1>, vector<16xf32>
        %jit3A_1243 = arith.constant -1.000000e+00 : f32
        %jit3A_1244 = arith.constant 1.000000e+00 : f32
        %broadcast_in_dim3A_1245 = vector.broadcast %jit3A_1243 : f32 to vector<16xf32>
        %broadcast_in_dim3A_1246 = vector.broadcast %jit3A_1244 : f32 to vector<16xf32>
        %select_n3A_1247 = arith.select %lt3A_1215, %broadcast_in_dim3A_1245, %broadcast_in_dim3A_1246 : vector<16xi1>, vector<16xf32>
        %jit3A_1248 = arith.constant -1.000000e+00 : f32
        %jit3A_1249 = arith.constant 1.000000e+00 : f32
        %broadcast_in_dim3A_1250 = vector.broadcast %jit3A_1248 : f32 to vector<16xf32>
        %broadcast_in_dim3A_1251 = vector.broadcast %jit3A_1249 : f32 to vector<16xf32>
        %select_n3A_1252 = arith.select %lt3A_1218, %broadcast_in_dim3A_1250, %broadcast_in_dim3A_1251 : vector<16xi1>, vector<16xf32>
        %jit3A_1253 = arith.constant -1.000000e+00 : f32
        %jit3A_1254 = arith.constant 1.000000e+00 : f32
        %broadcast_in_dim3A_1255 = vector.broadcast %jit3A_1253 : f32 to vector<16xf32>
        %broadcast_in_dim3A_1256 = vector.broadcast %jit3A_1254 : f32 to vector<16xf32>
        %select_n3A_1257 = arith.select %lt3A_1221, %broadcast_in_dim3A_1255, %broadcast_in_dim3A_1256 : vector<16xi1>, vector<16xf32>
        %jit3A_1258 = arith.constant -1.000000e+00 : f32
        %jit3A_1259 = arith.constant 1.000000e+00 : f32
        %broadcast_in_dim3A_1260 = vector.broadcast %jit3A_1258 : f32 to vector<16xf32>
        %broadcast_in_dim3A_1261 = vector.broadcast %jit3A_1259 : f32 to vector<16xf32>
        %select_n3A_1262 = arith.select %lt3A_1224, %broadcast_in_dim3A_1260, %broadcast_in_dim3A_1261 : vector<16xi1>, vector<16xf32>
        %jit3A_1263 = arith.constant -1.000000e+00 : f32
        %jit3A_1264 = arith.constant 1.000000e+00 : f32
        %broadcast_in_dim3A_1265 = vector.broadcast %jit3A_1263 : f32 to vector<16xf32>
        %broadcast_in_dim3A_1266 = vector.broadcast %jit3A_1264 : f32 to vector<16xf32>
        %select_n3A_1267 = arith.select %lt3A_1227, %broadcast_in_dim3A_1265, %broadcast_in_dim3A_1266 : vector<16xi1>, vector<16xf32>
        %max3A_1268 = arith.maximumf %abs3A_1196, %abs3A_1197 : vector<16xf32>
        %max3A_1269 = arith.maximumf %abs3A_1198, %abs3A_1199 : vector<16xf32>
        %max3A_1270 = arith.maximumf %abs3A_1200, %abs3A_1201 : vector<16xf32>
        %max3A_1271 = arith.maximumf %abs3A_1202, %abs3A_1203 : vector<16xf32>
        %max3A_1272 = arith.maximumf %max3A_1268, %max3A_1269 : vector<16xf32>
        %max3A_1273 = arith.maximumf %max3A_1270, %max3A_1271 : vector<16xf32>
        %max3A_1274 = arith.maximumf %max3A_1272, %max3A_1273 : vector<16xf32>
        %min3A_1275 = arith.minimumf %abs3A_1196, %abs3A_1197 : vector<16xf32>
        %min3A_1276 = arith.minimumf %abs3A_1198, %abs3A_1199 : vector<16xf32>
        %min3A_1277 = arith.minimumf %abs3A_1200, %abs3A_1201 : vector<16xf32>
        %min3A_1278 = arith.minimumf %abs3A_1202, %abs3A_1203 : vector<16xf32>
        %min3A_1279 = arith.minimumf %min3A_1275, %min3A_1276 : vector<16xf32>
        %min3A_1280 = arith.minimumf %min3A_1277, %min3A_1278 : vector<16xf32>
        %min3A_1281 = arith.minimumf %min3A_1279, %min3A_1280 : vector<16xf32>
        %add3A_1282 = arith.addf %sub3A_1145, %sub3A_1151 : vector<16xf32>
        %add3A_1283 = arith.addf %sub3A_1157, %sub3A_1163 : vector<16xf32>
        %add3A_1284 = arith.addf %sub3A_1169, %sub3A_1175 : vector<16xf32>
        %add3A_1285 = arith.addf %sub3A_1181, %sub3A_1187 : vector<16xf32>
        %add3A_1286 = arith.addf %add3A_1282, %add3A_1283 : vector<16xf32>
        %add3A_1287 = arith.addf %add3A_1284, %add3A_1285 : vector<16xf32>
        %add3A_1288 = arith.addf %add3A_1286, %add3A_1287 : vector<16xf32>
        %add3A_1289 = arith.addf %abs3A_1196, %abs3A_1197 : vector<16xf32>
        %add3A_1290 = arith.addf %abs3A_1198, %abs3A_1199 : vector<16xf32>
        %add3A_1291 = arith.addf %abs3A_1200, %abs3A_1201 : vector<16xf32>
        %add3A_1292 = arith.addf %abs3A_1202, %abs3A_1203 : vector<16xf32>
        %add3A_1293 = arith.addf %add3A_1289, %add3A_1290 : vector<16xf32>
        %add3A_1294 = arith.addf %add3A_1291, %add3A_1292 : vector<16xf32>
        %add3A_1295 = arith.addf %add3A_1293, %add3A_1294 : vector<16xf32>
        %add3A_1296 = arith.constant 0x4B400000 : f32
        %add3A_1297 = vector.broadcast %add3A_1296 : f32 to vector<16xf32>
        %add3A_1298 = arith.addf %add3A_1288, %add3A_1297 : vector<16xf32>
        %bitcast_convert_type3A_1299 = tpu.bitcast %add3A_1298 : vector<16xf32> -> vector<16xi32>
        %and3A_1300 = arith.constant 1 : i32
        %and3A_1301 = vector.broadcast %and3A_1300 : i32 to vector<16xi32>
        %and3A_1302 = arith.andi %bitcast_convert_type3A_1299, %and3A_1301 : vector<16xi32>
        %eq3A_1303 = arith.constant 1 : i32
        %eq3A_1304 = vector.broadcast %eq3A_1303 : i32 to vector<16xi32>
        %eq3A_1305 = arith.cmpi eq, %and3A_1302, %eq3A_1304 : vector<16xi32>
        %xor3A_1306 = arith.xori %lt3A_1206, %lt3A_1209 : vector<16xi1>
        %xor3A_1307 = arith.xori %lt3A_1212, %lt3A_1215 : vector<16xi1>
        %xor3A_1308 = arith.xori %lt3A_1218, %lt3A_1221 : vector<16xi1>
        %xor3A_1309 = arith.xori %lt3A_1224, %lt3A_1227 : vector<16xi1>
        %xor3A_1310 = arith.xori %xor3A_1306, %xor3A_1307 : vector<16xi1>
        %xor3A_1311 = arith.xori %xor3A_1308, %xor3A_1309 : vector<16xi1>
        %xor3A_1312 = arith.xori %xor3A_1310, %xor3A_1311 : vector<16xi1>
        %xor3A_1313 = arith.xori %eq3A_1305, %xor3A_1312 : vector<16xi1>
        %mul3A_1314 = arith.constant 2.000000e+00 : f32
        %mul3A_1315 = vector.broadcast %mul3A_1314 : f32 to vector<16xf32>
        %mul3A_1316 = arith.mulf %mul3A_1315, %max3A_1274 : vector<16xf32>
        %sub3A_1317 = arith.constant 1.000000e+00 : f32
        %sub3A_1318 = vector.broadcast %sub3A_1317 : f32 to vector<16xf32>
        %sub3A_1319 = arith.subf %sub3A_1318, %mul3A_1316 : vector<16xf32>
        %jit3A_1320 = arith.constant 0.000000e+00 : f32
        %broadcast_in_dim3A_1321 = vector.broadcast %jit3A_1320 : f32 to vector<16xf32>
        %select_n3A_1322 = arith.select %eq3A_1305, %sub3A_1319, %broadcast_in_dim3A_1321 : vector<16xi1>, vector<16xf32>
        %mul3A_1323 = arith.constant 2.000000e+00 : f32
        %mul3A_1324 = vector.broadcast %mul3A_1323 : f32 to vector<16xf32>
        %mul3A_1325 = arith.mulf %mul3A_1324, %min3A_1281 : vector<16xf32>
        %jit3A_1326 = arith.constant 0.000000e+00 : f32
        %broadcast_in_dim3A_1327 = vector.broadcast %jit3A_1326 : f32 to vector<16xf32>
        %select_n3A_1328 = arith.select %xor3A_1313, %mul3A_1325, %broadcast_in_dim3A_1327 : vector<16xi1>, vector<16xf32>
        %sub3A_1329 = arith.constant 2.000000e+00 : f32
        %sub3A_1330 = vector.broadcast %sub3A_1329 : f32 to vector<16xf32>
        %sub3A_1331 = arith.subf %sub3A_1330, %add3A_1295 : vector<16xf32>
        %add3A_1332 = arith.addf %sub3A_1331, %select_n3A_1328 : vector<16xf32>
        %sub3A_1333 = arith.subf %add3A_1332, %select_n3A_1322 : vector<16xf32>
        %lt3A_1334 = arith.constant 0.000000e+00 : f32
        %lt3A_1335 = vector.broadcast %lt3A_1334 : f32 to vector<16xf32>
        %lt3A_1336 = arith.cmpf olt, %sub3A_1333, %lt3A_1335 : vector<16xf32>
        %select_n3A_1337 = arith.select %lt3A_1336, %min3A_1281, %max3A_1274 : vector<16xi1>, vector<16xf32>
        %broadcast_in_dim3A_1338 = arith.constant 0 : i32
        %broadcast_in_dim3A_1339 = vector.broadcast %broadcast_in_dim3A_1338 : i32 to vector<16xi32>
        %broadcast_in_dim3A_1340 = arith.constant 0.000000e+00 : f32
        %broadcast_in_dim3A_1341 = vector.broadcast %broadcast_in_dim3A_1340 : f32 to vector<16xf32>
        %eq3A_1342 = arith.cmpf oeq, %abs3A_1203, %select_n3A_1337 : vector<16xf32>
        %jit3A_1343 = arith.constant 7 : i32
        %broadcast_in_dim3A_1344 = vector.broadcast %jit3A_1343 : i32 to vector<16xi32>
        %select_n3A_1345 = arith.select %eq3A_1342, %broadcast_in_dim3A_1344, %broadcast_in_dim3A_1339 : vector<16xi1>, vector<16xi32>
        %select_n3A_1346 = arith.select %eq3A_1342, %select_n3A_1267, %broadcast_in_dim3A_1341 : vector<16xi1>, vector<16xf32>
        %eq3A_1347 = arith.cmpf oeq, %abs3A_1202, %select_n3A_1337 : vector<16xf32>
        %jit3A_1348 = arith.constant 6 : i32
        %broadcast_in_dim3A_1349 = vector.broadcast %jit3A_1348 : i32 to vector<16xi32>
        %select_n3A_1350 = arith.select %eq3A_1347, %broadcast_in_dim3A_1349, %select_n3A_1345 : vector<16xi1>, vector<16xi32>
        %select_n3A_1351 = arith.select %eq3A_1347, %select_n3A_1262, %select_n3A_1346 : vector<16xi1>, vector<16xf32>
        %eq3A_1352 = arith.cmpf oeq, %abs3A_1201, %select_n3A_1337 : vector<16xf32>
        %jit3A_1353 = arith.constant 5 : i32
        %broadcast_in_dim3A_1354 = vector.broadcast %jit3A_1353 : i32 to vector<16xi32>
        %select_n3A_1355 = arith.select %eq3A_1352, %broadcast_in_dim3A_1354, %select_n3A_1350 : vector<16xi1>, vector<16xi32>
        %select_n3A_1356 = arith.select %eq3A_1352, %select_n3A_1257, %select_n3A_1351 : vector<16xi1>, vector<16xf32>
        %eq3A_1357 = arith.cmpf oeq, %abs3A_1200, %select_n3A_1337 : vector<16xf32>
        %jit3A_1358 = arith.constant 4 : i32
        %broadcast_in_dim3A_1359 = vector.broadcast %jit3A_1358 : i32 to vector<16xi32>
        %select_n3A_1360 = arith.select %eq3A_1357, %broadcast_in_dim3A_1359, %select_n3A_1355 : vector<16xi1>, vector<16xi32>
        %select_n3A_1361 = arith.select %eq3A_1357, %select_n3A_1252, %select_n3A_1356 : vector<16xi1>, vector<16xf32>
        %eq3A_1362 = arith.cmpf oeq, %abs3A_1199, %select_n3A_1337 : vector<16xf32>
        %jit3A_1363 = arith.constant 3 : i32
        %broadcast_in_dim3A_1364 = vector.broadcast %jit3A_1363 : i32 to vector<16xi32>
        %select_n3A_1365 = arith.select %eq3A_1362, %broadcast_in_dim3A_1364, %select_n3A_1360 : vector<16xi1>, vector<16xi32>
        %select_n3A_1366 = arith.select %eq3A_1362, %select_n3A_1247, %select_n3A_1361 : vector<16xi1>, vector<16xf32>
        %eq3A_1367 = arith.cmpf oeq, %abs3A_1198, %select_n3A_1337 : vector<16xf32>
        %jit3A_1368 = arith.constant 2 : i32
        %broadcast_in_dim3A_1369 = vector.broadcast %jit3A_1368 : i32 to vector<16xi32>
        %select_n3A_1370 = arith.select %eq3A_1367, %broadcast_in_dim3A_1369, %select_n3A_1365 : vector<16xi1>, vector<16xi32>
        %select_n3A_1371 = arith.select %eq3A_1367, %select_n3A_1242, %select_n3A_1366 : vector<16xi1>, vector<16xf32>
        %eq3A_1372 = arith.cmpf oeq, %abs3A_1197, %select_n3A_1337 : vector<16xf32>
        %jit3A_1373 = arith.constant 1 : i32
        %broadcast_in_dim3A_1374 = vector.broadcast %jit3A_1373 : i32 to vector<16xi32>
        %select_n3A_1375 = arith.select %eq3A_1372, %broadcast_in_dim3A_1374, %select_n3A_1370 : vector<16xi1>, vector<16xi32>
        %select_n3A_1376 = arith.select %eq3A_1372, %select_n3A_1237, %select_n3A_1371 : vector<16xi1>, vector<16xf32>
        %eq3A_1377 = arith.cmpf oeq, %abs3A_1196, %select_n3A_1337 : vector<16xf32>
        %jit3A_1378 = arith.constant 0 : i32
        %broadcast_in_dim3A_1379 = vector.broadcast %jit3A_1378 : i32 to vector<16xi32>
        %select_n3A_1380 = arith.select %eq3A_1377, %broadcast_in_dim3A_1379, %select_n3A_1375 : vector<16xi1>, vector<16xi32>
        %select_n3A_1381 = arith.select %eq3A_1377, %select_n3A_1232, %select_n3A_1376 : vector<16xi1>, vector<16xf32>
        %neg3A_1382 = arith.constant 0.000000e+00 : f32
        %neg3A_1383 = vector.broadcast %neg3A_1382 : f32 to vector<16xf32>
        %neg3A_1384 = arith.subf %neg3A_1383, %select_n3A_1381 : vector<16xf32>
        %select_n3A_1385 = arith.select %lt3A_1336, %neg3A_1384, %select_n3A_1381 : vector<16xi1>, vector<16xf32>
        %select_n3A_1386 = arith.select %lt3A_1336, %xor3A_1313, %eq3A_1305 : vector<16xi1>, vector<16xi1>
        %jit3A_1387 = arith.constant 0.000000e+00 : f32
        %broadcast_in_dim3A_1388 = vector.broadcast %jit3A_1387 : f32 to vector<16xf32>
        %select_n3A_1389 = arith.select %select_n3A_1386, %select_n3A_1385, %broadcast_in_dim3A_1388 : vector<16xi1>, vector<16xf32>
        %jit3A_1390 = arith.constant 5.000000e-01 : f32
        %jit3A_1391 = arith.constant 0.000000e+00 : f32
        %broadcast_in_dim3A_1392 = vector.broadcast %jit3A_1390 : f32 to vector<16xf32>
        %broadcast_in_dim3A_1393 = vector.broadcast %jit3A_1391 : f32 to vector<16xf32>
        %select_n3A_1394 = arith.select %lt3A_1336, %broadcast_in_dim3A_1392, %broadcast_in_dim3A_1393 : vector<16xi1>, vector<16xf32>
        %mul3A_1395 = arith.mulf %select_n3A_1394, %select_n3A_1232 : vector<16xf32>
        %add3A_1396 = arith.addf %sub3A_1145, %mul3A_1395 : vector<16xf32>
        %mul3A_1397 = arith.mulf %select_n3A_1394, %select_n3A_1237 : vector<16xf32>
        %add3A_1398 = arith.addf %sub3A_1151, %mul3A_1397 : vector<16xf32>
        %mul3A_1399 = arith.mulf %select_n3A_1394, %select_n3A_1242 : vector<16xf32>
        %add3A_1400 = arith.addf %sub3A_1157, %mul3A_1399 : vector<16xf32>
        %mul3A_1401 = arith.mulf %select_n3A_1394, %select_n3A_1247 : vector<16xf32>
        %add3A_1402 = arith.addf %sub3A_1163, %mul3A_1401 : vector<16xf32>
        %mul3A_1403 = arith.mulf %select_n3A_1394, %select_n3A_1252 : vector<16xf32>
        %add3A_1404 = arith.addf %sub3A_1169, %mul3A_1403 : vector<16xf32>
        %mul3A_1405 = arith.mulf %select_n3A_1394, %select_n3A_1257 : vector<16xf32>
        %add3A_1406 = arith.addf %sub3A_1175, %mul3A_1405 : vector<16xf32>
        %mul3A_1407 = arith.mulf %select_n3A_1394, %select_n3A_1262 : vector<16xf32>
        %add3A_1408 = arith.addf %sub3A_1181, %mul3A_1407 : vector<16xf32>
        %mul3A_1409 = arith.mulf %select_n3A_1394, %select_n3A_1267 : vector<16xf32>
        %add3A_1410 = arith.addf %sub3A_1187, %mul3A_1409 : vector<16xf32>
        %swap3A_1411 = arith.constant 0 : i32
        %swap3A_1412 = arith.index_cast %swap3A_1411 : i32 to index
        %swap3A_1413 = arith.index_cast %add3A_1107 : i32 to index
        %swap3A_1414 = tpu.vector_load %arg7[%swap3A_1412, %swap3A_1413] {strides = array<i32>} : memref<8x2048xf32, #tpu.memory_space<vmem>>, vector<16xf32>,
        tpu.vector_store %arg7[%swap3A_1412, %swap3A_1413], %add3A_1396 {strides = array<i32>} : memref<8x2048xf32, #tpu.memory_space<vmem>>, vector<16xf32>,
        %swap3A_1415 = arith.constant 1 : i32
        %swap3A_1416 = arith.index_cast %swap3A_1415 : i32 to index
        %swap3A_1417 = arith.index_cast %add3A_1107 : i32 to index
        %swap3A_1418 = tpu.vector_load %arg7[%swap3A_1416, %swap3A_1417] {strides = array<i32>} : memref<8x2048xf32, #tpu.memory_space<vmem>>, vector<16xf32>,
        tpu.vector_store %arg7[%swap3A_1416, %swap3A_1417], %add3A_1398 {strides = array<i32>} : memref<8x2048xf32, #tpu.memory_space<vmem>>, vector<16xf32>,
        %swap3A_1419 = arith.constant 2 : i32
        %swap3A_1420 = arith.index_cast %swap3A_1419 : i32 to index
        %swap3A_1421 = arith.index_cast %add3A_1107 : i32 to index
        %swap3A_1422 = tpu.vector_load %arg7[%swap3A_1420, %swap3A_1421] {strides = array<i32>} : memref<8x2048xf32, #tpu.memory_space<vmem>>, vector<16xf32>,
        tpu.vector_store %arg7[%swap3A_1420, %swap3A_1421], %add3A_1400 {strides = array<i32>} : memref<8x2048xf32, #tpu.memory_space<vmem>>, vector<16xf32>,
        %swap3A_1423 = arith.constant 3 : i32
        %swap3A_1424 = arith.index_cast %swap3A_1423 : i32 to index
        %swap3A_1425 = arith.index_cast %add3A_1107 : i32 to index
        %swap3A_1426 = tpu.vector_load %arg7[%swap3A_1424, %swap3A_1425] {strides = array<i32>} : memref<8x2048xf32, #tpu.memory_space<vmem>>, vector<16xf32>,
        tpu.vector_store %arg7[%swap3A_1424, %swap3A_1425], %add3A_1402 {strides = array<i32>} : memref<8x2048xf32, #tpu.memory_space<vmem>>, vector<16xf32>,
        %swap3A_1427 = arith.constant 4 : i32
        %swap3A_1428 = arith.index_cast %swap3A_1427 : i32 to index
        %swap3A_1429 = arith.index_cast %add3A_1107 : i32 to index
        %swap3A_1430 = tpu.vector_load %arg7[%swap3A_1428, %swap3A_1429] {strides = array<i32>} : memref<8x2048xf32, #tpu.memory_space<vmem>>, vector<16xf32>,
        tpu.vector_store %arg7[%swap3A_1428, %swap3A_1429], %add3A_1404 {strides = array<i32>} : memref<8x2048xf32, #tpu.memory_space<vmem>>, vector<16xf32>,
        %swap3A_1431 = arith.constant 5 : i32
        %swap3A_1432 = arith.index_cast %swap3A_1431 : i32 to index
        %swap3A_1433 = arith.index_cast %add3A_1107 : i32 to index
        %swap3A_1434 = tpu.vector_load %arg7[%swap3A_1432, %swap3A_1433] {strides = array<i32>} : memref<8x2048xf32, #tpu.memory_space<vmem>>, vector<16xf32>,
        tpu.vector_store %arg7[%swap3A_1432, %swap3A_1433], %add3A_1406 {strides = array<i32>} : memref<8x2048xf32, #tpu.memory_space<vmem>>, vector<16xf32>,
        %swap3A_1435 = arith.constant 6 : i32
        %swap3A_1436 = arith.index_cast %swap3A_1435 : i32 to index
        %swap3A_1437 = arith.index_cast %add3A_1107 : i32 to index
        %swap3A_1438 = tpu.vector_load %arg7[%swap3A_1436, %swap3A_1437] {strides = array<i32>} : memref<8x2048xf32, #tpu.memory_space<vmem>>, vector<16xf32>,
        tpu.vector_store %arg7[%swap3A_1436, %swap3A_1437], %add3A_1408 {strides = array<i32>} : memref<8x2048xf32, #tpu.memory_space<vmem>>, vector<16xf32>,
        %swap3A_1439 = arith.constant 7 : i32
        %swap3A_1440 = arith.index_cast %swap3A_1439 : i32 to index
        %swap3A_1441 = arith.index_cast %add3A_1107 : i32 to index
        %swap3A_1442 = tpu.vector_load %arg7[%swap3A_1440, %swap3A_1441] {strides = array<i32>} : memref<8x2048xf32, #tpu.memory_space<vmem>>, vector<16xf32>,
        tpu.vector_store %arg7[%swap3A_1440, %swap3A_1441], %add3A_1410 {strides = array<i32>} : memref<8x2048xf32, #tpu.memory_space<vmem>>, vector<16xf32>,
        %add3A_1443 = vector.broadcast %add3A_1107 : i32 to vector<16xi32>
        %add3A_1444 = arith.addi %iota3A_80, %add3A_1443 : vector<16xi32>
        tpu.vector_store_idx %arg7[%select_n3A_1380, %add3A_1444], %select_n3A_1389 {add = true} : memref<8x2048xf32, #tpu.memory_space<vmem>>[vector<16xi32>, vector<16xi32>], vector<16xf32>,
      }
      %scan3A_86 = arith.constant 32 : i32
      %mul3A_87 = arith.constant 2048 : i32
      %mul3A_88 = arith.muli %add3A_60, %mul3A_87 : i32
      %add3A_89 = arith.addi %mul3A_2, %mul3A_88 : i32
      %dma_start3A_90 = arith.constant 0 : i32
      %dma_start3A_91 = tpu.memref_slice %arg3[%dma_start3A_90, %add3A_89] : memref<8x2097152xf32, #tpu.memory_space<hbm>> -> memref<8x2048xf32, #tpu.memory_space<hbm>>
      %dma_start3A_92 = arith.constant 0 : i32
      %dma_start3A_93 = tpu.memref_slice %arg3[%dma_start3A_92, %add3A_89] : memref<8x2097152xf32, #tpu.memory_space<hbm>> -> memref<8x2048xf32, #tpu.memory_space<hbm>>
      tpu.enqueue_dma source(%arg7 : memref<8x2048xf32, #tpu.memory_space<vmem>>) target(%dma_start3A_93 : memref<8x2048xf32, #tpu.memory_space<hbm>>) target_semaphore(%arg11 : memref<!tpu.dma_semaphore, #tpu.memory_space<semaphore_mem>>)
    }
    %scan3A_12 = arith.constant 16 : i32
    %add3A_13 = arith.constant 61440 : i32
    %add3A_14 = arith.addi %mul3A_2, %add3A_13 : i32
    %dma_wait3A = arith.constant 0 : i32
    %dma_wait3A_15 = tpu.memref_slice %arg3[%dma_wait3A, %add3A_14] : memref<8x2097152xf32, #tpu.memory_space<hbm>> -> memref<8x2048xf32, #tpu.memory_space<hbm>>
    %dma_wait3A_16 = arith.constant 0 : i32
    %dma_wait3A_17 = tpu.memref_slice %arg3[%dma_wait3A_16, %add3A_14] : memref<8x2097152xf32, #tpu.memory_space<hbm>> -> memref<8x2048xf32, #tpu.memory_space<hbm>>
    tpu.wait_dma2 semaphore(%arg10 : memref<!tpu.dma_semaphore, #tpu.memory_space<semaphore_mem>>) src(%arg6 : memref<8x2048xf32, #tpu.memory_space<vmem>>) dst(%dma_wait3A_17 : memref<8x2048xf32, #tpu.memory_space<hbm>>)
    %add3A_18 = arith.constant 63488 : i32
    %add3A_19 = arith.addi %mul3A_2, %add3A_18 : i32
    %dma_wait3A_20 = arith.constant 0 : i32
    %dma_wait3A_21 = tpu.memref_slice %arg3[%dma_wait3A_20, %add3A_19] : memref<8x2097152xf32, #tpu.memory_space<hbm>> -> memref<8x2048xf32, #tpu.memory_space<hbm>>
    %dma_wait3A_22 = arith.constant 0 : i32
    %dma_wait3A_23 = tpu.memref_slice %arg3[%dma_wait3A_22, %add3A_19] : memref<8x2097152xf32, #tpu.memory_space<hbm>> -> memref<8x2048xf32, #tpu.memory_space<hbm>>
    tpu.wait_dma2 semaphore(%arg11 : memref<!tpu.dma_semaphore, #tpu.memory_space<semaphore_mem>>) src(%arg7 : memref<8x2048xf32, #tpu.memory_space<vmem>>) dst(%dma_wait3A_23 : memref<8x2048xf32, #tpu.memory_space<hbm>>)
    return
  }
}

</mosaic_0001>

<sc_bundles>
// kernel: _e8_quantize_t.3.cloned.1.call-start
scs
__scs_entry_jumppad:
0x0: {  	(pc) =	sbr.rel $0x88, $3  }
0x1: {  	(tag) =	ssettag $0x0;
	lr =	simm.s32 $0x1  }
0x2: {  	[smem:$0x3FA0] =	sst lr;
	_ =	strace $0xD0000000  }
0x3: {  	_ = 	snop  }
0x4: {  	_ = 	snop  }
0x5: {  	_ = 	snop  }
0x6: {  	_ = 	snop  }
0x7: {  	_ = 	snop  }
__scs_overlays_trampoline_lowered:
0x8: {  	[smem:$0x3FAF] =	sst s0  }
0x9: {  	[smem:$0x3FB0] =	sst s1  }
0xa: {  	[smem:$0x3FB1] =	sst s2  }
0xb: {  	[smem:$0x3FB2] =	sst s3  }
0xc: {  	[smem:$0x3FB3] =	sst s4  }
0xd: {  	[smem:$0x3FB4] =	sst s5  }
0xe: {  	[smem:$0x3FB5] =	sst s6  }
0xf: {  	[smem:$0x3FB6] =	sst s7  }
0x10: {  	[smem:$0x3FB7] =	sst s8  }
0x11: {  	[smem:$0x3FB8] =	sst s9;
	s0 =	simm.s32 @!p0 $0x0  }
0x12: {  	s1 =	sld [smem:$0x3F9E];
	s0 =	simm.s32 @p0 $0x1  }
0x13: {  	[smem:$0x3FB9] =	sst s0;
	s0 =	simm.s32 @!p1 $0x0  }
0x14: {  	s2 =	sld [smem:$0x3F9D];
	s0 =	simm.s32 @p1 $0x1  }
0x15: {  	[smem:$0x3FBA] =	sst s0;
	s0 =	simm.s32 @!p2 $0x0  }
0x16: {  	s3 =	sld [smem:$0x3FDB];
	s0 =	simm.s32 @p2 $0x1  }
0x17: {  	s4 =	simm.s32 $0x1BF5;
	[smem:$0x3FBC] =	sst s0  }
0x18: {  	s0 =	sld [smem:$0x3F9F];
	_ =	swait.ge [sflag:s4], $0x0  }
0x19: {  	s7 =	sld [smem:$0x3FA0]  }
0x1a: {  	s8 =	sadd.s32 $0xFFFFE003, lr  }
0x1b: {  	s9 =	sadd.s32 $0xFFFFFEF7, lr;
	s5 =	simm.s32 $0xFFFFFFFF;
	p2 =	slt.u32 s8, $0xFFFFF086  }
0x1c: {  	p1 =	slt.u32 s9, $0xF7A;
	s5 =	simm.s32 @!p2 $0x0  }
0x1d: {  	s5 =	simm.s32 @p1 $0x1;
	p0 =	seq.s32 s7, s2  }
0x1e: {  	s7 =	smul.u32 @!p0 $0xF7A, s2;
	p2 =	seq.s32 @!p0 s5, $0x0  }
0x1f: {  	s9 =	smul.u32 $0xF7A, s1;
	s8 =	simm.s32 @!p0 $0x1BF5;
	p2 =	por !p2, p0  }
0x20: {  	[sflag:s8] =	ssyncset.s32 @!p0 $0xFFFFF086;
	s6 =	sadd.s32 @!p0 s3, s7;
	s7 =	simm.s32 @!p0 $0x108  }
0x21: {  	s3 =	sadd.s32 s3, s9;
	s6 =	sadd.s32 @!p0 $0x88, s6;
	s7 =	simm.s32 @p2 $0x1082  }
0x22: {  	[simem:s7], [sflag:s8] =	dma.local @!p0 [hbm:s6], $0xF7A  }
0x23: {  	s9 =	sor.u32 $0xD0000000, s2;
	s6 =	simm.s32 $0x108;
	_ =	swait.ge @!p0 [sflag:s8], $0x0  }
0x24: {  	s3 =	sadd.s32 $0x88, s3;
	s6 =	simm.s32 @!p1 $0x1082;
	[sflag:s4] =	ssyncset.s32 $0xFFFFF086  }
0x25: {  	[simem:s6], [sflag:s4] =	dma.local [hbm:s3], $0xF7A  }
0x26: {  	[smem:$0x3FA0] =	sst s1;
	(tag) =	ssettag s2;
	_ =	strace s9  }
0x27: {  	s1 =	sld [smem:$0x3FB0]  }
0x28: {  	s2 =	sld [smem:$0x3FB1]  }
0x29: {  	s4 =	sld [smem:$0x3FB3]  }
0x2a: {  	p0 =	seq.s32 s5, $0x0;
	s5 =	sld [smem:$0x3FB4]  }
0x2b: {  	s6 =	sld [smem:$0x3FB5]  }
0x2c: {  	s7 =	sld [smem:$0x3FB6]  }
0x2d: {  	s3 =	simm.s32 $0x108;
	s8 =	sld [smem:$0x3FB7]  }
0x2e: {  	s3 =	simm.s32 @!p0 $0x1082;
	s9 =	sld [smem:$0x3FB8]  }
0x2f: {  	lr =	sadd.s32 s0, s3;
	s0 =	sld [smem:$0x3FAF]  }
0x30: {  	s3 =	sld [smem:$0x3FB2]  }
0x31: {  	[smem:$0x3FBB] =	sst s10  }
0x32: {  	s10 =	sld [smem:$0x3FB9];
	_ =	sdelay $0x3  }
0x33: {  	p0 =	seq.s32 s10, $0x1;
	s10 =	sld [smem:$0x3FBB];
	_ =	sdelay $0x3  }
0x34: {  	[smem:$0x3FBB] =	sst s10  }
0x35: {  	s10 =	sld [smem:$0x3FBA];
	_ =	sdelay $0x3  }
0x36: {  	p1 =	seq.s32 s10, $0x1;
	s10 =	sld [smem:$0x3FBB];
	_ =	sdelay $0x3  }
0x37: {  	[smem:$0x3FBB] =	sst s10  }
0x38: {  	s10 =	sld [smem:$0x3FBC]  }
0x39: {  	_ = 	snop;
	(pc) =	sbr.ind lr, $3  }
0x3a: {  	_ = 	snop  }
0x3b: {  	_ = 	snop  }
0x3c: {  	p2 =	seq.s32 s10, $0x1;
	s10 =	sld [smem:$0x3FBB]  }
0x3d: {  	_ =	shalt  }
0x3e: {  	_ =	shalt  }
0x3f: {  	_ =	shalt  }
0x40: {  	_ =	shalt  }
0x41: {  	_ =	shalt  }
0x42: {  	_ =	shalt  }
0x43: {  	_ =	shalt  }
0x44: {  	_ =	shalt  }
0x45: {  	_ =	shalt  }
0x46: {  	_ =	shalt  }
0x47: {  	_ =	shalt  }
0x48: {  	_ =	shalt  }
0x49: {  	_ =	shalt  }
0x4a: {  	_ =	shalt  }
0x4b: {  	_ =	shalt  }
0x4c: {  	_ =	shalt  }
0x4d: {  	_ =	shalt  }
0x4e: {  	_ =	shalt  }
0x4f: {  	_ =	shalt  }
0x50: {  	_ =	shalt  }
0x51: {  	_ =	shalt  }
0x52: {  	_ =	shalt  }
0x53: {  	_ =	shalt  }
0x54: {  	_ =	shalt  }
0x55: {  	_ =	shalt  }
0x56: {  	_ =	shalt  }
0x57: {  	_ =	shalt  }
0x58: {  	_ =	shalt  }
0x59: {  	_ =	shalt  }
0x5a: {  	_ =	shalt  }
0x5b: {  	_ =	shalt  }
0x5c: {  	_ =	shalt  }
0x5d: {  	_ =	shalt  }
0x5e: {  	_ =	shalt  }
0x5f: {  	_ =	shalt  }
0x60: {  	_ =	shalt  }
0x61: {  	_ =	shalt  }
0x62: {  	_ =	shalt  }
0x63: {  	_ =	shalt  }
0x64: {  	_ =	shalt  }
0x65: {  	_ =	shalt  }
0x66: {  	_ =	shalt  }
0x67: {  	_ =	shalt  }
0x68: {  	_ =	shalt  }
0x69: {  	_ =	shalt  }
0x6a: {  	_ =	shalt  }
0x6b: {  	_ =	shalt  }
0x6c: {  	_ =	shalt  }
0x6d: {  	_ =	shalt  }
0x6e: {  	_ =	shalt  }
0x6f: {  	_ =	shalt  }
0x70: {  	_ =	shalt  }
0x71: {  	_ =	shalt  }
0x72: {  	_ =	shalt  }
0x73: {  	_ =	shalt  }
0x74: {  	_ =	shalt  }
0x75: {  	_ =	shalt  }
0x76: {  	_ =	shalt  }
0x77: {  	_ =	shalt  }
0x78: {  	_ =	shalt  }
0x79: {  	_ =	shalt  }
0x7a: {  	_ =	shalt  }
0x7b: {  	_ =	shalt  }
0x7c: {  	_ =	shalt  }
0x7d: {  	_ =	shalt  }
0x7e: {  	_ =	shalt  }
0x7f: {  	_ =	shalt  }
0x80: {  	_ =	shalt  }
0x81: {  	_ =	shalt  }
0x82: {  	_ =	shalt  }
0x83: {  	_ =	shalt  }
0x84: {  	_ =	shalt  }
0x85: {  	_ =	shalt  }
0x86: {  	_ =	shalt  }
0x87: {  	_ =	shalt  }
.Lfunc_end0:
.L_simem_size_0:
called_computation_lowered:
.L_overlay_start_0:
0x88: {  	s2 =	sld [smem:$0x3FD9]  }
0x89: {  	s3 =	sld [smem:$0x3FFE];
	_ =	sdelay $0x1  }
0x8a: {  	s1 =	srdreg.scid  }
0x8b: {  	s0 =	sand.u32 $0x1, s1  }
0x8c: {  	s18 =	sshll.u32 s0, $0xA;
	s2 =	sadd.s32 s3, s2  }
0x8d: {  	s2 =	sadd.s32 s2, s18  }
0x8e: {  	[smem:$0x3FC7] =	sst s2  }
0x8f: {  	_ = 	snop  }
0x90: {  	s2 =	sld [smem:$0x3FC9]  }
0x91: {  	s19 =	sld [smem:$0x3FD0];
	(tm) =	ssettm $0x1  }
0x92: {  	s4 =	sld [smem:$0x3FFB];
	_ =	sdelay $0x3  }
0x93: {  	_ =	strace s4  }
0x94: {  	s4 =	sld [smem:$0x3FFC];
	_ =	sdelay $0x3  }
0x95: {  	_ =	strace s4  }
0x96: {  	s4 =	sld [smem:$0x3FFD];
	_ =	sdelay $0x3  }
0x97: {  	_ =	strace s4  }
0x98: {  	_ =	strace $0x8FFFFFFF  }
0x99: {  	s20 =	sld [smem:$0x3FDB];
	_ =	sdelay $0x1  }
0x9a: {  	s5 =	simm.s32 $_scs_section_size  }
0x9b: {  	s6 =	simm.s32 $_size__tile_overlayer_lowered;
	s7 =	simm.s32 $_tile_overlayer_lowered  }
0x9c: {  	s23 =	simm.s32 $0x1BFF;
	s22 =	sshll.u32 s7, $0x1;
	s4 =	sadd.s32 s5, s20  }
0x9d: {  	s8 =	simm.s32 $0x0;
	s21 =	sshll.u32 s6, $0x1;
	s6 =	sadd.s32 s22, s4  }
0x9e: {  	[timem:s8], [sflag:s23] =	dma.local [hbm:s6], s21  }
0x9f: {  	_ =	swait.ge [sflag:s23], s21  }
0xa0: {  	s5 =	ssub.s32 $0x0, s21;
	[sflag:s23] =	ssyncset.done $0x0  }
0xa1: {  	[sflag:s23] =	ssyncadd.s32 s5;
	_ =	sdelay $0x1  }
0xa2: {  	s24 =	simm.s32 $0x1B8B  }
0xa3: {  	_ =	swait.ge [sflag:s24], $0x1  }
0xa4: {  	[sflag:s24] =	ssyncset.done $0x0  }
0xa5: {  	s25 =	simm.s32 $0x1B8E;
	[sflag:s24] =	ssyncadd.s32 $0xFFFFFFFF  }
0xa6: {  	s26 =	simm.s32 $execute0_lowered;
	[smem:$0x3FD2] =	sst s25  }
0xa7: {  	s5 =	sshll.u32 s26, $0x1;
	_ =	strace $0x80000046;
	[dreg:$0x1] =	wrdreg $0xFFFFFFFF  }
0xa8: {  	s28 =	simm.s32 $_size_execute0_lowered;
	s4 =	sadd.s32 s4, s5;
	[dreg:$0x0] =	wrdreg $0x0  }
0xa9: {  	s5 =	sshll.u32 s28, $0x1;
	[dreg:$0x2] =	wrdreg s4  }
0xaa: {  	[dreg:$0x3] =	wrdreg s5  }
0xab: {  	[dreg:$0x4] =	wrdreg $0xC0  }
0xac: {  	_ =	task [dreg:s8], $0x5FFFF  }
0xad: {  	[dreg:$0x1] =	wrdreg $0xFFFFFFFF  }
0xae: {  	[dreg:$0x0] =	wrdreg $0x60  }
0xaf: {  	[dreg:$0x2] =	wrdreg s2  }
0xb0: {  	[dreg:$0x3] =	wrdreg s19  }
0xb1: {  	[dreg:$0x4] =	wrdreg $0x9  }
0xb2: {  	_ =	task.clear_ibuf [dreg:s8], $0x5FFFF;
	_ =	strace $0x90000046  }
0xb3: {  	s29 =	simm.s32 $0x9;
	_ =	strace $0x80000048  }
0xb4: {  	_ =	swait.ge [sflag:s29], $0x1  }
0xb5: {  	[sflag:s29] =	ssyncadd.s32 $0xFFFFFFFF  }
0xb6: {  	_ =	strace $0x90000048  }
0xb7: {  	_ =	sfence  }
0xb8: {  	s30 =	sld [smem:$0x0];
	_ =	sdelay $0x2  }
0xb9: {  	s31 =	sshll.u32 s1, $0xD;
	s1 =	sshrl.u32 s1, $0x2  }
0xba: {  	s3 =	sand.u32 $0x4000, s31;
	s1 =	sadd.s32 s1, s30  }
0xbb: {  	s0 =	sor.u32 s3, s0;
	s1 =	sshll.u32 s1, $0x11  }
0xbc: {  	s0 =	sor.u32 s1, s0  }
0xbd: {  	s0 =	sadd.s32 $0x8F2B, s0  }
0xbe: {  	[sflag:s0] =	ssyncadd.remote.s32 $0x1  }
0xbf: {  	_ =	sfence.sel $0xFFFF  }
0xc0: {  	[dreg:$0x0] =	wrdreg $0xFFFFFFFF;
	(pc) =	sbr.abs _section_cstart, $3  }
0xc1: {  	[dreg:$0x1] =	wrdreg $0xFFFFFFFF  }
0xc2: {  	_ =	task.clear_ibuf [dreg:s8], $0x2FFFF;
	_ =	strace $0x9FFFFFFF  }
0xc3: {  	(tm) =	ssettm $0x7FFFFFFF  }
tec
execute0_lowered:
.L_overlay_start_1:
0x0: {  	(tag) =	ssettag $0x1  }
0x1: {  	s1 =	rddreg [dreg:$0x0]  }
0x2: {  	s3 =	rddreg [dreg:$0x1];
	s0 =	srdreg.scid  }
0x3: {  	s4 =	simm.s32 $0x0;
	s5 =	stileid.u32;
	s10 =	simm.s32 $0x4000  }
0x4: {  	s11 =	simm.s32 $0x1;
	s12 =	simm.s32 $0x8000;
	s13 =	simm.s32 $0x2  }
0x5: {  	s14 =	simm.s32 $0x4;
	s15 =	simm.s32 $0xC000;
	s16 =	simm.s32 $0x3  }
0x6: {  	s17 =	simm.s32 $0x0;
	s0 =	sand.u32 $0x1, s0;
	s5 =	sshll.u32 s5, $0x11  }
0x7: {  	[smem:$0x7FF] =	sst s4;
	s2 =	ssub.s32 $0x2, s0;
	s0 =	sshll.u32 s0, $0x10  }
0x8: {  	_ =	strace $0x80000047;
	s6 =	sshrl.u32 s2, $0x1;
	s0 =	sor.u32 s0, s5  }
0x9: {  	v0 =	vimm.f32 $0.0e+00;
	s2 =	ssub.s32 s2, s6;
	s5 =	sadd.s32 s1, s0;
	s6 =	sor.u32 $0x800, s0  }
0xa: {  	v1 =	vimm.f32 $1.000000000e+00;
	v2 =	vimm.s32 $0x0;
	v3 =	vlaneseq.u32;
	s7 =	sadd.s32 s3, s0;
	s8 =	sadd.s32 $0x1000, s5;
	s9 =	smax.u32 s2, $0x1  }
.LBB2_1:
0xb: {  	[tilespmem:s4], [sflag:$0x1] =	stream.linear.gather [hbm4b:s5+s4], $0x4000, $0x38;
	[tilespmem:$0x10000] =	vst v63  }
0xc: {  	s18 =	simm.s32 $0x0  }
.LBB2_2:
0xd: {  	s20 =	sshll.u32 s18, $0xC  }
0xe: {  	s19 =	sadd.s32 s6, s20  }
0xf: {  	s0 =	sadd.s32 s1, s19  }
0x10: {  	[tilespmem:s10], [sflag:$0x2] =	stream.linear.gather [hbm4b:s0+s4], $0x4000, $0x38;
	[tilespmem:$0x10000] =	vst v63  }
0x11: {  	_ =	swait.ge [sflag:s11], $0x4000  }
0x12: {  	p0 =	seq.s32 s18, $0x0;
	[sflag:s11] =	ssyncset.done $0x0  }
0x13: {  	s0 =	simm.s32 @!p0 $0x3;
	[sflag:s11] =	ssyncadd.s32 $0xFFFFC000  }
0x14: {  	s21 =	simm.s32 $0x0;
	_ =	swait.ge @!p0 [sflag:s0], $0x4000  }
0x15: {  	p1 =	por $0x0, $0x0;
	s22 =	simm.s32 $0x30;
	[sflag:s0] =	ssyncset.done @!p0 $0x0  }
0x16: {  	s23 =	simm.s32 $0x0;
	s24 =	simm.s32 $0x0;
	[sflag:s0] =	ssyncadd.s32 @!p0 $0xFFFFC000  }
.LBB2_3:
0x17: {  	s0 =	sadd.s32 $0xFFFFFFD0, s22  }
0x18: {  	s25 =	sand.u32 $0x3C00, s24;
	s2 =	sand.u32 $0x40, s0  }
0x19: {  	s26 =	simm.s32 $0x1;
	s28 =	sor.u32 s2, s25  }
0x1a: {  	s26 =	simm.s32 @!p1 $0x0;
	v7 =	vld [tilespmem:s28+$0x0]  }
0x1b: {  	s29 =	sshll.u32 s26, $0x6;
	v8 =	vld [tilespmem:s28+$0x80]  }
0x1c: {  	v9 =	vld [tilespmem:s28+$0x100];
	s2 =	sadd.s32 s29, s24  }
0x1d: {  	v10 =	vld [tilespmem:s28+$0x180];
	s30 =	sor.u32 $0x280, s2  }
0x1e: {  	s29 =	sor.u32 $0x300, s2;
	v12 =	vld [tilespmem:s30+$0x0]  }
0x1f: {  	s31 =	sor.u32 $0x200, s2;
	v13 =	vld [tilespmem:s29+$0x0];
	v4 =	vadd.f32 $1.258291200e+07, v7  }
0x20: {  	v11 =	vld [tilespmem:s31+$0x0];
	v5 =	vadd.f32 $1.258291200e+07, v8  }
0x21: {  	v6 =	vadd.f32 $1.258291200e+07, v9;
	v15 =	vadd.f32 $-1.258291200e+07, v4  }
0x22: {  	v4 =	vadd.f32 $1.258291200e+07, v10;
	v16 =	vadd.f32 $-1.258291200e+07, v5  }
0x23: {  	s26 =	sor.u32 $0x380, s2;
	v17 =	vadd.f32 $-1.258291200e+07, v6;
	v5 =	vadd.f32 $1.258291200e+07, v12  }
0x24: {  	v14 =	vld [tilespmem:s26+$0x0];
	v19 =	vadd.f32 $1.258291200e+07, v13;
	v18 =	vadd.f32 $-1.258291200e+07, v4  }
0x25: {  	v4 =	vadd.f32 $1.258291200e+07, v11;
	v6 =	vadd.f32 $-1.258291200e+07, v5  }
0x26: {  	v5 =	vadd.f32 $-1.258291200e+07, v19;
	v7 =	vsub.f32 v7, v15  }
0x27: {  	v8 =	vsub.f32 v8, v16;
	v9 =	vsub.f32 v9, v17  }
0x28: {  	v42 =	vadd.f32 v16, v15;
	v20 =	vadd.f32 $-1.258291200e+07, v4  }
0x29: {  	v4 =	vadd.f32 $1.258291200e+07, v14;
	v10 =	vsub.f32 v10, v18  }
0x2a: {  	v12 =	vsub.f32 v12, v6;
	v13 =	vsub.f32 v13, v5;
	v19 =	vand.u32 $0x7FFFFFFF, v7  }
0x2b: {  	v21 =	vand.u32 $0x7FFFFFFF, v8;
	v22 =	vand.u32 $0x7FFFFFFF, v9;
	vm7 =	vlt.f32 v7, $0.0e+00  }
0x2c: {  	vm8 =	vlt.f32 v8, $0.0e+00;
	vm2 =	vlt.f32 v9, $0.0e+00;
	v43 =	vadd.f32 v18, v17  }
0x2d: {  	v39 =	vmax.f32 v19, v21;
	v49 =	vmin.f32 v19, v21;
	v53 =	vadd.f32 v21, v19  }
0x2e: {  	v4 =	vadd.f32 $-1.258291200e+07, v4;
	v11 =	vsub.f32 v11, v20;
	v23 =	vand.u32 $0x7FFFFFFF, v10  }
0x2f: {  	v25 =	vand.u32 $0x7FFFFFFF, v12;
	v26 =	vand.u32 $0x7FFFFFFF, v13;
	vm6 =	vlt.f32 v10, $0.0e+00  }
0x30: {  	vm5 =	vlt.f32 v12, $0.0e+00;
	vm3 =	vlt.f32 v13, $0.0e+00;
	v45 =	vadd.f32 v6, v20  }
0x31: {  	v47 =	vadd.f32 v43, v42;
	v40 =	vmax.f32 v22, v23;
	v50 =	vmin.f32 v22, v23  }
0x32: {  	v54 =	vadd.f32 v23, v22;
	v14 =	vsub.f32 v14, v4;
	v24 =	vand.u32 $0x7FFFFFFF, v11  }
0x33: {  	vm4 =	vlt.f32 v11, $0.0e+00;
	v28 =	vadd.f32 v4, v5;
	v7 =	vmax.f32 v39, v40  }
0x34: {  	v10 =	vmin.f32 v49, v50;
	v41 =	vmax.f32 v24, v25;
	v51 =	vmin.f32 v24, v25  }
0x35: {  	v55 =	vadd.f32 v25, v24;
	v9 =	vadd.f32 v54, v53;
	v27 =	vand.u32 $0x7FFFFFFF, v14  }
0x36: {  	vm9 =	vlt.f32 v14, $0.0e+00;
	v48 =	vadd.f32 v28, v45;
	v44 =	vmax.f32 v26, v27  }
0x37: {  	v52 =	vmin.f32 v26, v27;
	vm0 =	vmxor vm3, vm9;
	v56 =	vadd.f32 v27, v26  }
0x38: {  	v46 =	vmax.f32 v41, v44;
	v8 =	vadd.f32 v48, v47;
	vm0 =	vmxor vm5, vm0  }
0x39: {  	v12 =	vmin.f32 v51, v52;
	v7 =	vmax.f32 v7, v46;
	vm0 =	vmxor vm4, vm0  }
0x3a: {  	v57 =	vadd.f32 v56, v55;
	v8 =	vadd.f32 $1.258291200e+07, v8;
	vm0 =	vmxor vm6, vm0  }
0x3b: {  	v10 =	vmin.f32 v10, v12;
	v58 =	vadd.f32 v7, v7;
	vm1 =	vmxor vm2, vm0  }
0x3c: {  	v9 =	vadd.f32 v57, v9;
	v8 =	vand.u32 $0x1, v8;
	vm1 =	vmxor vm8, vm1  }
0x3d: {  	v59 =	vadd.f32 v10, v10;
	vm0 =	veq.s32 v8, $0x1;
	vm1 =	vmxor vm7, vm1  }
0x3e: {  	v9 =	vsub.f32 $2.000000000e+00, v9;
	vm1 =	vmxor vm1, vm0  }
0x3f: {  	v60 =	vsel vm7, $0xBF800000, v1;
	v8 =	vsub.f32 $1.000000000e+00, v58;
	v11 =	vnsel vm1, $0x0, v59  }
0x40: {  	v61 =	vsel vm8, $0xBF800000, v1;
	v62 =	vsel vm2, $0xBF800000, v1;
	v9 =	vadd.f32 v11, v9  }
0x41: {  	v63 =	vsel vm6, $0xBF800000, v1;
	v33 =	vsel vm5, $0xBF800000, v1;
	v8 =	vnsel vm0, $0x0, v8  }
0x42: {  	v34 =	vsel vm3, $0xBF800000, v1;
	v32 =	vsel vm4, $0xBF800000, v1;
	vm12 =	vlt.f32 v9, v8  }
0x43: {  	v45 =	vor.u32 s0, v3;
	v35 =	vsel vm9, $0xBF800000, v1;
	v7 =	vsel vm12, v10, v7  }
0x44: {  	v44 =	vmov s0;
	v42 =	vsel vm12, $0x3F000000, v0;
	vm13 =	veq.f32 v27, v7  }
0x45: {  	vm14 =	veq.f32 v26, v7;
	vm15 =	veq.f32 v25, v7;
	vm6 =	veq.f32 v24, v7  }
0x46: {  	vm7 =	veq.f32 v23, v7;
	vm8 =	veq.f32 v22, v7;
	v43 =	vmul.f32 v42, v60  }
0x47: {  	vm9 =	veq.f32 v21, v7;
	v12 =	vmul.f32 v42, v61;
	v13 =	vmul.f32 v42, v62  }
0x48: {  	vm10 =	veq.f32 v19, v7;
	v14 =	vmul.f32 v42, v63;
	v8 =	vmul.f32 v42, v32  }
0x49: {  	v9 =	vmul.f32 v42, v33;
	v10 =	vmul.f32 v42, v34;
	v27 =	vsel vm13, $0x380, v2  }
0x4a: {  	v47 =	vmul.f32 v42, v35;
	v29 =	vnsel vm13, $0x0, v35;
	v26 =	vsel vm14, $0x300, v27  }
0x4b: {  	v36 =	vsel vm14, v34, v29;
	v7 =	vadd.f32 v43, v15;
	v12 =	vadd.f32 v12, v16  }
0x4c: {  	v13 =	vadd.f32 v13, v17;
	v14 =	vadd.f32 v14, v18;
	v25 =	vsel vm15, $0x280, v26  }
0x4d: {  	v15 =	vshll.u32 v44, $0x3;
	v37 =	vsel vm15, v33, v36;
	v24 =	vsel vm6, $0x200, v25  }
0x4e: {  	v8 =	vadd.f32 v8, v20;
	v38 =	vsel vm6, v32, v37;
	v23 =	vsel vm7, $0x180, v24  }
0x4f: {  	v46 =	vand.u32 $0x3C00, v15;
	[tilespmem:s28+$0x8000] =	vst v7;
	v39 =	vsel vm7, v63, v38;
	v22 =	vsel vm8, $0x100, v23  }
0x50: {  	[tilespmem:s28+$0x8080] =	vst v12;
	v7 =	vand.u32 $0x4F, v45;
	v40 =	vsel vm8, v62, v39;
	v21 =	vsel vm9, $0x80, v22  }
0x51: {  	[tilespmem:s28+$0x8100] =	vst v13;
	v7 =	vor.u32 v46, v7;
	v41 =	vsel vm9, v61, v40;
	v19 =	vsel vm10, $0x0, v21  }
0x52: {  	v6 =	vadd.f32 v9, v6;
	[tilespmem:s28+$0x8180] =	vst v14;
	v11 =	vsel vm10, v60, v41;
	v7 =	vadd.s32 v19, v7  }
0x53: {  	vm11 =	vmneg vm12;
	v5 =	vadd.f32 v10, v5;
	[tilespmem:s31+$0x8000] =	vst v8;
	v48 =	vsub.f32 $0.0e+00, v11  }
0x54: {  	vm1 =	vmand vm12, vm1;
	vm0 =	vmand vm11, vm0;
	v4 =	vadd.f32 v47, v4;
	[tilespmem:s30+$0x8000] =	vst v6  }
0x55: {  	s2 =	sadd.s32 $0xFFFFFFE0, s22;
	vm0 =	vmor vm1, vm0;
	[tilespmem:s29+$0x8000] =	vst v5;
	v49 =	vsel vm12, v48, v11  }
0x56: {  	s31 =	sand.u32 $0x7, s23;
	s30 =	sand.u32 $0x50, s2;
	[tilespmem:s26+$0x8000] =	vst v4;
	v5 =	vnsel vm0, $0x0, v49  }
0x57: {  	s28 =	sshll.u32 s31, $0x4;
	s29 =	sor.u32 s25, s30;
	[tilespmem:v7+s12+$0x0] =	vst.idx.add.f32.msk $0xffff, v5  }
0x58: {  	s26 =	sadd.s32 s24, s28;
	v7 =	vld [tilespmem:s29+$0x0]  }
0x59: {  	s28 =	sadd.s32 $0x10, s26;
	v8 =	vld [tilespmem:s29+$0x80]  }
0x5a: {  	s30 =	sor.u32 $0x300, s28;
	v50 =	vld [tilespmem:s29+$0x100]  }
0x5b: {  	v13 =	vld [tilespmem:s30+$0x0]  }
0x5c: {  	s31 =	sor.u32 $0x280, s28;
	v51 =	vld [tilespmem:s29+$0x180]  }
0x5d: {  	v53 =	vld [tilespmem:s31+$0x0]  }
0x5e: {  	s0 =	sor.u32 $0x200, s28  }
0x5f: {  	v52 =	vld [tilespmem:s0+$0x0];
	v4 =	vadd.f32 $1.258291200e+07, v7;
	v5 =	vadd.f32 $1.258291200e+07, v8  }
0x60: {  	v54 =	vadd.f32 $1.258291200e+07, v50;
	v55 =	vadd.f32 $1.258291200e+07, v13  }
0x61: {  	v15 =	vadd.f32 $-1.258291200e+07, v4;
	v4 =	vadd.f32 $1.258291200e+07, v51  }
0x62: {  	s28 =	sor.u32 $0x380, s28;
	v16 =	vadd.f32 $-1.258291200e+07, v5;
	v5 =	vadd.f32 $1.258291200e+07, v53  }
0x63: {  	v14 =	vld [tilespmem:s28+$0x0];
	v17 =	vadd.f32 $-1.258291200e+07, v54;
	v18 =	vadd.f32 $-1.258291200e+07, v4  }
0x64: {  	v4 =	vadd.f32 $1.258291200e+07, v52;
	v6 =	vadd.f32 $-1.258291200e+07, v5  }
0x65: {  	v5 =	vadd.f32 $-1.258291200e+07, v55;
	v7 =	vsub.f32 v7, v15  }
0x66: {  	v8 =	vsub.f32 v8, v16;
	v9 =	vsub.f32 v50, v17  }
0x67: {  	v60 =	vadd.f32 v16, v15;
	v20 =	vadd.f32 $-1.258291200e+07, v4  }
0x68: {  	v4 =	vadd.f32 $1.258291200e+07, v14;
	v10 =	vsub.f32 v51, v18  }
0x69: {  	v12 =	vsub.f32 v53, v6;
	v13 =	vsub.f32 v13, v5;
	v19 =	vand.u32 $0x7FFFFFFF, v7  }
0x6a: {  	v21 =	vand.u32 $0x7FFFFFFF, v8;
	v22 =	vand.u32 $0x7FFFFFFF, v9;
	vm7 =	vlt.f32 v7, $0.0e+00  }
0x6b: {  	vm8 =	vlt.f32 v8, $0.0e+00;
	vm2 =	vlt.f32 v9, $0.0e+00;
	v61 =	vadd.f32 v18, v17  }
0x6c: {  	v57 =	vmax.f32 v19, v21;
	v36 =	vmin.f32 v19, v21;
	v40 =	vadd.f32 v21, v19  }
0x6d: {  	v4 =	vadd.f32 $-1.258291200e+07, v4;
	v11 =	vsub.f32 v52, v20;
	v23 =	vand.u32 $0x7FFFFFFF, v10  }
0x6e: {  	v25 =	vand.u32 $0x7FFFFFFF, v12;
	v26 =	vand.u32 $0x7FFFFFFF, v13;
	vm12 =	vlt.f32 v10, $0.0e+00  }
0x6f: {  	vm13 =	vlt.f32 v12, $0.0e+00;
	vm14 =	vlt.f32 v13, $0.0e+00;
	v63 =	vadd.f32 v6, v20  }
0x70: {  	v34 =	vadd.f32 v61, v60;
	v58 =	vmax.f32 v22, v23;
	v37 =	vmin.f32 v22, v23  }
0x71: {  	v41 =	vadd.f32 v23, v22;
	v14 =	vsub.f32 v14, v4;
	v24 =	vand.u32 $0x7FFFFFFF, v11  }
0x72: {  	vm4 =	vlt.f32 v11, $0.0e+00;
	v32 =	vadd.f32 v4, v5;
	v7 =	vmax.f32 v57, v58  }
0x73: {  	v10 =	vmin.f32 v36, v37;
	v59 =	vmax.f32 v24, v25;
	v38 =	vmin.f32 v24, v25  }
0x74: {  	v42 =	vadd.f32 v25, v24;
	v9 =	vadd.f32 v41, v40;
	v56 =	vand.u32 $0x7FFFFFFF, v14  }
0x75: {  	vm15 =	vlt.f32 v14, $0.0e+00;
	v35 =	vadd.f32 v32, v63;
	v62 =	vmax.f32 v26, v56  }
0x76: {  	v39 =	vmin.f32 v26, v56;
	vm10 =	vmxor vm14, vm15;
	v43 =	vadd.f32 v56, v26  }
0x77: {  	v33 =	vmax.f32 v59, v62;
	v8 =	vadd.f32 v35, v34;
	vm0 =	vmxor vm13, vm10  }
0x78: {  	v12 =	vmin.f32 v38, v39;
	v7 =	vmax.f32 v7, v33;
	vm0 =	vmxor vm4, vm0  }
0x79: {  	v44 =	vadd.f32 v43, v42;
	v8 =	vadd.f32 $1.258291200e+07, v8;
	vm0 =	vmxor vm12, vm0  }
0x7a: {  	v10 =	vmin.f32 v10, v12;
	v45 =	vadd.f32 v7, v7;
	vm11 =	vmxor vm2, vm0  }
0x7b: {  	v9 =	vadd.f32 v44, v9;
	v8 =	vand.u32 $0x1, v8;
	vm1 =	vmxor vm8, vm11  }
0x7c: {  	v46 =	vadd.f32 v10, v10;
	vm0 =	veq.s32 v8, $0x1;
	vm1 =	vmxor vm7, vm1  }
0x7d: {  	v9 =	vsub.f32 $2.000000000e+00, v9;
	vm1 =	vmxor vm1, vm0  }
0x7e: {  	v47 =	vsel vm7, $0xBF800000, v1;
	v8 =	vsub.f32 $1.000000000e+00, v45;
	v11 =	vnsel vm1, $0x0, v46  }
0x7f: {  	v48 =	vsel vm8, $0xBF800000, v1;
	v49 =	vsel vm2, $0xBF800000, v1;
	v9 =	vadd.f32 v11, v9  }
0x80: {  	v50 =	vsel vm12, $0xBF800000, v1;
	v52 =	vsel vm13, $0xBF800000, v1;
	v8 =	vnsel vm0, $0x0, v8  }
0x81: {  	v53 =	vsel vm14, $0xBF800000, v1;
	v51 =	vsel vm4, $0xBF800000, v1;
	vm12 =	vlt.f32 v9, v8  }
0x82: {  	v54 =	vsel vm15, $0xBF800000, v1;
	v7 =	vsel vm12, v10, v7;
	v62 =	vsel vm12, $0x3F000000, v0  }
0x83: {  	vm13 =	veq.f32 v56, v7;
	vm14 =	veq.f32 v26, v7;
	vm15 =	veq.f32 v25, v7  }
0x84: {  	vm6 =	veq.f32 v24, v7;
	vm7 =	veq.f32 v23, v7;
	vm8 =	veq.f32 v22, v7  }
0x85: {  	vm9 =	veq.f32 v21, v7;
	v63 =	vmul.f32 v62, v47;
	v12 =	vmul.f32 v62, v48  }
0x86: {  	vm10 =	veq.f32 v19, v7;
	v13 =	vmul.f32 v62, v49;
	v14 =	vmul.f32 v62, v50  }
0x87: {  	v8 =	vmul.f32 v62, v51;
	v9 =	vmul.f32 v62, v52;
	v27 =	vsel vm13, $0x380, v2  }
0x88: {  	v10 =	vmul.f32 v62, v53;
	v55 =	vnsel vm13, $0x0, v54;
	v26 =	vsel vm14, $0x300, v27  }
0x89: {  	v56 =	vsel vm14, v53, v55;
	v7 =	vadd.f32 v63, v15;
	v25 =	vsel vm15, $0x280, v26  }
0x8a: {  	v12 =	vadd.f32 v12, v16;
	v13 =	vadd.f32 v13, v17;
	v24 =	vsel vm6, $0x200, v25  }
0x8b: {  	v14 =	vadd.f32 v14, v18;
	v18 =	vmov s2;
	v23 =	vsel vm7, $0x180, v24  }
0x8c: {  	v8 =	vadd.f32 v8, v20;
	v57 =	vsel vm15, v52, v56;
	v22 =	vsel vm8, $0x100, v23  }
0x8d: {  	v15 =	vshll.u32 v18, $0x3;
	v58 =	vsel vm6, v51, v57;
	v21 =	vsel vm9, $0x80, v22  }
0x8e: {  	[tilespmem:s29+$0x8000] =	vst v7;
	v59 =	vsel vm7, v50, v58;
	v19 =	vsel vm10, $0x0, v21;
	v21 =	vor.u32 s2, v3  }
0x8f: {  	[tilespmem:s29+$0x8080] =	vst v12;
	v60 =	vsel vm8, v49, v59;
	v22 =	vand.u32 $0x3C00, v15;
	v7 =	vand.u32 $0x5F, v21  }
0x90: {  	v6 =	vadd.f32 v9, v6;
	[tilespmem:s29+$0x8100] =	vst v13;
	v61 =	vsel vm9, v48, v60;
	v7 =	vor.u32 v22, v7  }
0x91: {  	[tilespmem:s29+$0x8180] =	vst v14;
	v23 =	vmul.f32 v62, v54;
	v11 =	vsel vm10, v47, v61;
	v7 =	vadd.s32 v19, v7  }
0x92: {  	vm11 =	vmneg vm12;
	v5 =	vadd.f32 v10, v5;
	[tilespmem:s0+$0x8000] =	vst v8;
	v24 =	vsub.f32 $0.0e+00, v11  }
0x93: {  	vm1 =	vmand vm12, vm1;
	vm0 =	vmand vm11, vm0;
	[tilespmem:s31+$0x8000] =	vst v6;
	v4 =	vadd.f32 v23, v4  }
0x94: {  	vm0 =	vmor vm1, vm0;
	[tilespmem:s30+$0x8000] =	vst v5;
	s2 =	sadd.s32 $0xFFFFFFF0, s22;
	v25 =	vsel vm12, v24, v11  }
0x95: {  	s31 =	sand.u32 $0x3, s21;
	s30 =	sand.u32 $0x60, s2;
	[tilespmem:s28+$0x8000] =	vst v4;
	v5 =	vnsel vm0, $0x0, v25  }
0x96: {  	s28 =	sor.u32 s25, s30;
	s30 =	sshll.u32 s31, $0x5;
	[tilespmem:v7+s12+$0x0] =	vst.idx.add.f32.msk $0xffff, v5  }
0x97: {  	s0 =	sadd.s32 s24, s30;
	v7 =	vld [tilespmem:s28+$0x0]  }
0x98: {  	s30 =	sadd.s32 $0x20, s0;
	v8 =	vld [tilespmem:s28+$0x80]  }
0x99: {  	s29 =	sor.u32 $0x300, s30;
	v26 =	vld [tilespmem:s28+$0x100]  }
0x9a: {  	v13 =	vld [tilespmem:s29+$0x0]  }
0x9b: {  	s31 =	sor.u32 $0x280, s30;
	v27 =	vld [tilespmem:s28+$0x180]  }
0x9c: {  	v29 =	vld [tilespmem:s31+$0x0]  }
0x9d: {  	s0 =	sor.u32 $0x200, s30  }
0x9e: {  	v28 =	vld [tilespmem:s0+$0x0];
	v4 =	vadd.f32 $1.258291200e+07, v7;
	v5 =	vadd.f32 $1.258291200e+07, v8  }
0x9f: {  	v30 =	vadd.f32 $1.258291200e+07, v26;
	v31 =	vadd.f32 $1.258291200e+07, v13  }
0xa0: {  	v15 =	vadd.f32 $-1.258291200e+07, v4;
	v4 =	vadd.f32 $1.258291200e+07, v27  }
0xa1: {  	s30 =	sor.u32 $0x380, s30;
	v16 =	vadd.f32 $-1.258291200e+07, v5;
	v5 =	vadd.f32 $1.258291200e+07, v29  }
0xa2: {  	v14 =	vld [tilespmem:s30+$0x0];
	v17 =	vadd.f32 $-1.258291200e+07, v30;
	v18 =	vadd.f32 $-1.258291200e+07, v4  }
0xa3: {  	v4 =	vadd.f32 $1.258291200e+07, v28;
	v6 =	vadd.f32 $-1.258291200e+07, v5  }
0xa4: {  	v5 =	vadd.f32 $-1.258291200e+07, v31;
	v7 =	vsub.f32 v7, v15  }
0xa5: {  	v8 =	vsub.f32 v8, v16;
	v9 =	vsub.f32 v26, v17  }
0xa6: {  	v36 =	vadd.f32 v16, v15;
	v20 =	vadd.f32 $-1.258291200e+07, v4  }
0xa7: {  	v4 =	vadd.f32 $1.258291200e+07, v14;
	v10 =	vsub.f32 v27, v18  }
0xa8: {  	v12 =	vsub.f32 v29, v6;
	v13 =	vsub.f32 v13, v5;
	v19 =	vand.u32 $0x7FFFFFFF, v7  }
0xa9: {  	v21 =	vand.u32 $0x7FFFFFFF, v8;
	v22 =	vand.u32 $0x7FFFFFFF, v9;
	vm7 =	vlt.f32 v7, $0.0e+00  }
0xaa: {  	vm8 =	vlt.f32 v8, $0.0e+00;
	vm2 =	vlt.f32 v9, $0.0e+00;
	v37 =	vadd.f32 v18, v17  }
0xab: {  	v33 =	vmax.f32 v19, v21;
	v44 =	vmin.f32 v19, v21;
	v48 =	vadd.f32 v21, v19  }
0xac: {  	v4 =	vadd.f32 $-1.258291200e+07, v4;
	v11 =	vsub.f32 v28, v20;
	v23 =	vand.u32 $0x7FFFFFFF, v10  }
0xad: {  	v25 =	vand.u32 $0x7FFFFFFF, v12;
	v26 =	vand.u32 $0x7FFFFFFF, v13;
	vm12 =	vlt.f32 v10, $0.0e+00  }
0xae: {  	vm13 =	vlt.f32 v12, $0.0e+00;
	vm14 =	vlt.f32 v13, $0.0e+00;
	v39 =	vadd.f32 v6, v20  }
0xaf: {  	v42 =	vadd.f32 v37, v36;
	v34 =	vmax.f32 v22, v23;
	v45 =	vmin.f32 v22, v23  }
0xb0: {  	v49 =	vadd.f32 v23, v22;
	v14 =	vsub.f32 v14, v4;
	v24 =	vand.u32 $0x7FFFFFFF, v11  }
0xb1: {  	vm4 =	vlt.f32 v11, $0.0e+00;
	v40 =	vadd.f32 v4, v5;
	v7 =	vmax.f32 v33, v34  }
0xb2: {  	v10 =	vmin.f32 v44, v45;
	v35 =	vmax.f32 v24, v25;
	v46 =	vmin.f32 v24, v25  }
0xb3: {  	v50 =	vadd.f32 v25, v24;
	v9 =	vadd.f32 v49, v48;
	v32 =	vand.u32 $0x7FFFFFFF, v14  }
0xb4: {  	vm15 =	vlt.f32 v14, $0.0e+00;
	v43 =	vadd.f32 v40, v39;
	v38 =	vmax.f32 v26, v32  }
0xb5: {  	v47 =	vmin.f32 v26, v32;
	vm10 =	vmxor vm14, vm15;
	v51 =	vadd.f32 v32, v26  }
0xb6: {  	v41 =	vmax.f32 v35, v38;
	v8 =	vadd.f32 v43, v42;
	vm0 =	vmxor vm13, vm10  }
0xb7: {  	v12 =	vmin.f32 v46, v47;
	v7 =	vmax.f32 v7, v41;
	vm0 =	vmxor vm4, vm0  }
0xb8: {  	v52 =	vadd.f32 v51, v50;
	v8 =	vadd.f32 $1.258291200e+07, v8;
	vm0 =	vmxor vm12, vm0  }
0xb9: {  	v10 =	vmin.f32 v10, v12;
	v53 =	vadd.f32 v7, v7;
	vm11 =	vmxor vm2, vm0  }
0xba: {  	v9 =	vadd.f32 v52, v9;
	v8 =	vand.u32 $0x1, v8;
	vm1 =	vmxor vm8, vm11  }
0xbb: {  	v54 =	vadd.f32 v10, v10;
	vm0 =	veq.s32 v8, $0x1;
	vm1 =	vmxor vm7, vm1  }
0xbc: {  	v9 =	vsub.f32 $2.000000000e+00, v9;
	vm1 =	vmxor vm1, vm0  }
0xbd: {  	v55 =	vsel vm7, $0xBF800000, v1;
	v8 =	vsub.f32 $1.000000000e+00, v53;
	v11 =	vnsel vm1, $0x0, v54  }
0xbe: {  	v56 =	vsel vm8, $0xBF800000, v1;
	v57 =	vsel vm2, $0xBF800000, v1;
	v9 =	vadd.f32 v11, v9  }
0xbf: {  	v58 =	vsel vm12, $0xBF800000, v1;
	v60 =	vsel vm13, $0xBF800000, v1;
	v8 =	vnsel vm0, $0x0, v8  }
0xc0: {  	v61 =	vsel vm14, $0xBF800000, v1;
	v59 =	vsel vm4, $0xBF800000, v1;
	vm12 =	vlt.f32 v9, v8  }
0xc1: {  	v39 =	vmov s2;
	v40 =	vor.u32 s2, v3;
	v7 =	vsel vm12, v10, v7  }
0xc2: {  	v62 =	vsel vm15, $0xBF800000, v1;
	v37 =	vsel vm12, $0x3F000000, v0;
	vm13 =	veq.f32 v32, v7  }
0xc3: {  	vm14 =	veq.f32 v26, v7;
	vm15 =	veq.f32 v25, v7;
	vm6 =	veq.f32 v24, v7  }
0xc4: {  	vm7 =	veq.f32 v23, v7;
	vm8 =	veq.f32 v22, v7;
	v38 =	vmul.f32 v37, v55  }
0xc5: {  	vm9 =	veq.f32 v21, v7;
	v12 =	vmul.f32 v37, v56;
	v13 =	vmul.f32 v37, v57  }
0xc6: {  	vm10 =	veq.f32 v19, v7;
	v14 =	vmul.f32 v37, v58;
	v8 =	vmul.f32 v37, v59  }
0xc7: {  	v9 =	vmul.f32 v37, v60;
	v10 =	vmul.f32 v37, v61;
	v27 =	vsel vm13, $0x380, v2  }
0xc8: {  	v42 =	vmul.f32 v37, v62;
	v63 =	vnsel vm13, $0x0, v62;
	v26 =	vsel vm14, $0x300, v27  }
0xc9: {  	v31 =	vsel vm14, v61, v63;
	v7 =	vadd.f32 v38, v15;
	v12 =	vadd.f32 v12, v16  }
0xca: {  	v13 =	vadd.f32 v13, v17;
	v14 =	vadd.f32 v14, v18;
	v25 =	vsel vm15, $0x280, v26  }
0xcb: {  	v15 =	vshll.u32 v39, $0x3;
	v32 =	vsel vm15, v60, v31;
	v24 =	vsel vm6, $0x200, v25  }
0xcc: {  	v8 =	vadd.f32 v8, v20;
	v33 =	vsel vm6, v59, v32;
	v23 =	vsel vm7, $0x180, v24  }
0xcd: {  	v41 =	vand.u32 $0x3C00, v15;
	[tilespmem:s28+$0x8000] =	vst v7;
	v34 =	vsel vm7, v58, v33;
	v22 =	vsel vm8, $0x100, v23  }
0xce: {  	[tilespmem:s28+$0x8080] =	vst v12;
	v7 =	vand.u32 $0x6F, v40;
	v35 =	vsel vm8, v57, v34;
	v21 =	vsel vm9, $0x80, v22  }
0xcf: {  	[tilespmem:s28+$0x8100] =	vst v13;
	v7 =	vor.u32 v41, v7;
	v36 =	vsel vm9, v56, v35;
	v19 =	vsel vm10, $0x0, v21  }
0xd0: {  	v6 =	vadd.f32 v9, v6;
	[tilespmem:s28+$0x8180] =	vst v14;
	v11 =	vsel vm10, v55, v36;
	v7 =	vadd.s32 v19, v7  }
0xd1: {  	vm11 =	vmneg vm12;
	v5 =	vadd.f32 v10, v5;
	[tilespmem:s0+$0x8000] =	vst v8;
	v43 =	vsub.f32 $0.0e+00, v11  }
0xd2: {  	vm1 =	vmand vm12, vm1;
	vm0 =	vmand vm11, vm0;
	v4 =	vadd.f32 v42, v4;
	[tilespmem:s31+$0x8000] =	vst v6  }
0xd3: {  	vm0 =	vmor vm1, vm0;
	[tilespmem:s29+$0x8000] =	vst v5;
	v44 =	vsel vm12, v43, v11  }
0xd4: {  	s31 =	sand.u32 $0x70, s22;
	[tilespmem:s30+$0x8000] =	vst v4;
	v5 =	vnsel vm0, $0x0, v44  }
0xd5: {  	s29 =	sor.u32 s25, s31;
	[tilespmem:v7+s12+$0x0] =	vst.idx.add.f32.msk $0xffff, v5  }
0xd6: {  	v7 =	vld [tilespmem:s29+$0x0]  }
0xd7: {  	s0 =	sadd.s32 $0x30, s26;
	v8 =	vld [tilespmem:s29+$0x80]  }
0xd8: {  	s31 =	sor.u32 $0x300, s0;
	v45 =	vld [tilespmem:s29+$0x100]  }
0xd9: {  	v13 =	vld [tilespmem:s31+$0x0]  }
0xda: {  	s30 =	sor.u32 $0x280, s0;
	v46 =	vld [tilespmem:s29+$0x180]  }
0xdb: {  	v48 =	vld [tilespmem:s30+$0x0]  }
0xdc: {  	s25 =	sor.u32 $0x200, s0  }
0xdd: {  	v47 =	vld [tilespmem:s25+$0x0];
	v4 =	vadd.f32 $1.258291200e+07, v7;
	v5 =	vadd.f32 $1.258291200e+07, v8  }
0xde: {  	v49 =	vadd.f32 $1.258291200e+07, v45;
	v50 =	vadd.f32 $1.258291200e+07, v13  }
0xdf: {  	v15 =	vadd.f32 $-1.258291200e+07, v4;
	v4 =	vadd.f32 $1.258291200e+07, v46  }
0xe0: {  	s26 =	sor.u32 $0x380, s0;
	v16 =	vadd.f32 $-1.258291200e+07, v5;
	v5 =	vadd.f32 $1.258291200e+07, v48  }
0xe1: {  	v14 =	vld [tilespmem:s26+$0x0];
	v17 =	vadd.f32 $-1.258291200e+07, v49;
	v18 =	vadd.f32 $-1.258291200e+07, v4  }
0xe2: {  	v4 =	vadd.f32 $1.258291200e+07, v47;
	v6 =	vadd.f32 $-1.258291200e+07, v5  }
0xe3: {  	v5 =	vadd.f32 $-1.258291200e+07, v50;
	v7 =	vsub.f32 v7, v15  }
0xe4: {  	v8 =	vsub.f32 v8, v16;
	v9 =	vsub.f32 v45, v17  }
0xe5: {  	v57 =	vadd.f32 v16, v15;
	v20 =	vadd.f32 $-1.258291200e+07, v4  }
0xe6: {  	v4 =	vadd.f32 $1.258291200e+07, v14;
	v10 =	vsub.f32 v46, v18  }
0xe7: {  	v12 =	vsub.f32 v48, v6;
	v13 =	vsub.f32 v13, v5;
	v19 =	vand.u32 $0x7FFFFFFF, v7  }
0xe8: {  	v21 =	vand.u32 $0x7FFFFFFF, v8;
	v22 =	vand.u32 $0x7FFFFFFF, v9;
	vm7 =	vlt.f32 v7, $0.0e+00  }
0xe9: {  	vm8 =	vlt.f32 v8, $0.0e+00;
	vm2 =	vlt.f32 v9, $0.0e+00;
	v58 =	vadd.f32 v18, v17  }
0xea: {  	v54 =	vmax.f32 v19, v21;
	v30 =	vmin.f32 v19, v21;
	v34 =	vadd.f32 v21, v19  }
0xeb: {  	v4 =	vadd.f32 $-1.258291200e+07, v4;
	v11 =	vsub.f32 v47, v20;
	v23 =	vand.u32 $0x7FFFFFFF, v10  }
0xec: {  	v51 =	vand.u32 $0x7FFFFFFF, v12;
	v52 =	vand.u32 $0x7FFFFFFF, v13;
	vm6 =	vlt.f32 v10, $0.0e+00  }
0xed: {  	vm5 =	vlt.f32 v12, $0.0e+00;
	vm12 =	vlt.f32 v13, $0.0e+00;
	v60 =	vadd.f32 v6, v20  }
0xee: {  	v63 =	vadd.f32 v58, v57;
	v55 =	vmax.f32 v22, v23;
	v31 =	vmin.f32 v22, v23  }
0xef: {  	v35 =	vadd.f32 v23, v22;
	v14 =	vsub.f32 v14, v4;
	v24 =	vand.u32 $0x7FFFFFFF, v11  }
0xf0: {  	vm4 =	vlt.f32 v11, $0.0e+00;
	v61 =	vadd.f32 v4, v5;
	v7 =	vmax.f32 v54, v55  }
0xf1: {  	v10 =	vmin.f32 v30, v31;
	v56 =	vmax.f32 v24, v51;
	v32 =	vmin.f32 v24, v51  }
0xf2: {  	v36 =	vadd.f32 v51, v24;
	v9 =	vadd.f32 v35, v34;
	v53 =	vand.u32 $0x7FFFFFFF, v14  }
0xf3: {  	vm13 =	vlt.f32 v14, $0.0e+00;
	v29 =	vadd.f32 v61, v60;
	v59 =	vmax.f32 v52, v53  }
0xf4: {  	v33 =	vmin.f32 v52, v53;
	vm14 =	vmxor vm12, vm13;
	v37 =	vadd.f32 v53, v52  }
0xf5: {  	v62 =	vmax.f32 v56, v59;
	v8 =	vadd.f32 v29, v63;
	vm0 =	vmxor vm5, vm14  }
0xf6: {  	v12 =	vmin.f32 v32, v33;
	v7 =	vmax.f32 v7, v62;
	vm0 =	vmxor vm4, vm0  }
0xf7: {  	v38 =	vadd.f32 v37, v36;
	v8 =	vadd.f32 $1.258291200e+07, v8;
	vm0 =	vmxor vm6, vm0  }
0xf8: {  	v10 =	vmin.f32 v10, v12;
	v39 =	vadd.f32 v7, v7;
	vm15 =	vmxor vm2, vm0  }
0xf9: {  	v9 =	vadd.f32 v38, v9;
	v8 =	vand.u32 $0x1, v8;
	vm1 =	vmxor vm8, vm15  }
0xfa: {  	v40 =	vadd.f32 v10, v10;
	vm0 =	veq.s32 v8, $0x1;
	vm1 =	vmxor vm7, vm1  }
0xfb: {  	v9 =	vsub.f32 $2.000000000e+00, v9;
	vm1 =	vmxor vm1, vm0  }
0xfc: {  	v41 =	vsel vm7, $0xBF800000, v1;
	v8 =	vsub.f32 $1.000000000e+00, v39;
	v11 =	vnsel vm1, $0x0, v40  }
0xfd: {  	v42 =	vsel vm8, $0xBF800000, v1;
	v43 =	vsel vm2, $0xBF800000, v1;
	v9 =	vadd.f32 v11, v9  }
0xfe: {  	v58 =	vmov s22;
	v44 =	vsel vm6, $0xBF800000, v1;
	v8 =	vnsel vm0, $0x0, v8  }
0xff: {  	v46 =	vsel vm5, $0xBF800000, v1;
	v47 =	vsel vm12, $0xBF800000, v1;
	vm6 =	vlt.f32 v9, v8  }
0x100: {  	v45 =	vsel vm4, $0xBF800000, v1;
	v48 =	vsel vm13, $0xBF800000, v1;
	v7 =	vsel vm6, v10, v7  }
0x101: {  	v59 =	vor.u32 s22, v3;
	v56 =	vsel vm6, $0x3F000000, v0;
	vm7 =	veq.f32 v53, v7  }
0x102: {  	vm8 =	veq.f32 v52, v7;
	vm9 =	veq.f32 v51, v7;
	vm10 =	veq.f32 v24, v7  }
0x103: {  	vm11 =	veq.f32 v23, v7;
	vm12 =	veq.f32 v22, v7;
	v57 =	vmul.f32 v56, v41  }
0x104: {  	vm13 =	veq.f32 v21, v7;
	v12 =	vmul.f32 v56, v42;
	v13 =	vmul.f32 v56, v43  }
0x105: {  	vm14 =	veq.f32 v19, v7;
	v14 =	vmul.f32 v56, v44;
	v8 =	vmul.f32 v56, v45  }
0x106: {  	v9 =	vmul.f32 v56, v46;
	v10 =	vmul.f32 v56, v47;
	v27 =	vsel vm7, $0x380, v2  }
0x107: {  	v61 =	vmul.f32 v56, v48;
	v49 =	vnsel vm7, $0x0, v48;
	v26 =	vsel vm8, $0x300, v27  }
0x108: {  	v50 =	vsel vm8, v47, v49;
	v7 =	vadd.f32 v57, v15;
	v12 =	vadd.f32 v12, v16  }
0x109: {  	v13 =	vadd.f32 v13, v17;
	v14 =	vadd.f32 v14, v18;
	v25 =	vsel vm9, $0x280, v26  }
0x10a: {  	v15 =	vshll.u32 v58, $0x3;
	v51 =	vsel vm9, v46, v50;
	v24 =	vsel vm10, $0x200, v25  }
0x10b: {  	v8 =	vadd.f32 v8, v20;
	v52 =	vsel vm10, v45, v51;
	v23 =	vsel vm11, $0x180, v24  }
0x10c: {  	v60 =	vand.u32 $0x3C00, v15;
	[tilespmem:s29+$0x8000] =	vst v7;
	v53 =	vsel vm11, v44, v52;
	v22 =	vsel vm12, $0x100, v23  }
0x10d: {  	[tilespmem:s29+$0x8080] =	vst v12;
	v7 =	vand.u32 $0x7F, v59;
	v54 =	vsel vm12, v43, v53;
	v21 =	vsel vm13, $0x80, v22  }
0x10e: {  	[tilespmem:s29+$0x8100] =	vst v13;
	v7 =	vor.u32 v60, v7;
	v55 =	vsel vm13, v42, v54;
	v19 =	vsel vm14, $0x0, v21  }
0x10f: {  	p2 =	sne.s32 s24, $0x3E00;
	v6 =	vadd.f32 v9, v6;
	[tilespmem:s29+$0x8180] =	vst v14;
	v11 =	vsel vm14, v41, v55;
	v7 =	vadd.s32 v19, v7  }
.Ltmp0:
0x110: {  	vm15 =	vmneg vm6;
	v5 =	vadd.f32 v10, v5;
	[tilespmem:s25+$0x8000] =	vst v8;
	v62 =	vsub.f32 $0.0e+00, v11;
	(pc) =	sbr.rel @p2 .LBB2_3-.Ltmp0, $4  }
0x111: {  	vm1 =	vmand vm6, vm1;
	vm0 =	vmand vm15, vm0;
	v4 =	vadd.f32 v61, v4;
	[tilespmem:s30+$0x8000] =	vst v6  }
0x112: {  	vm0 =	vmor vm1, vm0;
	[tilespmem:s31+$0x8000] =	vst v5;
	v63 =	vsel vm6, v62, v11  }
0x113: {  	p1 =	por !p1, !p1;
	s23 =	sadd.s32 $0x4, s23;
	[tilespmem:s26+$0x8000] =	vst v4;
	v5 =	vnsel vm0, $0x0, v63  }
0x114: {  	s21 =	sadd.s32 $0x2, s21;
	s24 =	sadd.s32 $0x200, s24;
	s22 =	sadd.s32 $0x40, s22;
	[tilespmem:v7+s12+$0x0] =	vst.idx.add.f32.msk $0xffff, v5  }
0x115: {  	p1 =	sne.s32 s18, $0xF  }
.Ltmp1:
0x116: {  	_ = 	snop;
	(pc) =	sbr.rel @p1 .LBB2_6-.Ltmp1, $3  }
0x117: {  	_ =	sdelay $0x1  }
0x118: {  	s0 =	sadd.s32 s20, s7  }
0x119: {  	[hbm4b:s0+s4] =	stream.linear.scatter [tilespmem:s12], [sflag:$0x3], $0x4000, $0x38;
	[tilespmem:$0x10000] =	vst v63  }
.Ltmp2:
0x11a: {  	(pc) =	sbr.rel .LBB2_7-.Ltmp2, $4  }
0x11b: {  	_ = 	snop  }
0x11c: {  	_ =	swait.ge [sflag:s13], $0x4000  }
0x11d: {  	[sflag:s13] =	ssyncset.done $0x0  }
0x11e: {  	[sflag:s13] =	ssyncadd.s32 $0xFFFFC000  }
.LBB2_6:
.Ltmp3:
0x11f: {  	s0 =	sadd.s32 s20, s8;
	(pc) =	sbr.rel @p0 .LBB2_8-.Ltmp3, $4  }
0x120: {  	[tilespmem:s4], [sflag:$0x1] =	stream.linear.gather [hbm4b:s0+s4], $0x4000, $0x38;
	[tilespmem:$0x10000] =	vst v63  }
0x121: {  	_ =	swait.ge [sflag:s13], $0x4000  }
0x122: {  	[sflag:s13] =	ssyncset.done $0x0  }
0x123: {  	[sflag:s13] =	ssyncadd.s32 $0xFFFFC000  }
.LBB2_7:
0x124: {  	_ =	swait.ge [sflag:s14], $0x4000  }
0x125: {  	[sflag:s14] =	ssyncset.done $0x0  }
0x126: {  	[sflag:s14] =	ssyncadd.s32 $0xFFFFC000  }
.LBB2_8:
0x127: {  	s20 =	simm.s32 $0x0;
	p0 =	por $0x0, $0x0  }
0x128: {  	s21 =	simm.s32 $0x30;
	s22 =	simm.s32 $0x0;
	s23 =	simm.s32 $0x0  }
.LBB2_9:
0x129: {  	s2 =	sadd.s32 $0xFFFFFFD0, s21  }
0x12a: {  	s24 =	sand.u32 $0x3C00, s23;
	s0 =	sand.u32 $0x40, s2  }
0x12b: {  	s25 =	simm.s32 $0x1;
	s26 =	sor.u32 s0, s24  }
0x12c: {  	s25 =	simm.s32 @!p0 $0x0;
	v7 =	vld [tilespmem:s26+$0x4000]  }
0x12d: {  	s25 =	sshll.u32 s25, $0x6;
	v8 =	vld [tilespmem:s26+$0x4080]  }
0x12e: {  	v9 =	vld [tilespmem:s26+$0x4100];
	s25 =	sadd.s32 s25, s23  }
0x12f: {  	v10 =	vld [tilespmem:s26+$0x4180];
	s29 =	sor.u32 $0x280, s25  }
0x130: {  	s28 =	sor.u32 $0x300, s25;
	v12 =	vld [tilespmem:s29+$0x4000]  }
0x131: {  	s0 =	sor.u32 $0x200, s25;
	v13 =	vld [tilespmem:s28+$0x4000];
	v4 =	vadd.f32 $1.258291200e+07, v7  }
0x132: {  	v11 =	vld [tilespmem:s0+$0x4000];
	v5 =	vadd.f32 $1.258291200e+07, v8  }
0x133: {  	v6 =	vadd.f32 $1.258291200e+07, v9;
	v15 =	vadd.f32 $-1.258291200e+07, v4  }
0x134: {  	v4 =	vadd.f32 $1.258291200e+07, v10;
	v16 =	vadd.f32 $-1.258291200e+07, v5  }
0x135: {  	s25 =	sor.u32 $0x380, s25;
	v17 =	vadd.f32 $-1.258291200e+07, v6;
	v5 =	vadd.f32 $1.258291200e+07, v12  }
0x136: {  	v14 =	vld [tilespmem:s25+$0x4000];
	v19 =	vadd.f32 $1.258291200e+07, v13;
	v18 =	vadd.f32 $-1.258291200e+07, v4  }
0x137: {  	v4 =	vadd.f32 $1.258291200e+07, v11;
	v6 =	vadd.f32 $-1.258291200e+07, v5  }
0x138: {  	v5 =	vadd.f32 $-1.258291200e+07, v19;
	v7 =	vsub.f32 v7, v15  }
0x139: {  	v8 =	vsub.f32 v8, v16;
	v9 =	vsub.f32 v9, v17  }
0x13a: {  	v42 =	vadd.f32 v16, v15;
	v20 =	vadd.f32 $-1.258291200e+07, v4  }
0x13b: {  	v4 =	vadd.f32 $1.258291200e+07, v14;
	v10 =	vsub.f32 v10, v18  }
0x13c: {  	v12 =	vsub.f32 v12, v6;
	v13 =	vsub.f32 v13, v5;
	v19 =	vand.u32 $0x7FFFFFFF, v7  }
0x13d: {  	v21 =	vand.u32 $0x7FFFFFFF, v8;
	v22 =	vand.u32 $0x7FFFFFFF, v9;
	vm7 =	vlt.f32 v7, $0.0e+00  }
0x13e: {  	vm8 =	vlt.f32 v8, $0.0e+00;
	vm2 =	vlt.f32 v9, $0.0e+00;
	v43 =	vadd.f32 v18, v17  }
0x13f: {  	v39 =	vmax.f32 v19, v21;
	v49 =	vmin.f32 v19, v21;
	v53 =	vadd.f32 v21, v19  }
0x140: {  	v4 =	vadd.f32 $-1.258291200e+07, v4;
	v11 =	vsub.f32 v11, v20;
	v23 =	vand.u32 $0x7FFFFFFF, v10  }
0x141: {  	v25 =	vand.u32 $0x7FFFFFFF, v12;
	v26 =	vand.u32 $0x7FFFFFFF, v13;
	vm6 =	vlt.f32 v10, $0.0e+00  }
0x142: {  	vm5 =	vlt.f32 v12, $0.0e+00;
	vm3 =	vlt.f32 v13, $0.0e+00;
	v45 =	vadd.f32 v6, v20  }
0x143: {  	v47 =	vadd.f32 v43, v42;
	v40 =	vmax.f32 v22, v23;
	v50 =	vmin.f32 v22, v23  }
0x144: {  	v54 =	vadd.f32 v23, v22;
	v14 =	vsub.f32 v14, v4;
	v24 =	vand.u32 $0x7FFFFFFF, v11  }
0x145: {  	vm4 =	vlt.f32 v11, $0.0e+00;
	v28 =	vadd.f32 v4, v5;
	v7 =	vmax.f32 v39, v40  }
0x146: {  	v10 =	vmin.f32 v49, v50;
	v41 =	vmax.f32 v24, v25;
	v51 =	vmin.f32 v24, v25  }
0x147: {  	v55 =	vadd.f32 v25, v24;
	v9 =	vadd.f32 v54, v53;
	v27 =	vand.u32 $0x7FFFFFFF, v14  }
0x148: {  	vm9 =	vlt.f32 v14, $0.0e+00;
	v48 =	vadd.f32 v28, v45;
	v44 =	vmax.f32 v26, v27  }
0x149: {  	v52 =	vmin.f32 v26, v27;
	vm0 =	vmxor vm3, vm9;
	v56 =	vadd.f32 v27, v26  }
0x14a: {  	v46 =	vmax.f32 v41, v44;
	v8 =	vadd.f32 v48, v47;
	vm0 =	vmxor vm5, vm0  }
0x14b: {  	v12 =	vmin.f32 v51, v52;
	v7 =	vmax.f32 v7, v46;
	vm0 =	vmxor vm4, vm0  }
0x14c: {  	v57 =	vadd.f32 v56, v55;
	v8 =	vadd.f32 $1.258291200e+07, v8;
	vm0 =	vmxor vm6, vm0  }
0x14d: {  	v10 =	vmin.f32 v10, v12;
	v58 =	vadd.f32 v7, v7;
	vm1 =	vmxor vm2, vm0  }
0x14e: {  	v9 =	vadd.f32 v57, v9;
	v8 =	vand.u32 $0x1, v8;
	vm1 =	vmxor vm8, vm1  }
0x14f: {  	v59 =	vadd.f32 v10, v10;
	vm0 =	veq.s32 v8, $0x1;
	vm1 =	vmxor vm7, vm1  }
0x150: {  	v9 =	vsub.f32 $2.000000000e+00, v9;
	vm1 =	vmxor vm1, vm0  }
0x151: {  	v60 =	vsel vm7, $0xBF800000, v1;
	v8 =	vsub.f32 $1.000000000e+00, v58;
	v11 =	vnsel vm1, $0x0, v59  }
0x152: {  	v61 =	vsel vm8, $0xBF800000, v1;
	v62 =	vsel vm2, $0xBF800000, v1;
	v9 =	vadd.f32 v11, v9  }
0x153: {  	v63 =	vsel vm6, $0xBF800000, v1;
	v33 =	vsel vm5, $0xBF800000, v1;
	v8 =	vnsel vm0, $0x0, v8  }
0x154: {  	v34 =	vsel vm3, $0xBF800000, v1;
	v32 =	vsel vm4, $0xBF800000, v1;
	vm12 =	vlt.f32 v9, v8  }
0x155: {  	v45 =	vor.u32 s2, v3;
	v35 =	vsel vm9, $0xBF800000, v1;
	v7 =	vsel vm12, v10, v7  }
0x156: {  	v44 =	vmov s2;
	v42 =	vsel vm12, $0x3F000000, v0;
	vm13 =	veq.f32 v27, v7  }
0x157: {  	vm14 =	veq.f32 v26, v7;
	vm15 =	veq.f32 v25, v7;
	vm6 =	veq.f32 v24, v7  }
0x158: {  	vm7 =	veq.f32 v23, v7;
	vm8 =	veq.f32 v22, v7;
	v43 =	vmul.f32 v42, v60  }
0x159: {  	vm9 =	veq.f32 v21, v7;
	v12 =	vmul.f32 v42, v61;
	v13 =	vmul.f32 v42, v62  }
0x15a: {  	vm10 =	veq.f32 v19, v7;
	v14 =	vmul.f32 v42, v63;
	v8 =	vmul.f32 v42, v32  }
0x15b: {  	v9 =	vmul.f32 v42, v33;
	v10 =	vmul.f32 v42, v34;
	v27 =	vsel vm13, $0x380, v2  }
0x15c: {  	v47 =	vmul.f32 v42, v35;
	v29 =	vnsel vm13, $0x0, v35;
	v26 =	vsel vm14, $0x300, v27  }
0x15d: {  	v36 =	vsel vm14, v34, v29;
	v7 =	vadd.f32 v43, v15;
	v12 =	vadd.f32 v12, v16  }
0x15e: {  	v13 =	vadd.f32 v13, v17;
	v14 =	vadd.f32 v14, v18;
	v25 =	vsel vm15, $0x280, v26  }
0x15f: {  	v15 =	vshll.u32 v44, $0x3;
	v37 =	vsel vm15, v33, v36;
	v24 =	vsel vm6, $0x200, v25  }
0x160: {  	v8 =	vadd.f32 v8, v20;
	v38 =	vsel vm6, v32, v37;
	v23 =	vsel vm7, $0x180, v24  }
0x161: {  	v46 =	vand.u32 $0x3C00, v15;
	[tilespmem:s26+$0xC000] =	vst v7;
	v39 =	vsel vm7, v63, v38;
	v22 =	vsel vm8, $0x100, v23  }
0x162: {  	[tilespmem:s26+$0xC080] =	vst v12;
	v7 =	vand.u32 $0x4F, v45;
	v40 =	vsel vm8, v62, v39;
	v21 =	vsel vm9, $0x80, v22  }
0x163: {  	[tilespmem:s26+$0xC100] =	vst v13;
	v7 =	vor.u32 v46, v7;
	v41 =	vsel vm9, v61, v40;
	v19 =	vsel vm10, $0x0, v21  }
0x164: {  	v6 =	vadd.f32 v9, v6;
	[tilespmem:s26+$0xC180] =	vst v14;
	v11 =	vsel vm10, v60, v41;
	v7 =	vadd.s32 v19, v7  }
0x165: {  	vm11 =	vmneg vm12;
	v5 =	vadd.f32 v10, v5;
	[tilespmem:s0+$0xC000] =	vst v8;
	v48 =	vsub.f32 $0.0e+00, v11  }
0x166: {  	vm1 =	vmand vm12, vm1;
	vm0 =	vmand vm11, vm0;
	v4 =	vadd.f32 v47, v4;
	[tilespmem:s29+$0xC000] =	vst v6  }
0x167: {  	s2 =	sadd.s32 $0xFFFFFFE0, s21;
	vm0 =	vmor vm1, vm0;
	[tilespmem:s28+$0xC000] =	vst v5;
	v49 =	vsel vm12, v48, v11  }
0x168: {  	s29 =	sand.u32 $0x7, s22;
	s28 =	sand.u32 $0x50, s2;
	[tilespmem:s25+$0xC000] =	vst v4;
	v5 =	vnsel vm0, $0x0, v49  }
0x169: {  	s30 =	sshll.u32 s29, $0x4;
	s28 =	sor.u32 s24, s28;
	[tilespmem:v7+s15+$0x0] =	vst.idx.add.f32.msk $0xffff, v5  }
0x16a: {  	s25 =	sadd.s32 s23, s30;
	v7 =	vld [tilespmem:s28+$0x4000]  }
0x16b: {  	s26 =	sadd.s32 $0x10, s25;
	v8 =	vld [tilespmem:s28+$0x4080]  }
0x16c: {  	s31 =	sor.u32 $0x300, s26;
	v50 =	vld [tilespmem:s28+$0x4100]  }
0x16d: {  	v13 =	vld [tilespmem:s31+$0x4000]  }
0x16e: {  	s30 =	sor.u32 $0x280, s26;
	v51 =	vld [tilespmem:s28+$0x4180]  }
0x16f: {  	v53 =	vld [tilespmem:s30+$0x4000]  }
0x170: {  	s0 =	sor.u32 $0x200, s26  }
0x171: {  	v52 =	vld [tilespmem:s0+$0x4000];
	v4 =	vadd.f32 $1.258291200e+07, v7;
	v5 =	vadd.f32 $1.258291200e+07, v8  }
0x172: {  	v54 =	vadd.f32 $1.258291200e+07, v50;
	v55 =	vadd.f32 $1.258291200e+07, v13  }
0x173: {  	v15 =	vadd.f32 $-1.258291200e+07, v4;
	v4 =	vadd.f32 $1.258291200e+07, v51  }
0x174: {  	s26 =	sor.u32 $0x380, s26;
	v16 =	vadd.f32 $-1.258291200e+07, v5;
	v5 =	vadd.f32 $1.258291200e+07, v53  }
0x175: {  	v14 =	vld [tilespmem:s26+$0x4000];
	v17 =	vadd.f32 $-1.258291200e+07, v54;
	v18 =	vadd.f32 $-1.258291200e+07, v4  }
0x176: {  	v4 =	vadd.f32 $1.258291200e+07, v52;
	v6 =	vadd.f32 $-1.258291200e+07, v5  }
0x177: {  	v5 =	vadd.f32 $-1.258291200e+07, v55;
	v7 =	vsub.f32 v7, v15  }
0x178: {  	v8 =	vsub.f32 v8, v16;
	v9 =	vsub.f32 v50, v17  }
0x179: {  	v60 =	vadd.f32 v16, v15;
	v20 =	vadd.f32 $-1.258291200e+07, v4  }
0x17a: {  	v4 =	vadd.f32 $1.258291200e+07, v14;
	v10 =	vsub.f32 v51, v18  }
0x17b: {  	v12 =	vsub.f32 v53, v6;
	v13 =	vsub.f32 v13, v5;
	v19 =	vand.u32 $0x7FFFFFFF, v7  }
0x17c: {  	v21 =	vand.u32 $0x7FFFFFFF, v8;
	v22 =	vand.u32 $0x7FFFFFFF, v9;
	vm7 =	vlt.f32 v7, $0.0e+00  }
0x17d: {  	vm8 =	vlt.f32 v8, $0.0e+00;
	vm2 =	vlt.f32 v9, $0.0e+00;
	v61 =	vadd.f32 v18, v17  }
0x17e: {  	v57 =	vmax.f32 v19, v21;
	v36 =	vmin.f32 v19, v21;
	v40 =	vadd.f32 v21, v19  }
0x17f: {  	v4 =	vadd.f32 $-1.258291200e+07, v4;
	v11 =	vsub.f32 v52, v20;
	v23 =	vand.u32 $0x7FFFFFFF, v10  }
0x180: {  	v25 =	vand.u32 $0x7FFFFFFF, v12;
	v26 =	vand.u32 $0x7FFFFFFF, v13;
	vm12 =	vlt.f32 v10, $0.0e+00  }
0x181: {  	vm13 =	vlt.f32 v12, $0.0e+00;
	vm14 =	vlt.f32 v13, $0.0e+00;
	v63 =	vadd.f32 v6, v20  }
0x182: {  	v34 =	vadd.f32 v61, v60;
	v58 =	vmax.f32 v22, v23;
	v37 =	vmin.f32 v22, v23  }
0x183: {  	v41 =	vadd.f32 v23, v22;
	v14 =	vsub.f32 v14, v4;
	v24 =	vand.u32 $0x7FFFFFFF, v11  }
0x184: {  	vm4 =	vlt.f32 v11, $0.0e+00;
	v32 =	vadd.f32 v4, v5;
	v7 =	vmax.f32 v57, v58  }
0x185: {  	v10 =	vmin.f32 v36, v37;
	v59 =	vmax.f32 v24, v25;
	v38 =	vmin.f32 v24, v25  }
0x186: {  	v42 =	vadd.f32 v25, v24;
	v9 =	vadd.f32 v41, v40;
	v56 =	vand.u32 $0x7FFFFFFF, v14  }
0x187: {  	vm15 =	vlt.f32 v14, $0.0e+00;
	v35 =	vadd.f32 v32, v63;
	v62 =	vmax.f32 v26, v56  }
0x188: {  	v39 =	vmin.f32 v26, v56;
	vm10 =	vmxor vm14, vm15;
	v43 =	vadd.f32 v56, v26  }
0x189: {  	v33 =	vmax.f32 v59, v62;
	v8 =	vadd.f32 v35, v34;
	vm0 =	vmxor vm13, vm10  }
0x18a: {  	v12 =	vmin.f32 v38, v39;
	v7 =	vmax.f32 v7, v33;
	vm0 =	vmxor vm4, vm0  }
0x18b: {  	v44 =	vadd.f32 v43, v42;
	v8 =	vadd.f32 $1.258291200e+07, v8;
	vm0 =	vmxor vm12, vm0  }
0x18c: {  	v10 =	vmin.f32 v10, v12;
	v45 =	vadd.f32 v7, v7;
	vm11 =	vmxor vm2, vm0  }
0x18d: {  	v9 =	vadd.f32 v44, v9;
	v8 =	vand.u32 $0x1, v8;
	vm1 =	vmxor vm8, vm11  }
0x18e: {  	v46 =	vadd.f32 v10, v10;
	vm0 =	veq.s32 v8, $0x1;
	vm1 =	vmxor vm7, vm1  }
0x18f: {  	v9 =	vsub.f32 $2.000000000e+00, v9;
	vm1 =	vmxor vm1, vm0  }
0x190: {  	v47 =	vsel vm7, $0xBF800000, v1;
	v8 =	vsub.f32 $1.000000000e+00, v45;
	v11 =	vnsel vm1, $0x0, v46  }
0x191: {  	v48 =	vsel vm8, $0xBF800000, v1;
	v49 =	vsel vm2, $0xBF800000, v1;
	v9 =	vadd.f32 v11, v9  }
0x192: {  	v50 =	vsel vm12, $0xBF800000, v1;
	v52 =	vsel vm13, $0xBF800000, v1;
	v8 =	vnsel vm0, $0x0, v8  }
0x193: {  	v53 =	vsel vm14, $0xBF800000, v1;
	v51 =	vsel vm4, $0xBF800000, v1;
	vm12 =	vlt.f32 v9, v8  }
0x194: {  	v54 =	vsel vm15, $0xBF800000, v1;
	v7 =	vsel vm12, v10, v7;
	v62 =	vsel vm12, $0x3F000000, v0  }
0x195: {  	vm13 =	veq.f32 v56, v7;
	vm14 =	veq.f32 v26, v7;
	vm15 =	veq.f32 v25, v7  }
0x196: {  	vm6 =	veq.f32 v24, v7;
	vm7 =	veq.f32 v23, v7;
	vm8 =	veq.f32 v22, v7  }
0x197: {  	vm9 =	veq.f32 v21, v7;
	v63 =	vmul.f32 v62, v47;
	v12 =	vmul.f32 v62, v48  }
0x198: {  	vm10 =	veq.f32 v19, v7;
	v13 =	vmul.f32 v62, v49;
	v14 =	vmul.f32 v62, v50  }
0x199: {  	v8 =	vmul.f32 v62, v51;
	v9 =	vmul.f32 v62, v52;
	v27 =	vsel vm13, $0x380, v2  }
0x19a: {  	v10 =	vmul.f32 v62, v53;
	v55 =	vnsel vm13, $0x0, v54;
	v26 =	vsel vm14, $0x300, v27  }
0x19b: {  	v56 =	vsel vm14, v53, v55;
	v7 =	vadd.f32 v63, v15;
	v25 =	vsel vm15, $0x280, v26  }
0x19c: {  	v12 =	vadd.f32 v12, v16;
	v13 =	vadd.f32 v13, v17;
	v24 =	vsel vm6, $0x200, v25  }
0x19d: {  	v14 =	vadd.f32 v14, v18;
	v18 =	vmov s2;
	v23 =	vsel vm7, $0x180, v24  }
0x19e: {  	v8 =	vadd.f32 v8, v20;
	v57 =	vsel vm15, v52, v56;
	v22 =	vsel vm8, $0x100, v23  }
0x19f: {  	v15 =	vshll.u32 v18, $0x3;
	v58 =	vsel vm6, v51, v57;
	v21 =	vsel vm9, $0x80, v22  }
0x1a0: {  	[tilespmem:s28+$0xC000] =	vst v7;
	v59 =	vsel vm7, v50, v58;
	v19 =	vsel vm10, $0x0, v21;
	v21 =	vor.u32 s2, v3  }
0x1a1: {  	[tilespmem:s28+$0xC080] =	vst v12;
	v60 =	vsel vm8, v49, v59;
	v22 =	vand.u32 $0x3C00, v15;
	v7 =	vand.u32 $0x5F, v21  }
0x1a2: {  	v6 =	vadd.f32 v9, v6;
	[tilespmem:s28+$0xC100] =	vst v13;
	v61 =	vsel vm9, v48, v60;
	v7 =	vor.u32 v22, v7  }
0x1a3: {  	[tilespmem:s28+$0xC180] =	vst v14;
	v23 =	vmul.f32 v62, v54;
	v11 =	vsel vm10, v47, v61;
	v7 =	vadd.s32 v19, v7  }
0x1a4: {  	vm11 =	vmneg vm12;
	v5 =	vadd.f32 v10, v5;
	[tilespmem:s0+$0xC000] =	vst v8;
	v24 =	vsub.f32 $0.0e+00, v11  }
0x1a5: {  	vm1 =	vmand vm12, vm1;
	vm0 =	vmand vm11, vm0;
	[tilespmem:s30+$0xC000] =	vst v6;
	v4 =	vadd.f32 v23, v4  }
0x1a6: {  	vm0 =	vmor vm1, vm0;
	[tilespmem:s31+$0xC000] =	vst v5;
	s2 =	sadd.s32 $0xFFFFFFF0, s21;
	v25 =	vsel vm12, v24, v11  }
0x1a7: {  	s29 =	sand.u32 $0x3, s20;
	[tilespmem:s26+$0xC000] =	vst v4;
	s26 =	sand.u32 $0x60, s2;
	v5 =	vnsel vm0, $0x0, v25  }
0x1a8: {  	s30 =	sshll.u32 s29, $0x5;
	s26 =	sor.u32 s24, s26;
	[tilespmem:v7+s15+$0x0] =	vst.idx.add.f32.msk $0xffff, v5  }
0x1a9: {  	s0 =	sadd.s32 s23, s30;
	v7 =	vld [tilespmem:s26+$0x4000]  }
0x1aa: {  	s29 =	sadd.s32 $0x20, s0;
	v8 =	vld [tilespmem:s26+$0x4080]  }
0x1ab: {  	s31 =	sor.u32 $0x300, s29;
	v26 =	vld [tilespmem:s26+$0x4100]  }
0x1ac: {  	v13 =	vld [tilespmem:s31+$0x4000]  }
0x1ad: {  	s30 =	sor.u32 $0x280, s29;
	v27 =	vld [tilespmem:s26+$0x4180]  }
0x1ae: {  	v29 =	vld [tilespmem:s30+$0x4000]  }
0x1af: {  	s0 =	sor.u32 $0x200, s29  }
0x1b0: {  	v28 =	vld [tilespmem:s0+$0x4000];
	v4 =	vadd.f32 $1.258291200e+07, v7;
	v5 =	vadd.f32 $1.258291200e+07, v8  }
0x1b1: {  	v30 =	vadd.f32 $1.258291200e+07, v26;
	v31 =	vadd.f32 $1.258291200e+07, v13  }
0x1b2: {  	v15 =	vadd.f32 $-1.258291200e+07, v4;
	v4 =	vadd.f32 $1.258291200e+07, v27  }
0x1b3: {  	s29 =	sor.u32 $0x380, s29;
	v16 =	vadd.f32 $-1.258291200e+07, v5;
	v5 =	vadd.f32 $1.258291200e+07, v29  }
0x1b4: {  	v14 =	vld [tilespmem:s29+$0x4000];
	v17 =	vadd.f32 $-1.258291200e+07, v30;
	v18 =	vadd.f32 $-1.258291200e+07, v4  }
0x1b5: {  	v4 =	vadd.f32 $1.258291200e+07, v28;
	v6 =	vadd.f32 $-1.258291200e+07, v5  }
0x1b6: {  	v5 =	vadd.f32 $-1.258291200e+07, v31;
	v7 =	vsub.f32 v7, v15  }
0x1b7: {  	v8 =	vsub.f32 v8, v16;
	v9 =	vsub.f32 v26, v17  }
0x1b8: {  	v36 =	vadd.f32 v16, v15;
	v20 =	vadd.f32 $-1.258291200e+07, v4  }
0x1b9: {  	v4 =	vadd.f32 $1.258291200e+07, v14;
	v10 =	vsub.f32 v27, v18  }
0x1ba: {  	v12 =	vsub.f32 v29, v6;
	v13 =	vsub.f32 v13, v5;
	v19 =	vand.u32 $0x7FFFFFFF, v7  }
0x1bb: {  	v21 =	vand.u32 $0x7FFFFFFF, v8;
	v22 =	vand.u32 $0x7FFFFFFF, v9;
	vm7 =	vlt.f32 v7, $0.0e+00  }
0x1bc: {  	vm8 =	vlt.f32 v8, $0.0e+00;
	vm2 =	vlt.f32 v9, $0.0e+00;
	v37 =	vadd.f32 v18, v17  }
0x1bd: {  	v33 =	vmax.f32 v19, v21;
	v44 =	vmin.f32 v19, v21;
	v48 =	vadd.f32 v21, v19  }
0x1be: {  	v4 =	vadd.f32 $-1.258291200e+07, v4;
	v11 =	vsub.f32 v28, v20;
	v23 =	vand.u32 $0x7FFFFFFF, v10  }
0x1bf: {  	v25 =	vand.u32 $0x7FFFFFFF, v12;
	v26 =	vand.u32 $0x7FFFFFFF, v13;
	vm12 =	vlt.f32 v10, $0.0e+00  }
0x1c0: {  	vm13 =	vlt.f32 v12, $0.0e+00;
	vm14 =	vlt.f32 v13, $0.0e+00;
	v39 =	vadd.f32 v6, v20  }
0x1c1: {  	v42 =	vadd.f32 v37, v36;
	v34 =	vmax.f32 v22, v23;
	v45 =	vmin.f32 v22, v23  }
0x1c2: {  	v49 =	vadd.f32 v23, v22;
	v14 =	vsub.f32 v14, v4;
	v24 =	vand.u32 $0x7FFFFFFF, v11  }
0x1c3: {  	vm4 =	vlt.f32 v11, $0.0e+00;
	v40 =	vadd.f32 v4, v5;
	v7 =	vmax.f32 v33, v34  }
0x1c4: {  	v10 =	vmin.f32 v44, v45;
	v35 =	vmax.f32 v24, v25;
	v46 =	vmin.f32 v24, v25  }
0x1c5: {  	v50 =	vadd.f32 v25, v24;
	v9 =	vadd.f32 v49, v48;
	v32 =	vand.u32 $0x7FFFFFFF, v14  }
0x1c6: {  	vm15 =	vlt.f32 v14, $0.0e+00;
	v43 =	vadd.f32 v40, v39;
	v38 =	vmax.f32 v26, v32  }
0x1c7: {  	v47 =	vmin.f32 v26, v32;
	vm10 =	vmxor vm14, vm15;
	v51 =	vadd.f32 v32, v26  }
0x1c8: {  	v41 =	vmax.f32 v35, v38;
	v8 =	vadd.f32 v43, v42;
	vm0 =	vmxor vm13, vm10  }
0x1c9: {  	v12 =	vmin.f32 v46, v47;
	v7 =	vmax.f32 v7, v41;
	vm0 =	vmxor vm4, vm0  }
0x1ca: {  	v52 =	vadd.f32 v51, v50;
	v8 =	vadd.f32 $1.258291200e+07, v8;
	vm0 =	vmxor vm12, vm0  }
0x1cb: {  	v10 =	vmin.f32 v10, v12;
	v53 =	vadd.f32 v7, v7;
	vm11 =	vmxor vm2, vm0  }
0x1cc: {  	v9 =	vadd.f32 v52, v9;
	v8 =	vand.u32 $0x1, v8;
	vm1 =	vmxor vm8, vm11  }
0x1cd: {  	v54 =	vadd.f32 v10, v10;
	vm0 =	veq.s32 v8, $0x1;
	vm1 =	vmxor vm7, vm1  }
0x1ce: {  	v9 =	vsub.f32 $2.000000000e+00, v9;
	vm1 =	vmxor vm1, vm0  }
0x1cf: {  	v55 =	vsel vm7, $0xBF800000, v1;
	v8 =	vsub.f32 $1.000000000e+00, v53;
	v11 =	vnsel vm1, $0x0, v54  }
0x1d0: {  	v56 =	vsel vm8, $0xBF800000, v1;
	v57 =	vsel vm2, $0xBF800000, v1;
	v9 =	vadd.f32 v11, v9  }
0x1d1: {  	v58 =	vsel vm12, $0xBF800000, v1;
	v60 =	vsel vm13, $0xBF800000, v1;
	v8 =	vnsel vm0, $0x0, v8  }
0x1d2: {  	v61 =	vsel vm14, $0xBF800000, v1;
	v59 =	vsel vm4, $0xBF800000, v1;
	vm12 =	vlt.f32 v9, v8  }
0x1d3: {  	v39 =	vmov s2;
	v40 =	vor.u32 s2, v3;
	v7 =	vsel vm12, v10, v7  }
0x1d4: {  	v62 =	vsel vm15, $0xBF800000, v1;
	v37 =	vsel vm12, $0x3F000000, v0;
	vm13 =	veq.f32 v32, v7  }
0x1d5: {  	vm14 =	veq.f32 v26, v7;
	vm15 =	veq.f32 v25, v7;
	vm6 =	veq.f32 v24, v7  }
0x1d6: {  	vm7 =	veq.f32 v23, v7;
	vm8 =	veq.f32 v22, v7;
	v38 =	vmul.f32 v37, v55  }
0x1d7: {  	vm9 =	veq.f32 v21, v7;
	v12 =	vmul.f32 v37, v56;
	v13 =	vmul.f32 v37, v57  }
0x1d8: {  	vm10 =	veq.f32 v19, v7;
	v14 =	vmul.f32 v37, v58;
	v8 =	vmul.f32 v37, v59  }
0x1d9: {  	v9 =	vmul.f32 v37, v60;
	v10 =	vmul.f32 v37, v61;
	v27 =	vsel vm13, $0x380, v2  }
0x1da: {  	v42 =	vmul.f32 v37, v62;
	v63 =	vnsel vm13, $0x0, v62;
	v26 =	vsel vm14, $0x300, v27  }
0x1db: {  	v31 =	vsel vm14, v61, v63;
	v7 =	vadd.f32 v38, v15;
	v12 =	vadd.f32 v12, v16  }
0x1dc: {  	v13 =	vadd.f32 v13, v17;
	v14 =	vadd.f32 v14, v18;
	v25 =	vsel vm15, $0x280, v26  }
0x1dd: {  	v15 =	vshll.u32 v39, $0x3;
	v32 =	vsel vm15, v60, v31;
	v24 =	vsel vm6, $0x200, v25  }
0x1de: {  	v8 =	vadd.f32 v8, v20;
	v33 =	vsel vm6, v59, v32;
	v23 =	vsel vm7, $0x180, v24  }
0x1df: {  	v41 =	vand.u32 $0x3C00, v15;
	[tilespmem:s26+$0xC000] =	vst v7;
	v34 =	vsel vm7, v58, v33;
	v22 =	vsel vm8, $0x100, v23  }
0x1e0: {  	[tilespmem:s26+$0xC080] =	vst v12;
	v7 =	vand.u32 $0x6F, v40;
	v35 =	vsel vm8, v57, v34;
	v21 =	vsel vm9, $0x80, v22  }
0x1e1: {  	[tilespmem:s26+$0xC100] =	vst v13;
	v7 =	vor.u32 v41, v7;
	v36 =	vsel vm9, v56, v35;
	v19 =	vsel vm10, $0x0, v21  }
0x1e2: {  	v6 =	vadd.f32 v9, v6;
	[tilespmem:s26+$0xC180] =	vst v14;
	v11 =	vsel vm10, v55, v36;
	v7 =	vadd.s32 v19, v7  }
0x1e3: {  	vm11 =	vmneg vm12;
	v5 =	vadd.f32 v10, v5;
	[tilespmem:s0+$0xC000] =	vst v8;
	v43 =	vsub.f32 $0.0e+00, v11  }
0x1e4: {  	vm1 =	vmand vm12, vm1;
	vm0 =	vmand vm11, vm0;
	v4 =	vadd.f32 v42, v4;
	[tilespmem:s30+$0xC000] =	vst v6  }
0x1e5: {  	vm0 =	vmor vm1, vm0;
	[tilespmem:s31+$0xC000] =	vst v5;
	v44 =	vsel vm12, v43, v11  }
0x1e6: {  	s2 =	sand.u32 $0x70, s21;
	[tilespmem:s29+$0xC000] =	vst v4;
	v5 =	vnsel vm0, $0x0, v44  }
0x1e7: {  	s24 =	sor.u32 s24, s2;
	[tilespmem:v7+s15+$0x0] =	vst.idx.add.f32.msk $0xffff, v5  }
0x1e8: {  	v7 =	vld [tilespmem:s24+$0x4000]  }
0x1e9: {  	s26 =	sadd.s32 $0x30, s25;
	v8 =	vld [tilespmem:s24+$0x4080]  }
0x1ea: {  	s31 =	sor.u32 $0x300, s26;
	v45 =	vld [tilespmem:s24+$0x4100]  }
0x1eb: {  	v13 =	vld [tilespmem:s31+$0x4000]  }
0x1ec: {  	s30 =	sor.u32 $0x280, s26;
	v46 =	vld [tilespmem:s24+$0x4180]  }
0x1ed: {  	v48 =	vld [tilespmem:s30+$0x4000]  }
0x1ee: {  	s29 =	sor.u32 $0x200, s26  }
0x1ef: {  	v47 =	vld [tilespmem:s29+$0x4000];
	v4 =	vadd.f32 $1.258291200e+07, v7;
	v5 =	vadd.f32 $1.258291200e+07, v8  }
0x1f0: {  	v49 =	vadd.f32 $1.258291200e+07, v45;
	v50 =	vadd.f32 $1.258291200e+07, v13  }
0x1f1: {  	v15 =	vadd.f32 $-1.258291200e+07, v4;
	v4 =	vadd.f32 $1.258291200e+07, v46  }
0x1f2: {  	s25 =	sor.u32 $0x380, s26;
	v16 =	vadd.f32 $-1.258291200e+07, v5;
	v5 =	vadd.f32 $1.258291200e+07, v48  }
0x1f3: {  	v14 =	vld [tilespmem:s25+$0x4000];
	v17 =	vadd.f32 $-1.258291200e+07, v49;
	v18 =	vadd.f32 $-1.258291200e+07, v4  }
0x1f4: {  	v4 =	vadd.f32 $1.258291200e+07, v47;
	v6 =	vadd.f32 $-1.258291200e+07, v5  }
0x1f5: {  	v5 =	vadd.f32 $-1.258291200e+07, v50;
	v7 =	vsub.f32 v7, v15  }
0x1f6: {  	v8 =	vsub.f32 v8, v16;
	v9 =	vsub.f32 v45, v17  }
0x1f7: {  	v57 =	vadd.f32 v16, v15;
	v20 =	vadd.f32 $-1.258291200e+07, v4  }
0x1f8: {  	v4 =	vadd.f32 $1.258291200e+07, v14;
	v10 =	vsub.f32 v46, v18  }
0x1f9: {  	v12 =	vsub.f32 v48, v6;
	v13 =	vsub.f32 v13, v5;
	v19 =	vand.u32 $0x7FFFFFFF, v7  }
0x1fa: {  	v21 =	vand.u32 $0x7FFFFFFF, v8;
	v22 =	vand.u32 $0x7FFFFFFF, v9;
	vm7 =	vlt.f32 v7, $0.0e+00  }
0x1fb: {  	vm8 =	vlt.f32 v8, $0.0e+00;
	vm2 =	vlt.f32 v9, $0.0e+00;
	v58 =	vadd.f32 v18, v17  }
0x1fc: {  	v54 =	vmax.f32 v19, v21;
	v30 =	vmin.f32 v19, v21;
	v34 =	vadd.f32 v21, v19  }
0x1fd: {  	v4 =	vadd.f32 $-1.258291200e+07, v4;
	v11 =	vsub.f32 v47, v20;
	v23 =	vand.u32 $0x7FFFFFFF, v10  }
0x1fe: {  	v51 =	vand.u32 $0x7FFFFFFF, v12;
	v52 =	vand.u32 $0x7FFFFFFF, v13;
	vm6 =	vlt.f32 v10, $0.0e+00  }
0x1ff: {  	vm5 =	vlt.f32 v12, $0.0e+00;
	vm12 =	vlt.f32 v13, $0.0e+00;
	v60 =	vadd.f32 v6, v20  }
0x200: {  	v63 =	vadd.f32 v58, v57;
	v55 =	vmax.f32 v22, v23;
	v31 =	vmin.f32 v22, v23  }
0x201: {  	v35 =	vadd.f32 v23, v22;
	v14 =	vsub.f32 v14, v4;
	v24 =	vand.u32 $0x7FFFFFFF, v11  }
0x202: {  	vm4 =	vlt.f32 v11, $0.0e+00;
	v61 =	vadd.f32 v4, v5;
	v7 =	vmax.f32 v54, v55  }
0x203: {  	v10 =	vmin.f32 v30, v31;
	v56 =	vmax.f32 v24, v51;
	v32 =	vmin.f32 v24, v51  }
0x204: {  	v36 =	vadd.f32 v51, v24;
	v9 =	vadd.f32 v35, v34;
	v53 =	vand.u32 $0x7FFFFFFF, v14  }
0x205: {  	vm13 =	vlt.f32 v14, $0.0e+00;
	v29 =	vadd.f32 v61, v60;
	v59 =	vmax.f32 v52, v53  }
0x206: {  	v33 =	vmin.f32 v52, v53;
	vm14 =	vmxor vm12, vm13;
	v37 =	vadd.f32 v53, v52  }
0x207: {  	v62 =	vmax.f32 v56, v59;
	v8 =	vadd.f32 v29, v63;
	vm0 =	vmxor vm5, vm14  }
0x208: {  	v12 =	vmin.f32 v32, v33;
	v7 =	vmax.f32 v7, v62;
	vm0 =	vmxor vm4, vm0  }
0x209: {  	v38 =	vadd.f32 v37, v36;
	v8 =	vadd.f32 $1.258291200e+07, v8;
	vm0 =	vmxor vm6, vm0  }
0x20a: {  	v10 =	vmin.f32 v10, v12;
	v39 =	vadd.f32 v7, v7;
	vm15 =	vmxor vm2, vm0  }
0x20b: {  	v9 =	vadd.f32 v38, v9;
	v8 =	vand.u32 $0x1, v8;
	vm1 =	vmxor vm8, vm15  }
0x20c: {  	v40 =	vadd.f32 v10, v10;
	vm0 =	veq.s32 v8, $0x1;
	vm1 =	vmxor vm7, vm1  }
0x20d: {  	v9 =	vsub.f32 $2.000000000e+00, v9;
	vm1 =	vmxor vm1, vm0  }
0x20e: {  	v41 =	vsel vm7, $0xBF800000, v1;
	v8 =	vsub.f32 $1.000000000e+00, v39;
	v11 =	vnsel vm1, $0x0, v40  }
0x20f: {  	v42 =	vsel vm8, $0xBF800000, v1;
	v43 =	vsel vm2, $0xBF800000, v1;
	v9 =	vadd.f32 v11, v9  }
0x210: {  	v58 =	vmov s21;
	v44 =	vsel vm6, $0xBF800000, v1;
	v8 =	vnsel vm0, $0x0, v8  }
0x211: {  	v46 =	vsel vm5, $0xBF800000, v1;
	v47 =	vsel vm12, $0xBF800000, v1;
	vm6 =	vlt.f32 v9, v8  }
0x212: {  	v45 =	vsel vm4, $0xBF800000, v1;
	v48 =	vsel vm13, $0xBF800000, v1;
	v7 =	vsel vm6, v10, v7  }
0x213: {  	v59 =	vor.u32 s21, v3;
	v56 =	vsel vm6, $0x3F000000, v0;
	vm7 =	veq.f32 v53, v7  }
0x214: {  	vm8 =	veq.f32 v52, v7;
	vm9 =	veq.f32 v51, v7;
	vm10 =	veq.f32 v24, v7  }
0x215: {  	vm11 =	veq.f32 v23, v7;
	vm12 =	veq.f32 v22, v7;
	v57 =	vmul.f32 v56, v41  }
0x216: {  	vm13 =	veq.f32 v21, v7;
	v12 =	vmul.f32 v56, v42;
	v13 =	vmul.f32 v56, v43  }
0x217: {  	vm14 =	veq.f32 v19, v7;
	v14 =	vmul.f32 v56, v44;
	v8 =	vmul.f32 v56, v45  }
0x218: {  	v9 =	vmul.f32 v56, v46;
	v10 =	vmul.f32 v56, v47;
	v27 =	vsel vm7, $0x380, v2  }
0x219: {  	v61 =	vmul.f32 v56, v48;
	v49 =	vnsel vm7, $0x0, v48;
	v26 =	vsel vm8, $0x300, v27  }
0x21a: {  	v50 =	vsel vm8, v47, v49;
	v7 =	vadd.f32 v57, v15;
	v12 =	vadd.f32 v12, v16  }
0x21b: {  	v13 =	vadd.f32 v13, v17;
	v14 =	vadd.f32 v14, v18;
	v25 =	vsel vm9, $0x280, v26  }
0x21c: {  	v15 =	vshll.u32 v58, $0x3;
	v51 =	vsel vm9, v46, v50;
	v24 =	vsel vm10, $0x200, v25  }
0x21d: {  	v8 =	vadd.f32 v8, v20;
	v52 =	vsel vm10, v45, v51;
	v23 =	vsel vm11, $0x180, v24  }
0x21e: {  	v60 =	vand.u32 $0x3C00, v15;
	[tilespmem:s24+$0xC000] =	vst v7;
	v53 =	vsel vm11, v44, v52;
	v22 =	vsel vm12, $0x100, v23  }
0x21f: {  	[tilespmem:s24+$0xC080] =	vst v12;
	v7 =	vand.u32 $0x7F, v59;
	v54 =	vsel vm12, v43, v53;
	v21 =	vsel vm13, $0x80, v22  }
0x220: {  	[tilespmem:s24+$0xC100] =	vst v13;
	v7 =	vor.u32 v60, v7;
	v55 =	vsel vm13, v42, v54;
	v19 =	vsel vm14, $0x0, v21  }
0x221: {  	p1 =	sne.s32 s23, $0x3E00;
	v6 =	vadd.f32 v9, v6;
	[tilespmem:s24+$0xC180] =	vst v14;
	v11 =	vsel vm14, v41, v55;
	v7 =	vadd.s32 v19, v7  }
.Ltmp4:
0x222: {  	vm15 =	vmneg vm6;
	v5 =	vadd.f32 v10, v5;
	[tilespmem:s29+$0xC000] =	vst v8;
	v62 =	vsub.f32 $0.0e+00, v11;
	(pc) =	sbr.rel @p1 .LBB2_9-.Ltmp4, $4  }
0x223: {  	vm1 =	vmand vm6, vm1;
	vm0 =	vmand vm15, vm0;
	v4 =	vadd.f32 v61, v4;
	[tilespmem:s30+$0xC000] =	vst v6  }
0x224: {  	vm0 =	vmor vm1, vm0;
	[tilespmem:s31+$0xC000] =	vst v5;
	v63 =	vsel vm6, v62, v11  }
0x225: {  	p0 =	por !p0, !p0;
	s22 =	sadd.s32 $0x4, s22;
	[tilespmem:s25+$0xC000] =	vst v4;
	v5 =	vnsel vm0, $0x0, v63  }
0x226: {  	s20 =	sadd.s32 $0x2, s20;
	s23 =	sadd.s32 $0x200, s23;
	s21 =	sadd.s32 $0x40, s21;
	[tilespmem:v7+s15+$0x0] =	vst.idx.add.f32.msk $0xffff, v5  }
0x227: {  	s18 =	sadd.s32 $0x1, s18  }
0x228: {  	p0 =	sne.s32 s18, $0x10  }
.Ltmp5:
0x229: {  	_ = 	snop;
	(pc) =	sbr.rel @p0 .LBB2_2-.Ltmp5, $3  }
0x22a: {  	_ =	sdelay $0x1  }
0x22b: {  	s0 =	sadd.s32 s3, s19  }
0x22c: {  	[hbm4b:s0+s4] =	stream.linear.scatter [tilespmem:s15], [sflag:$0x4], $0x4000, $0x38;
	[tilespmem:$0x10000] =	vst v63  }
0x22d: {  	s17 =	sadd.s32 $0x1, s17  }
0x22e: {  	_ =	swait.ge [sflag:s16], $0x4000;
	p0 =	sne.s32 s17, s9  }
.Ltmp6:
0x22f: {  	[sflag:s16] =	ssyncset.done $0x0;
	(pc) =	sbr.rel @p0 .LBB2_1-.Ltmp6, $4  }
0x230: {  	[sflag:s16] =	ssyncadd.s32 $0xFFFFC000  }
0x231: {  	_ =	swait.ge [sflag:s14], $0x4000  }
0x232: {  	[sflag:s14] =	ssyncset.done $0x0  }
0x233: {  	[sflag:s14] =	ssyncadd.s32 $0xFFFFC000  }
0x234: {  	_ =	sfence.sel $0x180000  }
0x235: {  	[bflag:$0x0] =	sbarrier.arrive $0xFFFF  }
0x236: {  	_ =	strace $0x90000047  }
0x237: {  	s0 =	stileid.u32;
	[bflag:$0x2] =	sbarrier.arrive $0xFFFF  }
0x238: {  	p0 =	sne.s32 s0, $0x0;
	s0 =	rddreg [dreg:$0x2]  }
0x239: {  	s0 =	sadd.s32 @!p0 $0x100000, s0  }
0x23a: {  	[sflag:s0] =	ssyncadd.tile.s32 @!p0 $0x1;
	_ =	shalt  }
.Lfunc_end2:
_tile_overlayer_lowered:
.L_overlay_start_2:
0x23b: {  	(tag) =	ssettag $0x2  }
0x23c: {  	s0 =	rddreg [dreg:$0x0];
	s2 =	stileid.u32  }
0x23d: {  	s1 =	rddreg [dreg:$0x1];
	p0 =	sne.s32 s2, $0x0  }
0x23e: {  	s3 =	rddreg [dreg:$0x2];
	[bflag:$0x3] =	sbarrier.arrive $0xFFFF;
	s2 =	simm.s32 @!p0 $0x1C05  }
0x23f: {  	[timem:s3], [sflag:s2] =	dma.local @!p0 [hbm:s0], s1  }
0x240: {  	s0 =	simm.s32 @!p0 $0x5  }
0x241: {  	_ =	swait.ge @!p0 [sflag:s0], s1  }
0x242: {  	s1 =	ssub.s32 @!p0 $0x0, s1;
	[sflag:s0] =	ssyncset.done @!p0 $0x0  }
0x243: {  	[sflag:s0] =	ssyncadd.s32 @!p0 s1  }
0x244: {  	[bflag:$0x3] =	sbarrier.arrive $0xFFFF  }
0x245: {  	_ =	shalt  }

</sc_bundles>
